<compile_context>
chip_gen: v7x
topology: tpu7x:2x2x1
jax: 0.10.2.dev20260603
libtpu: 0.0.44.dev20260713+nightly
codegen_flags: <defaults>
</compile_context>

<pallas_src>
import functools

import jax
import jax.numpy as jnp
from jax import lax
from jax.experimental import pallas as pl
from jax.experimental.pallas import tpu as pltpu
from jax.experimental.pallas import tpu_sc as plsc

_INFO = plsc.get_sparse_core_info()
_NC = _INFO.num_cores
_NS = _INFO.num_subcores
_NW = _NC * _NS

_B = 4096 * 50
_D = 64
_V = 100000
_B_PER_W = _B // _NW
_C = 400
_NCHUNK = _B_PER_W // _C
_NBUF = 4

_TOK_BLK = 128
_NB = 4096 // _TOK_BLK


def _make_gather():
    mesh = plsc.VectorSubcoreMesh(core_axis_name="c", subcore_axis_name="s")

    @functools.partial(
        pl.kernel,
        out_type=jax.ShapeDtypeStruct((_B, _D), jnp.float32),
        mesh=mesh,
        scratch_types=(
            [pltpu.VMEM((_B_PER_W,), jnp.int32)]
            + [pltpu.VMEM((_C, _D), jnp.float32) for _ in range(_NBUF)]
            + [pltpu.SemaphoreType.DMA for _ in range(2 * _NBUF)]
        ),
        compiler_params=pltpu.CompilerParams(use_tc_tiling_on_sc=False),
    )
    def gather_kernel(idx_hbm, tab, out, idx_v, *bufs_sems):
        rows = bufs_sems[:_NBUF]
        gsem = bufs_sems[_NBUF:2 * _NBUF]
        wsem = bufs_sems[2 * _NBUF:]
        wid = lax.axis_index("s") * _NC + lax.axis_index("c")
        base = wid * _B_PER_W
        pltpu.sync_copy(idx_hbm.at[pl.ds(base, _B_PER_W)], idx_v)

        gdesc = [None] * _NBUF
        wdesc = [None] * _NBUF
        for j in range(_NCHUNK):
            p = j % _NBUF
            if j >= _NBUF:
                wdesc[p].wait()
            gdesc[p] = pltpu.async_copy(
                tab.at[idx_v.at[pl.ds(j * _C, _C)]], rows[p], gsem[p])
            if j >= 1:
                q = (j - 1) % _NBUF
                gdesc[q].wait()
                wdesc[q] = pltpu.async_copy(
                    rows[q], out.at[pl.ds(base + (j - 1) * _C, _C)],
                    wsem[q])
        last = (_NCHUNK - 1) % _NBUF
        gdesc[last].wait()
        wdesc[last] = pltpu.async_copy(
            rows[last], out.at[pl.ds(base + (_NCHUNK - 1) * _C, _C)],
            wsem[last])
        for j in range(_NCHUNK - _NBUF + 1, _NCHUNK + 1):
            wdesc[j % _NBUF].wait()

    return gather_kernel


_GATHER = _make_gather()

_TAB_BLK = 4096


def _linearize_body(x_ref, o_ref):
    y = x_ref[...].T
    yp = jnp.pad(y, ((0, 0), (0, 64)))
    z = yp.reshape(_TAB_BLK // 2, 256)
    o_ref[...] = jnp.concatenate([z[:, 0:64], z[:, 128:192]], axis=1)


def _tc_linearize(tab_t):
    return pl.pallas_call(
        _linearize_body,
        grid=(pl.cdiv(_V, _TAB_BLK),),
        in_specs=[pl.BlockSpec((_D, _TAB_BLK), lambda j: (0, j))],
        out_specs=pl.BlockSpec((_TAB_BLK // 2, 128), lambda j: (j, 0)),
        out_shape=jax.ShapeDtypeStruct((_V * _D // 128, 128), jnp.float32),
    )(tab_t)


_ROWS_BLK = _TOK_BLK * 50 * _D // 128


def _repack_body(x_ref, o_ref):
    x = x_ref[...].reshape(_TOK_BLK, 50 * _D)
    o_ref[...] = x.T.reshape(1, 50, _D, _TOK_BLK)


def _repack_alias_body(x_ref, o_in_ref, o_ref):
    del o_in_ref
    _repack_body(x_ref, o_ref)


def _repack_first(glin):
    return pl.pallas_call(
        _repack_body,
        grid=(_NB,),
        in_specs=[pl.BlockSpec((_ROWS_BLK, 128), lambda j: (j, 0))],
        out_specs=pl.BlockSpec((1, 50, _D, _TOK_BLK),
                               lambda j: (0, 0, 0, j)),
        out_shape=jax.ShapeDtypeStruct((2, 50, _D, 4096), jnp.float32),
    )(glin)


def _repack_second(glin, partial):
    return pl.pallas_call(
        _repack_alias_body,
        grid=(_NB,),
        in_specs=[pl.BlockSpec((_ROWS_BLK, 128), lambda j: (j, 0)),
                  pl.BlockSpec(memory_space=pl.ANY)],
        out_specs=pl.BlockSpec((1, 50, _D, _TOK_BLK),
                               lambda j: (1, 0, 0, j)),
        out_shape=jax.ShapeDtypeStruct((2, 50, _D, 4096), jnp.float32),
        input_output_aliases={1: 0},
    )(glin, partial)


@jax.jit
def kernel(src_tokens, tgt_tokens, src_table, tgt_table):
    src_idx = jnp.minimum(src_tokens.astype(jnp.int32), 99999).reshape(-1)
    tgt_idx = jnp.minimum(tgt_tokens.astype(jnp.int32), 99999).reshape(-1)
    src_tab = _tc_linearize(src_table.T).reshape(_V, _D)
    tgt_tab = _tc_linearize(tgt_table.T).reshape(_V, _D)
    src_lin = _GATHER(src_idx, src_tab)
    tgt_lin = _GATHER(tgt_idx, tgt_tab)
    o = _repack_first(src_lin.reshape(_B * _D // 128, 128))
    o = _repack_second(tgt_lin.reshape(_B * _D // 128, 128), o)
    return jnp.transpose(o, (0, 3, 1, 2))

# --- scband reference (transcript-rebuilt; emitter-appended) ---
"""Pipeline reference for scband-model-embedding-41755672052095 (READ-ONLY COPY).

The authoritative reference and input builder live on the scoring server;
editing this copy changes nothing except your own understanding.
"""

import jax, jax.numpy as jnp
import numpy as np

SRC_VOCAB = 100000
TGT_VOCAB = 100000
EMBED = 64
SRC_PAD = 0
TGT_PAD = 0


def setup_inputs(seed: int = 0) -> dict:
    key = jax.random.key(seed)
    k1, k2, k3, k4 = jax.random.split(key, 4)
    src_tokens = jax.random.randint(k1, (4096, 50), 0, SRC_VOCAB)
    tgt_tokens = jax.random.randint(k2, (4096, 50), 0, TGT_VOCAB)
    src_table = jax.random.normal(k3, (SRC_VOCAB, EMBED), dtype=jnp.float32)
    tgt_table = jax.random.normal(k4, (TGT_VOCAB, EMBED), dtype=jnp.float32)
    # padding_idx rows are zero-initialized in torch nn.Embedding
    src_table = src_table.at[SRC_PAD].set(0.0)
    tgt_table = tgt_table.at[TGT_PAD].set(0.0)
    return {"src_tokens": src_tokens, "tgt_tokens": tgt_tokens, "src_table": src_table, "tgt_table": tgt_table}


def reference(src_tokens, tgt_tokens, src_table, tgt_table):
    # source embedding lookup with padding_idx semantics (zero output for pad token)
    src_emb = jnp.take(src_table, src_tokens, axis=0)
    src_emb = jnp.where((src_tokens == SRC_PAD)[..., None], 0.0, src_emb)
    # target embedding lookup with padding_idx semantics
    tgt_emb = jnp.take(tgt_table, tgt_tokens, axis=0)
    tgt_emb = jnp.where((tgt_tokens == TGT_PAD)[..., None], 0.0, tgt_emb)
    return jnp.stack([src_emb, tgt_emb], axis=0)

if __name__ == "__main__":
    import jax
    _d = setup_inputs()
    print(jax.jit(kernel)(*tuple(_d.values())))

</pallas_src>

<mosaic_0001>
#map = affine_map<(d0, d1) -> (0)>
#map1 = affine_map<(d0, d1) -> (0, 0)>
module attributes {stable_mosaic.version = 14 : i64} {
  func.func @gather_kernel(%arg0: i32, %arg1: i32, %arg2: memref<204800xi32, #tpu.memory_space<hbm>>, %arg3: memref<100000x64xf32, #tpu.memory_space<hbm>>, %arg4: memref<204800x64xf32, #tpu.memory_space<hbm>>, %arg5: memref<6400xi32, #tpu.memory_space<vmem>>, %arg6: memref<400x64xf32, #tpu.memory_space<vmem>>, %arg7: memref<400x64xf32, #tpu.memory_space<vmem>>, %arg8: memref<400x64xf32, #tpu.memory_space<vmem>>, %arg9: memref<400x64xf32, #tpu.memory_space<vmem>>, %arg10: memref<!tpu.dma_semaphore, #tpu.memory_space<semaphore_mem>>, %arg11: memref<!tpu.dma_semaphore, #tpu.memory_space<semaphore_mem>>, %arg12: memref<!tpu.dma_semaphore, #tpu.memory_space<semaphore_mem>>, %arg13: memref<!tpu.dma_semaphore, #tpu.memory_space<semaphore_mem>>, %arg14: memref<!tpu.dma_semaphore, #tpu.memory_space<semaphore_mem>>, %arg15: memref<!tpu.dma_semaphore, #tpu.memory_space<semaphore_mem>>, %arg16: memref<!tpu.dma_semaphore, #tpu.memory_space<semaphore_mem>>, %arg17: memref<!tpu.dma_semaphore, #tpu.memory_space<semaphore_mem>>) attributes {dimension_semantics = [#tpu.dimension_semantics<core_parallel>, #tpu.dimension_semantics<subcore_parallel>], iteration_bounds = array<i64: 2, 16>, scalar_prefetch = 0 : i64, scratch_operands = 13 : i64, tpu.core_type = #tpu.core_type<sc_vector_subcore>, window_params = [{transform_indices = #map}, {transform_indices = #map1}, {transform_indices = #map1}]} {
    %mul3A = arith.constant 2 : i32
    %mul3A_0 = arith.muli %arg1, %mul3A : i32
    %add3A = arith.addi %mul3A_0, %arg0 : i32
    %mul3A_1 = arith.constant 6400 : i32
    %mul3A_2 = arith.muli %add3A, %mul3A_1 : i32
    "tpu.region"() ({
      %run_scoped3A = tpu.sem_alloc : memref<!tpu.dma_semaphore, #tpu.memory_space<semaphore_mem>>
      %dma_start3A_321 = tpu.memref_slice %arg2[%mul3A_2] : memref<204800xi32, #tpu.memory_space<hbm>> -> memref<6400xi32, #tpu.memory_space<hbm>>
      %dma_start3A_322 = tpu.memref_slice %arg2[%mul3A_2] : memref<204800xi32, #tpu.memory_space<hbm>> -> memref<6400xi32, #tpu.memory_space<hbm>>
      tpu.enqueue_dma source(%dma_start3A_322 : memref<6400xi32, #tpu.memory_space<hbm>>) target(%arg5 : memref<6400xi32, #tpu.memory_space<vmem>>) target_semaphore(%run_scoped3A : memref<!tpu.dma_semaphore, #tpu.memory_space<semaphore_mem>>)
      %dma_wait3A_323 = tpu.memref_slice %arg2[%mul3A_2] : memref<204800xi32, #tpu.memory_space<hbm>> -> memref<6400xi32, #tpu.memory_space<hbm>>
      %dma_wait3A_324 = tpu.memref_slice %arg2[%mul3A_2] : memref<204800xi32, #tpu.memory_space<hbm>> -> memref<6400xi32, #tpu.memory_space<hbm>>
      tpu.wait_dma2 semaphore(%run_scoped3A : memref<!tpu.dma_semaphore, #tpu.memory_space<semaphore_mem>>) src(%dma_wait3A_324 : memref<6400xi32, #tpu.memory_space<hbm>>) dst(%arg5 : memref<6400xi32, #tpu.memory_space<vmem>>)
      tpu.yield
    }) : () -> ()
    %dma_start3A = arith.constant 0 : i32
    %dma_start3A_3 = tpu.memref_slice %arg5[%dma_start3A] : memref<6400xi32, #tpu.memory_space<vmem>> -> memref<400xi32, #tpu.memory_space<vmem>>
    %dma_start3A_4 = arith.constant 0 : i32
    %dma_start3A_5 = arith.constant 0 : i32
    %dma_start3A_6 = tpu.memref_slice %arg3[%dma_start3A_4, %dma_start3A_5] : memref<100000x64xf32, #tpu.memory_space<hbm>> -> memref<100000x64xf32, #tpu.memory_space<hbm>>
    tpu.enqueue_indirect_dma source(%dma_start3A_6 : memref<100000x64xf32, #tpu.memory_space<hbm>>) target(%arg6 : memref<400x64xf32, #tpu.memory_space<vmem>>) offsets(%dma_start3A_3 : memref<400xi32, #tpu.memory_space<vmem>>) semaphore(%arg10 : memref<!tpu.dma_semaphore, #tpu.memory_space<semaphore_mem>>)
    %dma_start3A_7 = arith.constant 400 : i32
    %dma_start3A_8 = tpu.memref_slice %arg5[%dma_start3A_7] : memref<6400xi32, #tpu.memory_space<vmem>> -> memref<400xi32, #tpu.memory_space<vmem>>
    %dma_start3A_9 = arith.constant 0 : i32
    %dma_start3A_10 = arith.constant 0 : i32
    %dma_start3A_11 = tpu.memref_slice %arg3[%dma_start3A_9, %dma_start3A_10] : memref<100000x64xf32, #tpu.memory_space<hbm>> -> memref<100000x64xf32, #tpu.memory_space<hbm>>
    tpu.enqueue_indirect_dma source(%dma_start3A_11 : memref<100000x64xf32, #tpu.memory_space<hbm>>) target(%arg7 : memref<400x64xf32, #tpu.memory_space<vmem>>) offsets(%dma_start3A_8 : memref<400xi32, #tpu.memory_space<vmem>>) semaphore(%arg11 : memref<!tpu.dma_semaphore, #tpu.memory_space<semaphore_mem>>)
    %dma_wait3A = arith.constant 0 : i32
    %dma_wait3A_12 = tpu.memref_slice %arg5[%dma_wait3A] : memref<6400xi32, #tpu.memory_space<vmem>> -> memref<400xi32, #tpu.memory_space<vmem>>
    %dma_wait3A_13 = arith.constant 0 : i32
    %dma_wait3A_14 = arith.constant 0 : i32
    %dma_wait3A_15 = tpu.memref_slice %arg3[%dma_wait3A_13, %dma_wait3A_14] : memref<100000x64xf32, #tpu.memory_space<hbm>> -> memref<100000x64xf32, #tpu.memory_space<hbm>>
    tpu.wait_indirect_dma semaphore(%arg10 : memref<!tpu.dma_semaphore, #tpu.memory_space<semaphore_mem>>) src(%dma_wait3A_15 : memref<100000x64xf32, #tpu.memory_space<hbm>>) dst(%arg6 : memref<400x64xf32, #tpu.memory_space<vmem>>)
    %add3A_16 = arith.constant 0 : i32
    %add3A_17 = arith.addi %mul3A_2, %add3A_16 : i32
    %dma_start3A_18 = arith.constant 0 : i32
    %dma_start3A_19 = tpu.memref_slice %arg4[%add3A_17, %dma_start3A_18] : memref<204800x64xf32, #tpu.memory_space<hbm>> -> memref<400x64xf32, #tpu.memory_space<hbm>>
    %dma_start3A_20 = arith.constant 0 : i32
    %dma_start3A_21 = tpu.memref_slice %arg4[%add3A_17, %dma_start3A_20] : memref<204800x64xf32, #tpu.memory_space<hbm>> -> memref<400x64xf32, #tpu.memory_space<hbm>>
    tpu.enqueue_dma source(%arg6 : memref<400x64xf32, #tpu.memory_space<vmem>>) target(%dma_start3A_21 : memref<400x64xf32, #tpu.memory_space<hbm>>) target_semaphore(%arg14 : memref<!tpu.dma_semaphore, #tpu.memory_space<semaphore_mem>>)
    %dma_start3A_22 = arith.constant 800 : i32
    %dma_start3A_23 = tpu.memref_slice %arg5[%dma_start3A_22] : memref<6400xi32, #tpu.memory_space<vmem>> -> memref<400xi32, #tpu.memory_space<vmem>>
    %dma_start3A_24 = arith.constant 0 : i32
    %dma_start3A_25 = arith.constant 0 : i32
    %dma_start3A_26 = tpu.memref_slice %arg3[%dma_start3A_24, %dma_start3A_25] : memref<100000x64xf32, #tpu.memory_space<hbm>> -> memref<100000x64xf32, #tpu.memory_space<hbm>>
    tpu.enqueue_indirect_dma source(%dma_start3A_26 : memref<100000x64xf32, #tpu.memory_space<hbm>>) target(%arg8 : memref<400x64xf32, #tpu.memory_space<vmem>>) offsets(%dma_start3A_23 : memref<400xi32, #tpu.memory_space<vmem>>) semaphore(%arg12 : memref<!tpu.dma_semaphore, #tpu.memory_space<semaphore_mem>>)
    %dma_wait3A_27 = arith.constant 400 : i32
    %dma_wait3A_28 = tpu.memref_slice %arg5[%dma_wait3A_27] : memref<6400xi32, #tpu.memory_space<vmem>> -> memref<400xi32, #tpu.memory_space<vmem>>
    %dma_wait3A_29 = arith.constant 0 : i32
    %dma_wait3A_30 = arith.constant 0 : i32
    %dma_wait3A_31 = tpu.memref_slice %arg3[%dma_wait3A_29, %dma_wait3A_30] : memref<100000x64xf32, #tpu.memory_space<hbm>> -> memref<100000x64xf32, #tpu.memory_space<hbm>>
    tpu.wait_indirect_dma semaphore(%arg11 : memref<!tpu.dma_semaphore, #tpu.memory_space<semaphore_mem>>) src(%dma_wait3A_31 : memref<100000x64xf32, #tpu.memory_space<hbm>>) dst(%arg7 : memref<400x64xf32, #tpu.memory_space<vmem>>)
    %add3A_32 = arith.constant 400 : i32
    %add3A_33 = arith.addi %mul3A_2, %add3A_32 : i32
    %dma_start3A_34 = arith.constant 0 : i32
    %dma_start3A_35 = tpu.memref_slice %arg4[%add3A_33, %dma_start3A_34] : memref<204800x64xf32, #tpu.memory_space<hbm>> -> memref<400x64xf32, #tpu.memory_space<hbm>>
    %dma_start3A_36 = arith.constant 0 : i32
    %dma_start3A_37 = tpu.memref_slice %arg4[%add3A_33, %dma_start3A_36] : memref<204800x64xf32, #tpu.memory_space<hbm>> -> memref<400x64xf32, #tpu.memory_space<hbm>>
    tpu.enqueue_dma source(%arg7 : memref<400x64xf32, #tpu.memory_space<vmem>>) target(%dma_start3A_37 : memref<400x64xf32, #tpu.memory_space<hbm>>) target_semaphore(%arg15 : memref<!tpu.dma_semaphore, #tpu.memory_space<semaphore_mem>>)
    %dma_start3A_38 = arith.constant 1200 : i32
    %dma_start3A_39 = tpu.memref_slice %arg5[%dma_start3A_38] : memref<6400xi32, #tpu.memory_space<vmem>> -> memref<400xi32, #tpu.memory_space<vmem>>
    %dma_start3A_40 = arith.constant 0 : i32
    %dma_start3A_41 = arith.constant 0 : i32
    %dma_start3A_42 = tpu.memref_slice %arg3[%dma_start3A_40, %dma_start3A_41] : memref<100000x64xf32, #tpu.memory_space<hbm>> -> memref<100000x64xf32, #tpu.memory_space<hbm>>
    tpu.enqueue_indirect_dma source(%dma_start3A_42 : memref<100000x64xf32, #tpu.memory_space<hbm>>) target(%arg9 : memref<400x64xf32, #tpu.memory_space<vmem>>) offsets(%dma_start3A_39 : memref<400xi32, #tpu.memory_space<vmem>>) semaphore(%arg13 : memref<!tpu.dma_semaphore, #tpu.memory_space<semaphore_mem>>)
    %dma_wait3A_43 = arith.constant 800 : i32
    %dma_wait3A_44 = tpu.memref_slice %arg5[%dma_wait3A_43] : memref<6400xi32, #tpu.memory_space<vmem>> -> memref<400xi32, #tpu.memory_space<vmem>>
    %dma_wait3A_45 = arith.constant 0 : i32
    %dma_wait3A_46 = arith.constant 0 : i32
    %dma_wait3A_47 = tpu.memref_slice %arg3[%dma_wait3A_45, %dma_wait3A_46] : memref<100000x64xf32, #tpu.memory_space<hbm>> -> memref<100000x64xf32, #tpu.memory_space<hbm>>
    tpu.wait_indirect_dma semaphore(%arg12 : memref<!tpu.dma_semaphore, #tpu.memory_space<semaphore_mem>>) src(%dma_wait3A_47 : memref<100000x64xf32, #tpu.memory_space<hbm>>) dst(%arg8 : memref<400x64xf32, #tpu.memory_space<vmem>>)
    %add3A_48 = arith.constant 800 : i32
    %add3A_49 = arith.addi %mul3A_2, %add3A_48 : i32
    %dma_start3A_50 = arith.constant 0 : i32
    %dma_start3A_51 = tpu.memref_slice %arg4[%add3A_49, %dma_start3A_50] : memref<204800x64xf32, #tpu.memory_space<hbm>> -> memref<400x64xf32, #tpu.memory_space<hbm>>
    %dma_start3A_52 = arith.constant 0 : i32
    %dma_start3A_53 = tpu.memref_slice %arg4[%add3A_49, %dma_start3A_52] : memref<204800x64xf32, #tpu.memory_space<hbm>> -> memref<400x64xf32, #tpu.memory_space<hbm>>
    tpu.enqueue_dma source(%arg8 : memref<400x64xf32, #tpu.memory_space<vmem>>) target(%dma_start3A_53 : memref<400x64xf32, #tpu.memory_space<hbm>>) target_semaphore(%arg16 : memref<!tpu.dma_semaphore, #tpu.memory_space<semaphore_mem>>)
    %dma_wait3A_54 = arith.constant 0 : i32
    %dma_wait3A_55 = tpu.memref_slice %arg4[%add3A_17, %dma_wait3A_54] : memref<204800x64xf32, #tpu.memory_space<hbm>> -> memref<400x64xf32, #tpu.memory_space<hbm>>
    %dma_wait3A_56 = arith.constant 0 : i32
    %dma_wait3A_57 = tpu.memref_slice %arg4[%add3A_17, %dma_wait3A_56] : memref<204800x64xf32, #tpu.memory_space<hbm>> -> memref<400x64xf32, #tpu.memory_space<hbm>>
    tpu.wait_dma2 semaphore(%arg14 : memref<!tpu.dma_semaphore, #tpu.memory_space<semaphore_mem>>) src(%arg6 : memref<400x64xf32, #tpu.memory_space<vmem>>) dst(%dma_wait3A_57 : memref<400x64xf32, #tpu.memory_space<hbm>>)
    %dma_start3A_58 = arith.constant 1600 : i32
    %dma_start3A_59 = tpu.memref_slice %arg5[%dma_start3A_58] : memref<6400xi32, #tpu.memory_space<vmem>> -> memref<400xi32, #tpu.memory_space<vmem>>
    %dma_start3A_60 = arith.constant 0 : i32
    %dma_start3A_61 = arith.constant 0 : i32
    %dma_start3A_62 = tpu.memref_slice %arg3[%dma_start3A_60, %dma_start3A_61] : memref<100000x64xf32, #tpu.memory_space<hbm>> -> memref<100000x64xf32, #tpu.memory_space<hbm>>
    tpu.enqueue_indirect_dma source(%dma_start3A_62 : memref<100000x64xf32, #tpu.memory_space<hbm>>) target(%arg6 : memref<400x64xf32, #tpu.memory_space<vmem>>) offsets(%dma_start3A_59 : memref<400xi32, #tpu.memory_space<vmem>>) semaphore(%arg10 : memref<!tpu.dma_semaphore, #tpu.memory_space<semaphore_mem>>)
    %dma_wait3A_63 = arith.constant 1200 : i32
    %dma_wait3A_64 = tpu.memref_slice %arg5[%dma_wait3A_63] : memref<6400xi32, #tpu.memory_space<vmem>> -> memref<400xi32, #tpu.memory_space<vmem>>
    %dma_wait3A_65 = arith.constant 0 : i32
    %dma_wait3A_66 = arith.constant 0 : i32
    %dma_wait3A_67 = tpu.memref_slice %arg3[%dma_wait3A_65, %dma_wait3A_66] : memref<100000x64xf32, #tpu.memory_space<hbm>> -> memref<100000x64xf32, #tpu.memory_space<hbm>>
    tpu.wait_indirect_dma semaphore(%arg13 : memref<!tpu.dma_semaphore, #tpu.memory_space<semaphore_mem>>) src(%dma_wait3A_67 : memref<100000x64xf32, #tpu.memory_space<hbm>>) dst(%arg9 : memref<400x64xf32, #tpu.memory_space<vmem>>)
    %add3A_68 = arith.constant 1200 : i32
    %add3A_69 = arith.addi %mul3A_2, %add3A_68 : i32
    %dma_start3A_70 = arith.constant 0 : i32
    %dma_start3A_71 = tpu.memref_slice %arg4[%add3A_69, %dma_start3A_70] : memref<204800x64xf32, #tpu.memory_space<hbm>> -> memref<400x64xf32, #tpu.memory_space<hbm>>
    %dma_start3A_72 = arith.constant 0 : i32
    %dma_start3A_73 = tpu.memref_slice %arg4[%add3A_69, %dma_start3A_72] : memref<204800x64xf32, #tpu.memory_space<hbm>> -> memref<400x64xf32, #tpu.memory_space<hbm>>
    tpu.enqueue_dma source(%arg9 : memref<400x64xf32, #tpu.memory_space<vmem>>) target(%dma_start3A_73 : memref<400x64xf32, #tpu.memory_space<hbm>>) target_semaphore(%arg17 : memref<!tpu.dma_semaphore, #tpu.memory_space<semaphore_mem>>)
    %dma_wait3A_74 = arith.constant 0 : i32
    %dma_wait3A_75 = tpu.memref_slice %arg4[%add3A_33, %dma_wait3A_74] : memref<204800x64xf32, #tpu.memory_space<hbm>> -> memref<400x64xf32, #tpu.memory_space<hbm>>
    %dma_wait3A_76 = arith.constant 0 : i32
    %dma_wait3A_77 = tpu.memref_slice %arg4[%add3A_33, %dma_wait3A_76] : memref<204800x64xf32, #tpu.memory_space<hbm>> -> memref<400x64xf32, #tpu.memory_space<hbm>>
    tpu.wait_dma2 semaphore(%arg15 : memref<!tpu.dma_semaphore, #tpu.memory_space<semaphore_mem>>) src(%arg7 : memref<400x64xf32, #tpu.memory_space<vmem>>) dst(%dma_wait3A_77 : memref<400x64xf32, #tpu.memory_space<hbm>>)
    %dma_start3A_78 = arith.constant 2000 : i32
    %dma_start3A_79 = tpu.memref_slice %arg5[%dma_start3A_78] : memref<6400xi32, #tpu.memory_space<vmem>> -> memref<400xi32, #tpu.memory_space<vmem>>
    %dma_start3A_80 = arith.constant 0 : i32
    %dma_start3A_81 = arith.constant 0 : i32
    %dma_start3A_82 = tpu.memref_slice %arg3[%dma_start3A_80, %dma_start3A_81] : memref<100000x64xf32, #tpu.memory_space<hbm>> -> memref<100000x64xf32, #tpu.memory_space<hbm>>
    tpu.enqueue_indirect_dma source(%dma_start3A_82 : memref<100000x64xf32, #tpu.memory_space<hbm>>) target(%arg7 : memref<400x64xf32, #tpu.memory_space<vmem>>) offsets(%dma_start3A_79 : memref<400xi32, #tpu.memory_space<vmem>>) semaphore(%arg11 : memref<!tpu.dma_semaphore, #tpu.memory_space<semaphore_mem>>)
    %dma_wait3A_83 = arith.constant 1600 : i32
    %dma_wait3A_84 = tpu.memref_slice %arg5[%dma_wait3A_83] : memref<6400xi32, #tpu.memory_space<vmem>> -> memref<400xi32, #tpu.memory_space<vmem>>
    %dma_wait3A_85 = arith.constant 0 : i32
    %dma_wait3A_86 = arith.constant 0 : i32
    %dma_wait3A_87 = tpu.memref_slice %arg3[%dma_wait3A_85, %dma_wait3A_86] : memref<100000x64xf32, #tpu.memory_space<hbm>> -> memref<100000x64xf32, #tpu.memory_space<hbm>>
    tpu.wait_indirect_dma semaphore(%arg10 : memref<!tpu.dma_semaphore, #tpu.memory_space<semaphore_mem>>) src(%dma_wait3A_87 : memref<100000x64xf32, #tpu.memory_space<hbm>>) dst(%arg6 : memref<400x64xf32, #tpu.memory_space<vmem>>)
    %add3A_88 = arith.constant 1600 : i32
    %add3A_89 = arith.addi %mul3A_2, %add3A_88 : i32
    %dma_start3A_90 = arith.constant 0 : i32
    %dma_start3A_91 = tpu.memref_slice %arg4[%add3A_89, %dma_start3A_90] : memref<204800x64xf32, #tpu.memory_space<hbm>> -> memref<400x64xf32, #tpu.memory_space<hbm>>
    %dma_start3A_92 = arith.constant 0 : i32
    %dma_start3A_93 = tpu.memref_slice %arg4[%add3A_89, %dma_start3A_92] : memref<204800x64xf32, #tpu.memory_space<hbm>> -> memref<400x64xf32, #tpu.memory_space<hbm>>
    tpu.enqueue_dma source(%arg6 : memref<400x64xf32, #tpu.memory_space<vmem>>) target(%dma_start3A_93 : memref<400x64xf32, #tpu.memory_space<hbm>>) target_semaphore(%arg14 : memref<!tpu.dma_semaphore, #tpu.memory_space<semaphore_mem>>)
    %dma_wait3A_94 = arith.constant 0 : i32
    %dma_wait3A_95 = tpu.memref_slice %arg4[%add3A_49, %dma_wait3A_94] : memref<204800x64xf32, #tpu.memory_space<hbm>> -> memref<400x64xf32, #tpu.memory_space<hbm>>
    %dma_wait3A_96 = arith.constant 0 : i32
    %dma_wait3A_97 = tpu.memref_slice %arg4[%add3A_49, %dma_wait3A_96] : memref<204800x64xf32, #tpu.memory_space<hbm>> -> memref<400x64xf32, #tpu.memory_space<hbm>>
    tpu.wait_dma2 semaphore(%arg16 : memref<!tpu.dma_semaphore, #tpu.memory_space<semaphore_mem>>) src(%arg8 : memref<400x64xf32, #tpu.memory_space<vmem>>) dst(%dma_wait3A_97 : memref<400x64xf32, #tpu.memory_space<hbm>>)
    %dma_start3A_98 = arith.constant 2400 : i32
    %dma_start3A_99 = tpu.memref_slice %arg5[%dma_start3A_98] : memref<6400xi32, #tpu.memory_space<vmem>> -> memref<400xi32, #tpu.memory_space<vmem>>
    %dma_start3A_100 = arith.constant 0 : i32
    %dma_start3A_101 = arith.constant 0 : i32
    %dma_start3A_102 = tpu.memref_slice %arg3[%dma_start3A_100, %dma_start3A_101] : memref<100000x64xf32, #tpu.memory_space<hbm>> -> memref<100000x64xf32, #tpu.memory_space<hbm>>
    tpu.enqueue_indirect_dma source(%dma_start3A_102 : memref<100000x64xf32, #tpu.memory_space<hbm>>) target(%arg8 : memref<400x64xf32, #tpu.memory_space<vmem>>) offsets(%dma_start3A_99 : memref<400xi32, #tpu.memory_space<vmem>>) semaphore(%arg12 : memref<!tpu.dma_semaphore, #tpu.memory_space<semaphore_mem>>)
    %dma_wait3A_103 = arith.constant 2000 : i32
    %dma_wait3A_104 = tpu.memref_slice %arg5[%dma_wait3A_103] : memref<6400xi32, #tpu.memory_space<vmem>> -> memref<400xi32, #tpu.memory_space<vmem>>
    %dma_wait3A_105 = arith.constant 0 : i32
    %dma_wait3A_106 = arith.constant 0 : i32
    %dma_wait3A_107 = tpu.memref_slice %arg3[%dma_wait3A_105, %dma_wait3A_106] : memref<100000x64xf32, #tpu.memory_space<hbm>> -> memref<100000x64xf32, #tpu.memory_space<hbm>>
    tpu.wait_indirect_dma semaphore(%arg11 : memref<!tpu.dma_semaphore, #tpu.memory_space<semaphore_mem>>) src(%dma_wait3A_107 : memref<100000x64xf32, #tpu.memory_space<hbm>>) dst(%arg7 : memref<400x64xf32, #tpu.memory_space<vmem>>)
    %add3A_108 = arith.constant 2000 : i32
    %add3A_109 = arith.addi %mul3A_2, %add3A_108 : i32
    %dma_start3A_110 = arith.constant 0 : i32
    %dma_start3A_111 = tpu.memref_slice %arg4[%add3A_109, %dma_start3A_110] : memref<204800x64xf32, #tpu.memory_space<hbm>> -> memref<400x64xf32, #tpu.memory_space<hbm>>
    %dma_start3A_112 = arith.constant 0 : i32
    %dma_start3A_113 = tpu.memref_slice %arg4[%add3A_109, %dma_start3A_112] : memref<204800x64xf32, #tpu.memory_space<hbm>> -> memref<400x64xf32, #tpu.memory_space<hbm>>
    tpu.enqueue_dma source(%arg7 : memref<400x64xf32, #tpu.memory_space<vmem>>) target(%dma_start3A_113 : memref<400x64xf32, #tpu.memory_space<hbm>>) target_semaphore(%arg15 : memref<!tpu.dma_semaphore, #tpu.memory_space<semaphore_mem>>)
    %dma_wait3A_114 = arith.constant 0 : i32
    %dma_wait3A_115 = tpu.memref_slice %arg4[%add3A_69, %dma_wait3A_114] : memref<204800x64xf32, #tpu.memory_space<hbm>> -> memref<400x64xf32, #tpu.memory_space<hbm>>
    %dma_wait3A_116 = arith.constant 0 : i32
    %dma_wait3A_117 = tpu.memref_slice %arg4[%add3A_69, %dma_wait3A_116] : memref<204800x64xf32, #tpu.memory_space<hbm>> -> memref<400x64xf32, #tpu.memory_space<hbm>>
    tpu.wait_dma2 semaphore(%arg17 : memref<!tpu.dma_semaphore, #tpu.memory_space<semaphore_mem>>) src(%arg9 : memref<400x64xf32, #tpu.memory_space<vmem>>) dst(%dma_wait3A_117 : memref<400x64xf32, #tpu.memory_space<hbm>>)
    %dma_start3A_118 = arith.constant 2800 : i32
    %dma_start3A_119 = tpu.memref_slice %arg5[%dma_start3A_118] : memref<6400xi32, #tpu.memory_space<vmem>> -> memref<400xi32, #tpu.memory_space<vmem>>
    %dma_start3A_120 = arith.constant 0 : i32
    %dma_start3A_121 = arith.constant 0 : i32
    %dma_start3A_122 = tpu.memref_slice %arg3[%dma_start3A_120, %dma_start3A_121] : memref<100000x64xf32, #tpu.memory_space<hbm>> -> memref<100000x64xf32, #tpu.memory_space<hbm>>
    tpu.enqueue_indirect_dma source(%dma_start3A_122 : memref<100000x64xf32, #tpu.memory_space<hbm>>) target(%arg9 : memref<400x64xf32, #tpu.memory_space<vmem>>) offsets(%dma_start3A_119 : memref<400xi32, #tpu.memory_space<vmem>>) semaphore(%arg13 : memref<!tpu.dma_semaphore, #tpu.memory_space<semaphore_mem>>)
    %dma_wait3A_123 = arith.constant 2400 : i32
    %dma_wait3A_124 = tpu.memref_slice %arg5[%dma_wait3A_123] : memref<6400xi32, #tpu.memory_space<vmem>> -> memref<400xi32, #tpu.memory_space<vmem>>
    %dma_wait3A_125 = arith.constant 0 : i32
    %dma_wait3A_126 = arith.constant 0 : i32
    %dma_wait3A_127 = tpu.memref_slice %arg3[%dma_wait3A_125, %dma_wait3A_126] : memref<100000x64xf32, #tpu.memory_space<hbm>> -> memref<100000x64xf32, #tpu.memory_space<hbm>>
    tpu.wait_indirect_dma semaphore(%arg12 : memref<!tpu.dma_semaphore, #tpu.memory_space<semaphore_mem>>) src(%dma_wait3A_127 : memref<100000x64xf32, #tpu.memory_space<hbm>>) dst(%arg8 : memref<400x64xf32, #tpu.memory_space<vmem>>)
    %add3A_128 = arith.constant 2400 : i32
    %add3A_129 = arith.addi %mul3A_2, %add3A_128 : i32
    %dma_start3A_130 = arith.constant 0 : i32
    %dma_start3A_131 = tpu.memref_slice %arg4[%add3A_129, %dma_start3A_130] : memref<204800x64xf32, #tpu.memory_space<hbm>> -> memref<400x64xf32, #tpu.memory_space<hbm>>
    %dma_start3A_132 = arith.constant 0 : i32
    %dma_start3A_133 = tpu.memref_slice %arg4[%add3A_129, %dma_start3A_132] : memref<204800x64xf32, #tpu.memory_space<hbm>> -> memref<400x64xf32, #tpu.memory_space<hbm>>
    tpu.enqueue_dma source(%arg8 : memref<400x64xf32, #tpu.memory_space<vmem>>) target(%dma_start3A_133 : memref<400x64xf32, #tpu.memory_space<hbm>>) target_semaphore(%arg16 : memref<!tpu.dma_semaphore, #tpu.memory_space<semaphore_mem>>)
    %dma_wait3A_134 = arith.constant 0 : i32
    %dma_wait3A_135 = tpu.memref_slice %arg4[%add3A_89, %dma_wait3A_134] : memref<204800x64xf32, #tpu.memory_space<hbm>> -> memref<400x64xf32, #tpu.memory_space<hbm>>
    %dma_wait3A_136 = arith.constant 0 : i32
    %dma_wait3A_137 = tpu.memref_slice %arg4[%add3A_89, %dma_wait3A_136] : memref<204800x64xf32, #tpu.memory_space<hbm>> -> memref<400x64xf32, #tpu.memory_space<hbm>>
    tpu.wait_dma2 semaphore(%arg14 : memref<!tpu.dma_semaphore, #tpu.memory_space<semaphore_mem>>) src(%arg6 : memref<400x64xf32, #tpu.memory_space<vmem>>) dst(%dma_wait3A_137 : memref<400x64xf32, #tpu.memory_space<hbm>>)
    %dma_start3A_138 = arith.constant 3200 : i32
    %dma_start3A_139 = tpu.memref_slice %arg5[%dma_start3A_138] : memref<6400xi32, #tpu.memory_space<vmem>> -> memref<400xi32, #tpu.memory_space<vmem>>
    %dma_start3A_140 = arith.constant 0 : i32
    %dma_start3A_141 = arith.constant 0 : i32
    %dma_start3A_142 = tpu.memref_slice %arg3[%dma_start3A_140, %dma_start3A_141] : memref<100000x64xf32, #tpu.memory_space<hbm>> -> memref<100000x64xf32, #tpu.memory_space<hbm>>
    tpu.enqueue_indirect_dma source(%dma_start3A_142 : memref<100000x64xf32, #tpu.memory_space<hbm>>) target(%arg6 : memref<400x64xf32, #tpu.memory_space<vmem>>) offsets(%dma_start3A_139 : memref<400xi32, #tpu.memory_space<vmem>>) semaphore(%arg10 : memref<!tpu.dma_semaphore, #tpu.memory_space<semaphore_mem>>)
    %dma_wait3A_143 = arith.constant 2800 : i32
    %dma_wait3A_144 = tpu.memref_slice %arg5[%dma_wait3A_143] : memref<6400xi32, #tpu.memory_space<vmem>> -> memref<400xi32, #tpu.memory_space<vmem>>
    %dma_wait3A_145 = arith.constant 0 : i32
    %dma_wait3A_146 = arith.constant 0 : i32
    %dma_wait3A_147 = tpu.memref_slice %arg3[%dma_wait3A_145, %dma_wait3A_146] : memref<100000x64xf32, #tpu.memory_space<hbm>> -> memref<100000x64xf32, #tpu.memory_space<hbm>>
    tpu.wait_indirect_dma semaphore(%arg13 : memref<!tpu.dma_semaphore, #tpu.memory_space<semaphore_mem>>) src(%dma_wait3A_147 : memref<100000x64xf32, #tpu.memory_space<hbm>>) dst(%arg9 : memref<400x64xf32, #tpu.memory_space<vmem>>)
    %add3A_148 = arith.constant 2800 : i32
    %add3A_149 = arith.addi %mul3A_2, %add3A_148 : i32
    %dma_start3A_150 = arith.constant 0 : i32
    %dma_start3A_151 = tpu.memref_slice %arg4[%add3A_149, %dma_start3A_150] : memref<204800x64xf32, #tpu.memory_space<hbm>> -> memref<400x64xf32, #tpu.memory_space<hbm>>
    %dma_start3A_152 = arith.constant 0 : i32
    %dma_start3A_153 = tpu.memref_slice %arg4[%add3A_149, %dma_start3A_152] : memref<204800x64xf32, #tpu.memory_space<hbm>> -> memref<400x64xf32, #tpu.memory_space<hbm>>
    tpu.enqueue_dma source(%arg9 : memref<400x64xf32, #tpu.memory_space<vmem>>) target(%dma_start3A_153 : memref<400x64xf32, #tpu.memory_space<hbm>>) target_semaphore(%arg17 : memref<!tpu.dma_semaphore, #tpu.memory_space<semaphore_mem>>)
    %dma_wait3A_154 = arith.constant 0 : i32
    %dma_wait3A_155 = tpu.memref_slice %arg4[%add3A_109, %dma_wait3A_154] : memref<204800x64xf32, #tpu.memory_space<hbm>> -> memref<400x64xf32, #tpu.memory_space<hbm>>
    %dma_wait3A_156 = arith.constant 0 : i32
    %dma_wait3A_157 = tpu.memref_slice %arg4[%add3A_109, %dma_wait3A_156] : memref<204800x64xf32, #tpu.memory_space<hbm>> -> memref<400x64xf32, #tpu.memory_space<hbm>>
    tpu.wait_dma2 semaphore(%arg15 : memref<!tpu.dma_semaphore, #tpu.memory_space<semaphore_mem>>) src(%arg7 : memref<400x64xf32, #tpu.memory_space<vmem>>) dst(%dma_wait3A_157 : memref<400x64xf32, #tpu.memory_space<hbm>>)
    %dma_start3A_158 = arith.constant 3600 : i32
    %dma_start3A_159 = tpu.memref_slice %arg5[%dma_start3A_158] : memref<6400xi32, #tpu.memory_space<vmem>> -> memref<400xi32, #tpu.memory_space<vmem>>
    %dma_start3A_160 = arith.constant 0 : i32
    %dma_start3A_161 = arith.constant 0 : i32
    %dma_start3A_162 = tpu.memref_slice %arg3[%dma_start3A_160, %dma_start3A_161] : memref<100000x64xf32, #tpu.memory_space<hbm>> -> memref<100000x64xf32, #tpu.memory_space<hbm>>
    tpu.enqueue_indirect_dma source(%dma_start3A_162 : memref<100000x64xf32, #tpu.memory_space<hbm>>) target(%arg7 : memref<400x64xf32, #tpu.memory_space<vmem>>) offsets(%dma_start3A_159 : memref<400xi32, #tpu.memory_space<vmem>>) semaphore(%arg11 : memref<!tpu.dma_semaphore, #tpu.memory_space<semaphore_mem>>)
    %dma_wait3A_163 = arith.constant 3200 : i32
    %dma_wait3A_164 = tpu.memref_slice %arg5[%dma_wait3A_163] : memref<6400xi32, #tpu.memory_space<vmem>> -> memref<400xi32, #tpu.memory_space<vmem>>
    %dma_wait3A_165 = arith.constant 0 : i32
    %dma_wait3A_166 = arith.constant 0 : i32
    %dma_wait3A_167 = tpu.memref_slice %arg3[%dma_wait3A_165, %dma_wait3A_166] : memref<100000x64xf32, #tpu.memory_space<hbm>> -> memref<100000x64xf32, #tpu.memory_space<hbm>>
    tpu.wait_indirect_dma semaphore(%arg10 : memref<!tpu.dma_semaphore, #tpu.memory_space<semaphore_mem>>) src(%dma_wait3A_167 : memref<100000x64xf32, #tpu.memory_space<hbm>>) dst(%arg6 : memref<400x64xf32, #tpu.memory_space<vmem>>)
    %add3A_168 = arith.constant 3200 : i32
    %add3A_169 = arith.addi %mul3A_2, %add3A_168 : i32
    %dma_start3A_170 = arith.constant 0 : i32
    %dma_start3A_171 = tpu.memref_slice %arg4[%add3A_169, %dma_start3A_170] : memref<204800x64xf32, #tpu.memory_space<hbm>> -> memref<400x64xf32, #tpu.memory_space<hbm>>
    %dma_start3A_172 = arith.constant 0 : i32
    %dma_start3A_173 = tpu.memref_slice %arg4[%add3A_169, %dma_start3A_172] : memref<204800x64xf32, #tpu.memory_space<hbm>> -> memref<400x64xf32, #tpu.memory_space<hbm>>
    tpu.enqueue_dma source(%arg6 : memref<400x64xf32, #tpu.memory_space<vmem>>) target(%dma_start3A_173 : memref<400x64xf32, #tpu.memory_space<hbm>>) target_semaphore(%arg14 : memref<!tpu.dma_semaphore, #tpu.memory_space<semaphore_mem>>)
    %dma_wait3A_174 = arith.constant 0 : i32
    %dma_wait3A_175 = tpu.memref_slice %arg4[%add3A_129, %dma_wait3A_174] : memref<204800x64xf32, #tpu.memory_space<hbm>> -> memref<400x64xf32, #tpu.memory_space<hbm>>
    %dma_wait3A_176 = arith.constant 0 : i32
    %dma_wait3A_177 = tpu.memref_slice %arg4[%add3A_129, %dma_wait3A_176] : memref<204800x64xf32, #tpu.memory_space<hbm>> -> memref<400x64xf32, #tpu.memory_space<hbm>>
    tpu.wait_dma2 semaphore(%arg16 : memref<!tpu.dma_semaphore, #tpu.memory_space<semaphore_mem>>) src(%arg8 : memref<400x64xf32, #tpu.memory_space<vmem>>) dst(%dma_wait3A_177 : memref<400x64xf32, #tpu.memory_space<hbm>>)
    %dma_start3A_178 = arith.constant 4000 : i32
    %dma_start3A_179 = tpu.memref_slice %arg5[%dma_start3A_178] : memref<6400xi32, #tpu.memory_space<vmem>> -> memref<400xi32, #tpu.memory_space<vmem>>
    %dma_start3A_180 = arith.constant 0 : i32
    %dma_start3A_181 = arith.constant 0 : i32
    %dma_start3A_182 = tpu.memref_slice %arg3[%dma_start3A_180, %dma_start3A_181] : memref<100000x64xf32, #tpu.memory_space<hbm>> -> memref<100000x64xf32, #tpu.memory_space<hbm>>
    tpu.enqueue_indirect_dma source(%dma_start3A_182 : memref<100000x64xf32, #tpu.memory_space<hbm>>) target(%arg8 : memref<400x64xf32, #tpu.memory_space<vmem>>) offsets(%dma_start3A_179 : memref<400xi32, #tpu.memory_space<vmem>>) semaphore(%arg12 : memref<!tpu.dma_semaphore, #tpu.memory_space<semaphore_mem>>)
    %dma_wait3A_183 = arith.constant 3600 : i32
    %dma_wait3A_184 = tpu.memref_slice %arg5[%dma_wait3A_183] : memref<6400xi32, #tpu.memory_space<vmem>> -> memref<400xi32, #tpu.memory_space<vmem>>
    %dma_wait3A_185 = arith.constant 0 : i32
    %dma_wait3A_186 = arith.constant 0 : i32
    %dma_wait3A_187 = tpu.memref_slice %arg3[%dma_wait3A_185, %dma_wait3A_186] : memref<100000x64xf32, #tpu.memory_space<hbm>> -> memref<100000x64xf32, #tpu.memory_space<hbm>>
    tpu.wait_indirect_dma semaphore(%arg11 : memref<!tpu.dma_semaphore, #tpu.memory_space<semaphore_mem>>) src(%dma_wait3A_187 : memref<100000x64xf32, #tpu.memory_space<hbm>>) dst(%arg7 : memref<400x64xf32, #tpu.memory_space<vmem>>)
    %add3A_188 = arith.constant 3600 : i32
    %add3A_189 = arith.addi %mul3A_2, %add3A_188 : i32
    %dma_start3A_190 = arith.constant 0 : i32
    %dma_start3A_191 = tpu.memref_slice %arg4[%add3A_189, %dma_start3A_190] : memref<204800x64xf32, #tpu.memory_space<hbm>> -> memref<400x64xf32, #tpu.memory_space<hbm>>
    %dma_start3A_192 = arith.constant 0 : i32
    %dma_start3A_193 = tpu.memref_slice %arg4[%add3A_189, %dma_start3A_192] : memref<204800x64xf32, #tpu.memory_space<hbm>> -> memref<400x64xf32, #tpu.memory_space<hbm>>
    tpu.enqueue_dma source(%arg7 : memref<400x64xf32, #tpu.memory_space<vmem>>) target(%dma_start3A_193 : memref<400x64xf32, #tpu.memory_space<hbm>>) target_semaphore(%arg15 : memref<!tpu.dma_semaphore, #tpu.memory_space<semaphore_mem>>)
    %dma_wait3A_194 = arith.constant 0 : i32
    %dma_wait3A_195 = tpu.memref_slice %arg4[%add3A_149, %dma_wait3A_194] : memref<204800x64xf32, #tpu.memory_space<hbm>> -> memref<400x64xf32, #tpu.memory_space<hbm>>
    %dma_wait3A_196 = arith.constant 0 : i32
    %dma_wait3A_197 = tpu.memref_slice %arg4[%add3A_149, %dma_wait3A_196] : memref<204800x64xf32, #tpu.memory_space<hbm>> -> memref<400x64xf32, #tpu.memory_space<hbm>>
    tpu.wait_dma2 semaphore(%arg17 : memref<!tpu.dma_semaphore, #tpu.memory_space<semaphore_mem>>) src(%arg9 : memref<400x64xf32, #tpu.memory_space<vmem>>) dst(%dma_wait3A_197 : memref<400x64xf32, #tpu.memory_space<hbm>>)
    %dma_start3A_198 = arith.constant 4400 : i32
    %dma_start3A_199 = tpu.memref_slice %arg5[%dma_start3A_198] : memref<6400xi32, #tpu.memory_space<vmem>> -> memref<400xi32, #tpu.memory_space<vmem>>
    %dma_start3A_200 = arith.constant 0 : i32
    %dma_start3A_201 = arith.constant 0 : i32
    %dma_start3A_202 = tpu.memref_slice %arg3[%dma_start3A_200, %dma_start3A_201] : memref<100000x64xf32, #tpu.memory_space<hbm>> -> memref<100000x64xf32, #tpu.memory_space<hbm>>
    tpu.enqueue_indirect_dma source(%dma_start3A_202 : memref<100000x64xf32, #tpu.memory_space<hbm>>) target(%arg9 : memref<400x64xf32, #tpu.memory_space<vmem>>) offsets(%dma_start3A_199 : memref<400xi32, #tpu.memory_space<vmem>>) semaphore(%arg13 : memref<!tpu.dma_semaphore, #tpu.memory_space<semaphore_mem>>)
    %dma_wait3A_203 = arith.constant 4000 : i32
    %dma_wait3A_204 = tpu.memref_slice %arg5[%dma_wait3A_203] : memref<6400xi32, #tpu.memory_space<vmem>> -> memref<400xi32, #tpu.memory_space<vmem>>
    %dma_wait3A_205 = arith.constant 0 : i32
    %dma_wait3A_206 = arith.constant 0 : i32
    %dma_wait3A_207 = tpu.memref_slice %arg3[%dma_wait3A_205, %dma_wait3A_206] : memref<100000x64xf32, #tpu.memory_space<hbm>> -> memref<100000x64xf32, #tpu.memory_space<hbm>>
    tpu.wait_indirect_dma semaphore(%arg12 : memref<!tpu.dma_semaphore, #tpu.memory_space<semaphore_mem>>) src(%dma_wait3A_207 : memref<100000x64xf32, #tpu.memory_space<hbm>>) dst(%arg8 : memref<400x64xf32, #tpu.memory_space<vmem>>)
    %add3A_208 = arith.constant 4000 : i32
    %add3A_209 = arith.addi %mul3A_2, %add3A_208 : i32
    %dma_start3A_210 = arith.constant 0 : i32
    %dma_start3A_211 = tpu.memref_slice %arg4[%add3A_209, %dma_start3A_210] : memref<204800x64xf32, #tpu.memory_space<hbm>> -> memref<400x64xf32, #tpu.memory_space<hbm>>
    %dma_start3A_212 = arith.constant 0 : i32
    %dma_start3A_213 = tpu.memref_slice %arg4[%add3A_209, %dma_start3A_212] : memref<204800x64xf32, #tpu.memory_space<hbm>> -> memref<400x64xf32, #tpu.memory_space<hbm>>
    tpu.enqueue_dma source(%arg8 : memref<400x64xf32, #tpu.memory_space<vmem>>) target(%dma_start3A_213 : memref<400x64xf32, #tpu.memory_space<hbm>>) target_semaphore(%arg16 : memref<!tpu.dma_semaphore, #tpu.memory_space<semaphore_mem>>)
    %dma_wait3A_214 = arith.constant 0 : i32
    %dma_wait3A_215 = tpu.memref_slice %arg4[%add3A_169, %dma_wait3A_214] : memref<204800x64xf32, #tpu.memory_space<hbm>> -> memref<400x64xf32, #tpu.memory_space<hbm>>
    %dma_wait3A_216 = arith.constant 0 : i32
    %dma_wait3A_217 = tpu.memref_slice %arg4[%add3A_169, %dma_wait3A_216] : memref<204800x64xf32, #tpu.memory_space<hbm>> -> memref<400x64xf32, #tpu.memory_space<hbm>>
    tpu.wait_dma2 semaphore(%arg14 : memref<!tpu.dma_semaphore, #tpu.memory_space<semaphore_mem>>) src(%arg6 : memref<400x64xf32, #tpu.memory_space<vmem>>) dst(%dma_wait3A_217 : memref<400x64xf32, #tpu.memory_space<hbm>>)
    %dma_start3A_218 = arith.constant 4800 : i32
    %dma_start3A_219 = tpu.memref_slice %arg5[%dma_start3A_218] : memref<6400xi32, #tpu.memory_space<vmem>> -> memref<400xi32, #tpu.memory_space<vmem>>
    %dma_start3A_220 = arith.constant 0 : i32
    %dma_start3A_221 = arith.constant 0 : i32
    %dma_start3A_222 = tpu.memref_slice %arg3[%dma_start3A_220, %dma_start3A_221] : memref<100000x64xf32, #tpu.memory_space<hbm>> -> memref<100000x64xf32, #tpu.memory_space<hbm>>
    tpu.enqueue_indirect_dma source(%dma_start3A_222 : memref<100000x64xf32, #tpu.memory_space<hbm>>) target(%arg6 : memref<400x64xf32, #tpu.memory_space<vmem>>) offsets(%dma_start3A_219 : memref<400xi32, #tpu.memory_space<vmem>>) semaphore(%arg10 : memref<!tpu.dma_semaphore, #tpu.memory_space<semaphore_mem>>)
    %dma_wait3A_223 = arith.constant 4400 : i32
    %dma_wait3A_224 = tpu.memref_slice %arg5[%dma_wait3A_223] : memref<6400xi32, #tpu.memory_space<vmem>> -> memref<400xi32, #tpu.memory_space<vmem>>
    %dma_wait3A_225 = arith.constant 0 : i32
    %dma_wait3A_226 = arith.constant 0 : i32
    %dma_wait3A_227 = tpu.memref_slice %arg3[%dma_wait3A_225, %dma_wait3A_226] : memref<100000x64xf32, #tpu.memory_space<hbm>> -> memref<100000x64xf32, #tpu.memory_space<hbm>>
    tpu.wait_indirect_dma semaphore(%arg13 : memref<!tpu.dma_semaphore, #tpu.memory_space<semaphore_mem>>) src(%dma_wait3A_227 : memref<100000x64xf32, #tpu.memory_space<hbm>>) dst(%arg9 : memref<400x64xf32, #tpu.memory_space<vmem>>)
    %add3A_228 = arith.constant 4400 : i32
    %add3A_229 = arith.addi %mul3A_2, %add3A_228 : i32
    %dma_start3A_230 = arith.constant 0 : i32
    %dma_start3A_231 = tpu.memref_slice %arg4[%add3A_229, %dma_start3A_230] : memref<204800x64xf32, #tpu.memory_space<hbm>> -> memref<400x64xf32, #tpu.memory_space<hbm>>
    %dma_start3A_232 = arith.constant 0 : i32
    %dma_start3A_233 = tpu.memref_slice %arg4[%add3A_229, %dma_start3A_232] : memref<204800x64xf32, #tpu.memory_space<hbm>> -> memref<400x64xf32, #tpu.memory_space<hbm>>
    tpu.enqueue_dma source(%arg9 : memref<400x64xf32, #tpu.memory_space<vmem>>) target(%dma_start3A_233 : memref<400x64xf32, #tpu.memory_space<hbm>>) target_semaphore(%arg17 : memref<!tpu.dma_semaphore, #tpu.memory_space<semaphore_mem>>)
    %dma_wait3A_234 = arith.constant 0 : i32
    %dma_wait3A_235 = tpu.memref_slice %arg4[%add3A_189, %dma_wait3A_234] : memref<204800x64xf32, #tpu.memory_space<hbm>> -> memref<400x64xf32, #tpu.memory_space<hbm>>
    %dma_wait3A_236 = arith.constant 0 : i32
    %dma_wait3A_237 = tpu.memref_slice %arg4[%add3A_189, %dma_wait3A_236] : memref<204800x64xf32, #tpu.memory_space<hbm>> -> memref<400x64xf32, #tpu.memory_space<hbm>>
    tpu.wait_dma2 semaphore(%arg15 : memref<!tpu.dma_semaphore, #tpu.memory_space<semaphore_mem>>) src(%arg7 : memref<400x64xf32, #tpu.memory_space<vmem>>) dst(%dma_wait3A_237 : memref<400x64xf32, #tpu.memory_space<hbm>>)
    %dma_start3A_238 = arith.constant 5200 : i32
    %dma_start3A_239 = tpu.memref_slice %arg5[%dma_start3A_238] : memref<6400xi32, #tpu.memory_space<vmem>> -> memref<400xi32, #tpu.memory_space<vmem>>
    %dma_start3A_240 = arith.constant 0 : i32
    %dma_start3A_241 = arith.constant 0 : i32
    %dma_start3A_242 = tpu.memref_slice %arg3[%dma_start3A_240, %dma_start3A_241] : memref<100000x64xf32, #tpu.memory_space<hbm>> -> memref<100000x64xf32, #tpu.memory_space<hbm>>
    tpu.enqueue_indirect_dma source(%dma_start3A_242 : memref<100000x64xf32, #tpu.memory_space<hbm>>) target(%arg7 : memref<400x64xf32, #tpu.memory_space<vmem>>) offsets(%dma_start3A_239 : memref<400xi32, #tpu.memory_space<vmem>>) semaphore(%arg11 : memref<!tpu.dma_semaphore, #tpu.memory_space<semaphore_mem>>)
    %dma_wait3A_243 = arith.constant 4800 : i32
    %dma_wait3A_244 = tpu.memref_slice %arg5[%dma_wait3A_243] : memref<6400xi32, #tpu.memory_space<vmem>> -> memref<400xi32, #tpu.memory_space<vmem>>
    %dma_wait3A_245 = arith.constant 0 : i32
    %dma_wait3A_246 = arith.constant 0 : i32
    %dma_wait3A_247 = tpu.memref_slice %arg3[%dma_wait3A_245, %dma_wait3A_246] : memref<100000x64xf32, #tpu.memory_space<hbm>> -> memref<100000x64xf32, #tpu.memory_space<hbm>>
    tpu.wait_indirect_dma semaphore(%arg10 : memref<!tpu.dma_semaphore, #tpu.memory_space<semaphore_mem>>) src(%dma_wait3A_247 : memref<100000x64xf32, #tpu.memory_space<hbm>>) dst(%arg6 : memref<400x64xf32, #tpu.memory_space<vmem>>)
    %add3A_248 = arith.constant 4800 : i32
    %add3A_249 = arith.addi %mul3A_2, %add3A_248 : i32
    %dma_start3A_250 = arith.constant 0 : i32
    %dma_start3A_251 = tpu.memref_slice %arg4[%add3A_249, %dma_start3A_250] : memref<204800x64xf32, #tpu.memory_space<hbm>> -> memref<400x64xf32, #tpu.memory_space<hbm>>
    %dma_start3A_252 = arith.constant 0 : i32
    %dma_start3A_253 = tpu.memref_slice %arg4[%add3A_249, %dma_start3A_252] : memref<204800x64xf32, #tpu.memory_space<hbm>> -> memref<400x64xf32, #tpu.memory_space<hbm>>
    tpu.enqueue_dma source(%arg6 : memref<400x64xf32, #tpu.memory_space<vmem>>) target(%dma_start3A_253 : memref<400x64xf32, #tpu.memory_space<hbm>>) target_semaphore(%arg14 : memref<!tpu.dma_semaphore, #tpu.memory_space<semaphore_mem>>)
    %dma_wait3A_254 = arith.constant 0 : i32
    %dma_wait3A_255 = tpu.memref_slice %arg4[%add3A_209, %dma_wait3A_254] : memref<204800x64xf32, #tpu.memory_space<hbm>> -> memref<400x64xf32, #tpu.memory_space<hbm>>
    %dma_wait3A_256 = arith.constant 0 : i32
    %dma_wait3A_257 = tpu.memref_slice %arg4[%add3A_209, %dma_wait3A_256] : memref<204800x64xf32, #tpu.memory_space<hbm>> -> memref<400x64xf32, #tpu.memory_space<hbm>>
    tpu.wait_dma2 semaphore(%arg16 : memref<!tpu.dma_semaphore, #tpu.memory_space<semaphore_mem>>) src(%arg8 : memref<400x64xf32, #tpu.memory_space<vmem>>) dst(%dma_wait3A_257 : memref<400x64xf32, #tpu.memory_space<hbm>>)
    %dma_start3A_258 = arith.constant 5600 : i32
    %dma_start3A_259 = tpu.memref_slice %arg5[%dma_start3A_258] : memref<6400xi32, #tpu.memory_space<vmem>> -> memref<400xi32, #tpu.memory_space<vmem>>
    %dma_start3A_260 = arith.constant 0 : i32
    %dma_start3A_261 = arith.constant 0 : i32
    %dma_start3A_262 = tpu.memref_slice %arg3[%dma_start3A_260, %dma_start3A_261] : memref<100000x64xf32, #tpu.memory_space<hbm>> -> memref<100000x64xf32, #tpu.memory_space<hbm>>
    tpu.enqueue_indirect_dma source(%dma_start3A_262 : memref<100000x64xf32, #tpu.memory_space<hbm>>) target(%arg8 : memref<400x64xf32, #tpu.memory_space<vmem>>) offsets(%dma_start3A_259 : memref<400xi32, #tpu.memory_space<vmem>>) semaphore(%arg12 : memref<!tpu.dma_semaphore, #tpu.memory_space<semaphore_mem>>)
    %dma_wait3A_263 = arith.constant 5200 : i32
    %dma_wait3A_264 = tpu.memref_slice %arg5[%dma_wait3A_263] : memref<6400xi32, #tpu.memory_space<vmem>> -> memref<400xi32, #tpu.memory_space<vmem>>
    %dma_wait3A_265 = arith.constant 0 : i32
    %dma_wait3A_266 = arith.constant 0 : i32
    %dma_wait3A_267 = tpu.memref_slice %arg3[%dma_wait3A_265, %dma_wait3A_266] : memref<100000x64xf32, #tpu.memory_space<hbm>> -> memref<100000x64xf32, #tpu.memory_space<hbm>>
    tpu.wait_indirect_dma semaphore(%arg11 : memref<!tpu.dma_semaphore, #tpu.memory_space<semaphore_mem>>) src(%dma_wait3A_267 : memref<100000x64xf32, #tpu.memory_space<hbm>>) dst(%arg7 : memref<400x64xf32, #tpu.memory_space<vmem>>)
    %add3A_268 = arith.constant 5200 : i32
    %add3A_269 = arith.addi %mul3A_2, %add3A_268 : i32
    %dma_start3A_270 = arith.constant 0 : i32
    %dma_start3A_271 = tpu.memref_slice %arg4[%add3A_269, %dma_start3A_270] : memref<204800x64xf32, #tpu.memory_space<hbm>> -> memref<400x64xf32, #tpu.memory_space<hbm>>
    %dma_start3A_272 = arith.constant 0 : i32
    %dma_start3A_273 = tpu.memref_slice %arg4[%add3A_269, %dma_start3A_272] : memref<204800x64xf32, #tpu.memory_space<hbm>> -> memref<400x64xf32, #tpu.memory_space<hbm>>
    tpu.enqueue_dma source(%arg7 : memref<400x64xf32, #tpu.memory_space<vmem>>) target(%dma_start3A_273 : memref<400x64xf32, #tpu.memory_space<hbm>>) target_semaphore(%arg15 : memref<!tpu.dma_semaphore, #tpu.memory_space<semaphore_mem>>)
    %dma_wait3A_274 = arith.constant 0 : i32
    %dma_wait3A_275 = tpu.memref_slice %arg4[%add3A_229, %dma_wait3A_274] : memref<204800x64xf32, #tpu.memory_space<hbm>> -> memref<400x64xf32, #tpu.memory_space<hbm>>
    %dma_wait3A_276 = arith.constant 0 : i32
    %dma_wait3A_277 = tpu.memref_slice %arg4[%add3A_229, %dma_wait3A_276] : memref<204800x64xf32, #tpu.memory_space<hbm>> -> memref<400x64xf32, #tpu.memory_space<hbm>>
    tpu.wait_dma2 semaphore(%arg17 : memref<!tpu.dma_semaphore, #tpu.memory_space<semaphore_mem>>) src(%arg9 : memref<400x64xf32, #tpu.memory_space<vmem>>) dst(%dma_wait3A_277 : memref<400x64xf32, #tpu.memory_space<hbm>>)
    %dma_start3A_278 = arith.constant 6000 : i32
    %dma_start3A_279 = tpu.memref_slice %arg5[%dma_start3A_278] : memref<6400xi32, #tpu.memory_space<vmem>> -> memref<400xi32, #tpu.memory_space<vmem>>
    %dma_start3A_280 = arith.constant 0 : i32
    %dma_start3A_281 = arith.constant 0 : i32
    %dma_start3A_282 = tpu.memref_slice %arg3[%dma_start3A_280, %dma_start3A_281] : memref<100000x64xf32, #tpu.memory_space<hbm>> -> memref<100000x64xf32, #tpu.memory_space<hbm>>
    tpu.enqueue_indirect_dma source(%dma_start3A_282 : memref<100000x64xf32, #tpu.memory_space<hbm>>) target(%arg9 : memref<400x64xf32, #tpu.memory_space<vmem>>) offsets(%dma_start3A_279 : memref<400xi32, #tpu.memory_space<vmem>>) semaphore(%arg13 : memref<!tpu.dma_semaphore, #tpu.memory_space<semaphore_mem>>)
    %dma_wait3A_283 = arith.constant 5600 : i32
    %dma_wait3A_284 = tpu.memref_slice %arg5[%dma_wait3A_283] : memref<6400xi32, #tpu.memory_space<vmem>> -> memref<400xi32, #tpu.memory_space<vmem>>
    %dma_wait3A_285 = arith.constant 0 : i32
    %dma_wait3A_286 = arith.constant 0 : i32
    %dma_wait3A_287 = tpu.memref_slice %arg3[%dma_wait3A_285, %dma_wait3A_286] : memref<100000x64xf32, #tpu.memory_space<hbm>> -> memref<100000x64xf32, #tpu.memory_space<hbm>>
    tpu.wait_indirect_dma semaphore(%arg12 : memref<!tpu.dma_semaphore, #tpu.memory_space<semaphore_mem>>) src(%dma_wait3A_287 : memref<100000x64xf32, #tpu.memory_space<hbm>>) dst(%arg8 : memref<400x64xf32, #tpu.memory_space<vmem>>)
    %add3A_288 = arith.constant 5600 : i32
    %add3A_289 = arith.addi %mul3A_2, %add3A_288 : i32
    %dma_start3A_290 = arith.constant 0 : i32
    %dma_start3A_291 = tpu.memref_slice %arg4[%add3A_289, %dma_start3A_290] : memref<204800x64xf32, #tpu.memory_space<hbm>> -> memref<400x64xf32, #tpu.memory_space<hbm>>
    %dma_start3A_292 = arith.constant 0 : i32
    %dma_start3A_293 = tpu.memref_slice %arg4[%add3A_289, %dma_start3A_292] : memref<204800x64xf32, #tpu.memory_space<hbm>> -> memref<400x64xf32, #tpu.memory_space<hbm>>
    tpu.enqueue_dma source(%arg8 : memref<400x64xf32, #tpu.memory_space<vmem>>) target(%dma_start3A_293 : memref<400x64xf32, #tpu.memory_space<hbm>>) target_semaphore(%arg16 : memref<!tpu.dma_semaphore, #tpu.memory_space<semaphore_mem>>)
    %dma_wait3A_294 = arith.constant 6000 : i32
    %dma_wait3A_295 = tpu.memref_slice %arg5[%dma_wait3A_294] : memref<6400xi32, #tpu.memory_space<vmem>> -> memref<400xi32, #tpu.memory_space<vmem>>
    %dma_wait3A_296 = arith.constant 0 : i32
    %dma_wait3A_297 = arith.constant 0 : i32
    %dma_wait3A_298 = tpu.memref_slice %arg3[%dma_wait3A_296, %dma_wait3A_297] : memref<100000x64xf32, #tpu.memory_space<hbm>> -> memref<100000x64xf32, #tpu.memory_space<hbm>>
    tpu.wait_indirect_dma semaphore(%arg13 : memref<!tpu.dma_semaphore, #tpu.memory_space<semaphore_mem>>) src(%dma_wait3A_298 : memref<100000x64xf32, #tpu.memory_space<hbm>>) dst(%arg9 : memref<400x64xf32, #tpu.memory_space<vmem>>)
    %add3A_299 = arith.constant 6000 : i32
    %add3A_300 = arith.addi %mul3A_2, %add3A_299 : i32
    %dma_start3A_301 = arith.constant 0 : i32
    %dma_start3A_302 = tpu.memref_slice %arg4[%add3A_300, %dma_start3A_301] : memref<204800x64xf32, #tpu.memory_space<hbm>> -> memref<400x64xf32, #tpu.memory_space<hbm>>
    %dma_start3A_303 = arith.constant 0 : i32
    %dma_start3A_304 = tpu.memref_slice %arg4[%add3A_300, %dma_start3A_303] : memref<204800x64xf32, #tpu.memory_space<hbm>> -> memref<400x64xf32, #tpu.memory_space<hbm>>
    tpu.enqueue_dma source(%arg9 : memref<400x64xf32, #tpu.memory_space<vmem>>) target(%dma_start3A_304 : memref<400x64xf32, #tpu.memory_space<hbm>>) target_semaphore(%arg17 : memref<!tpu.dma_semaphore, #tpu.memory_space<semaphore_mem>>)
    %dma_wait3A_305 = arith.constant 0 : i32
    %dma_wait3A_306 = tpu.memref_slice %arg4[%add3A_269, %dma_wait3A_305] : memref<204800x64xf32, #tpu.memory_space<hbm>> -> memref<400x64xf32, #tpu.memory_space<hbm>>
    %dma_wait3A_307 = arith.constant 0 : i32
    %dma_wait3A_308 = tpu.memref_slice %arg4[%add3A_269, %dma_wait3A_307] : memref<204800x64xf32, #tpu.memory_space<hbm>> -> memref<400x64xf32, #tpu.memory_space<hbm>>
    tpu.wait_dma2 semaphore(%arg15 : memref<!tpu.dma_semaphore, #tpu.memory_space<semaphore_mem>>) src(%arg7 : memref<400x64xf32, #tpu.memory_space<vmem>>) dst(%dma_wait3A_308 : memref<400x64xf32, #tpu.memory_space<hbm>>)
    %dma_wait3A_309 = arith.constant 0 : i32
    %dma_wait3A_310 = tpu.memref_slice %arg4[%add3A_289, %dma_wait3A_309] : memref<204800x64xf32, #tpu.memory_space<hbm>> -> memref<400x64xf32, #tpu.memory_space<hbm>>
    %dma_wait3A_311 = arith.constant 0 : i32
    %dma_wait3A_312 = tpu.memref_slice %arg4[%add3A_289, %dma_wait3A_311] : memref<204800x64xf32, #tpu.memory_space<hbm>> -> memref<400x64xf32, #tpu.memory_space<hbm>>
    tpu.wait_dma2 semaphore(%arg16 : memref<!tpu.dma_semaphore, #tpu.memory_space<semaphore_mem>>) src(%arg8 : memref<400x64xf32, #tpu.memory_space<vmem>>) dst(%dma_wait3A_312 : memref<400x64xf32, #tpu.memory_space<hbm>>)
    %dma_wait3A_313 = arith.constant 0 : i32
    %dma_wait3A_314 = tpu.memref_slice %arg4[%add3A_300, %dma_wait3A_313] : memref<204800x64xf32, #tpu.memory_space<hbm>> -> memref<400x64xf32, #tpu.memory_space<hbm>>
    %dma_wait3A_315 = arith.constant 0 : i32
    %dma_wait3A_316 = tpu.memref_slice %arg4[%add3A_300, %dma_wait3A_315] : memref<204800x64xf32, #tpu.memory_space<hbm>> -> memref<400x64xf32, #tpu.memory_space<hbm>>
    tpu.wait_dma2 semaphore(%arg17 : memref<!tpu.dma_semaphore, #tpu.memory_space<semaphore_mem>>) src(%arg9 : memref<400x64xf32, #tpu.memory_space<vmem>>) dst(%dma_wait3A_316 : memref<400x64xf32, #tpu.memory_space<hbm>>)
    %dma_wait3A_317 = arith.constant 0 : i32
    %dma_wait3A_318 = tpu.memref_slice %arg4[%add3A_249, %dma_wait3A_317] : memref<204800x64xf32, #tpu.memory_space<hbm>> -> memref<400x64xf32, #tpu.memory_space<hbm>>
    %dma_wait3A_319 = arith.constant 0 : i32
    %dma_wait3A_320 = tpu.memref_slice %arg4[%add3A_249, %dma_wait3A_319] : memref<204800x64xf32, #tpu.memory_space<hbm>> -> memref<400x64xf32, #tpu.memory_space<hbm>>
    tpu.wait_dma2 semaphore(%arg14 : memref<!tpu.dma_semaphore, #tpu.memory_space<semaphore_mem>>) src(%arg6 : memref<400x64xf32, #tpu.memory_space<vmem>>) dst(%dma_wait3A_320 : memref<400x64xf32, #tpu.memory_space<hbm>>)
    return
  }
}

#map = affine_map<(d0, d1) -> (0)>
#map1 = affine_map<(d0, d1) -> (0, 0)>
module attributes {stable_mosaic.version = 14 : i64} {
  func.func @gather_kernel(%arg0: i32, %arg1: i32, %arg2: memref<204800xi32, #tpu.memory_space<hbm>>, %arg3: memref<100000x64xf32, #tpu.memory_space<hbm>>, %arg4: memref<204800x64xf32, #tpu.memory_space<hbm>>, %arg5: memref<6400xi32, #tpu.memory_space<vmem>>, %arg6: memref<400x64xf32, #tpu.memory_space<vmem>>, %arg7: memref<400x64xf32, #tpu.memory_space<vmem>>, %arg8: memref<400x64xf32, #tpu.memory_space<vmem>>, %arg9: memref<400x64xf32, #tpu.memory_space<vmem>>, %arg10: memref<!tpu.dma_semaphore, #tpu.memory_space<semaphore_mem>>, %arg11: memref<!tpu.dma_semaphore, #tpu.memory_space<semaphore_mem>>, %arg12: memref<!tpu.dma_semaphore, #tpu.memory_space<semaphore_mem>>, %arg13: memref<!tpu.dma_semaphore, #tpu.memory_space<semaphore_mem>>, %arg14: memref<!tpu.dma_semaphore, #tpu.memory_space<semaphore_mem>>, %arg15: memref<!tpu.dma_semaphore, #tpu.memory_space<semaphore_mem>>, %arg16: memref<!tpu.dma_semaphore, #tpu.memory_space<semaphore_mem>>, %arg17: memref<!tpu.dma_semaphore, #tpu.memory_space<semaphore_mem>>) attributes {dimension_semantics = [#tpu.dimension_semantics<core_parallel>, #tpu.dimension_semantics<subcore_parallel>], iteration_bounds = array<i64: 2, 16>, scalar_prefetch = 0 : i64, scratch_operands = 13 : i64, tpu.core_type = #tpu.core_type<sc_vector_subcore>, window_params = [{transform_indices = #map}, {transform_indices = #map1}, {transform_indices = #map1}]} {
    %mul3A = arith.constant 2 : i32
    %mul3A_0 = arith.muli %arg1, %mul3A : i32
    %add3A = arith.addi %mul3A_0, %arg0 : i32
    %mul3A_1 = arith.constant 6400 : i32
    %mul3A_2 = arith.muli %add3A, %mul3A_1 : i32
    "tpu.region"() ({
      %run_scoped3A = tpu.sem_alloc : memref<!tpu.dma_semaphore, #tpu.memory_space<semaphore_mem>>
      %dma_start3A_321 = tpu.memref_slice %arg2[%mul3A_2] : memref<204800xi32, #tpu.memory_space<hbm>> -> memref<6400xi32, #tpu.memory_space<hbm>>
      %dma_start3A_322 = tpu.memref_slice %arg2[%mul3A_2] : memref<204800xi32, #tpu.memory_space<hbm>> -> memref<6400xi32, #tpu.memory_space<hbm>>
      tpu.enqueue_dma source(%dma_start3A_322 : memref<6400xi32, #tpu.memory_space<hbm>>) target(%arg5 : memref<6400xi32, #tpu.memory_space<vmem>>) target_semaphore(%run_scoped3A : memref<!tpu.dma_semaphore, #tpu.memory_space<semaphore_mem>>)
      %dma_wait3A_323 = tpu.memref_slice %arg2[%mul3A_2] : memref<204800xi32, #tpu.memory_space<hbm>> -> memref<6400xi32, #tpu.memory_space<hbm>>
      %dma_wait3A_324 = tpu.memref_slice %arg2[%mul3A_2] : memref<204800xi32, #tpu.memory_space<hbm>> -> memref<6400xi32, #tpu.memory_space<hbm>>
      tpu.wait_dma2 semaphore(%run_scoped3A : memref<!tpu.dma_semaphore, #tpu.memory_space<semaphore_mem>>) src(%dma_wait3A_324 : memref<6400xi32, #tpu.memory_space<hbm>>) dst(%arg5 : memref<6400xi32, #tpu.memory_space<vmem>>)
      tpu.yield
    }) : () -> ()
    %dma_start3A = arith.constant 0 : i32
    %dma_start3A_3 = tpu.memref_slice %arg5[%dma_start3A] : memref<6400xi32, #tpu.memory_space<vmem>> -> memref<400xi32, #tpu.memory_space<vmem>>
    %dma_start3A_4 = arith.constant 0 : i32
    %dma_start3A_5 = arith.constant 0 : i32
    %dma_start3A_6 = tpu.memref_slice %arg3[%dma_start3A_4, %dma_start3A_5] : memref<100000x64xf32, #tpu.memory_space<hbm>> -> memref<100000x64xf32, #tpu.memory_space<hbm>>
    tpu.enqueue_indirect_dma source(%dma_start3A_6 : memref<100000x64xf32, #tpu.memory_space<hbm>>) target(%arg6 : memref<400x64xf32, #tpu.memory_space<vmem>>) offsets(%dma_start3A_3 : memref<400xi32, #tpu.memory_space<vmem>>) semaphore(%arg10 : memref<!tpu.dma_semaphore, #tpu.memory_space<semaphore_mem>>)
    %dma_start3A_7 = arith.constant 400 : i32
    %dma_start3A_8 = tpu.memref_slice %arg5[%dma_start3A_7] : memref<6400xi32, #tpu.memory_space<vmem>> -> memref<400xi32, #tpu.memory_space<vmem>>
    %dma_start3A_9 = arith.constant 0 : i32
    %dma_start3A_10 = arith.constant 0 : i32
    %dma_start3A_11 = tpu.memref_slice %arg3[%dma_start3A_9, %dma_start3A_10] : memref<100000x64xf32, #tpu.memory_space<hbm>> -> memref<100000x64xf32, #tpu.memory_space<hbm>>
    tpu.enqueue_indirect_dma source(%dma_start3A_11 : memref<100000x64xf32, #tpu.memory_space<hbm>>) target(%arg7 : memref<400x64xf32, #tpu.memory_space<vmem>>) offsets(%dma_start3A_8 : memref<400xi32, #tpu.memory_space<vmem>>) semaphore(%arg11 : memref<!tpu.dma_semaphore, #tpu.memory_space<semaphore_mem>>)
    %dma_wait3A = arith.constant 0 : i32
    %dma_wait3A_12 = tpu.memref_slice %arg5[%dma_wait3A] : memref<6400xi32, #tpu.memory_space<vmem>> -> memref<400xi32, #tpu.memory_space<vmem>>
    %dma_wait3A_13 = arith.constant 0 : i32
    %dma_wait3A_14 = arith.constant 0 : i32
    %dma_wait3A_15 = tpu.memref_slice %arg3[%dma_wait3A_13, %dma_wait3A_14] : memref<100000x64xf32, #tpu.memory_space<hbm>> -> memref<100000x64xf32, #tpu.memory_space<hbm>>
    tpu.wait_indirect_dma semaphore(%arg10 : memref<!tpu.dma_semaphore, #tpu.memory_space<semaphore_mem>>) src(%dma_wait3A_15 : memref<100000x64xf32, #tpu.memory_space<hbm>>) dst(%arg6 : memref<400x64xf32, #tpu.memory_space<vmem>>)
    %add3A_16 = arith.constant 0 : i32
    %add3A_17 = arith.addi %mul3A_2, %add3A_16 : i32
    %dma_start3A_18 = arith.constant 0 : i32
    %dma_start3A_19 = tpu.memref_slice %arg4[%add3A_17, %dma_start3A_18] : memref<204800x64xf32, #tpu.memory_space<hbm>> -> memref<400x64xf32, #tpu.memory_space<hbm>>
    %dma_start3A_20 = arith.constant 0 : i32
    %dma_start3A_21 = tpu.memref_slice %arg4[%add3A_17, %dma_start3A_20] : memref<204800x64xf32, #tpu.memory_space<hbm>> -> memref<400x64xf32, #tpu.memory_space<hbm>>
    tpu.enqueue_dma source(%arg6 : memref<400x64xf32, #tpu.memory_space<vmem>>) target(%dma_start3A_21 : memref<400x64xf32, #tpu.memory_space<hbm>>) target_semaphore(%arg14 : memref<!tpu.dma_semaphore, #tpu.memory_space<semaphore_mem>>)
    %dma_start3A_22 = arith.constant 800 : i32
    %dma_start3A_23 = tpu.memref_slice %arg5[%dma_start3A_22] : memref<6400xi32, #tpu.memory_space<vmem>> -> memref<400xi32, #tpu.memory_space<vmem>>
    %dma_start3A_24 = arith.constant 0 : i32
    %dma_start3A_25 = arith.constant 0 : i32
    %dma_start3A_26 = tpu.memref_slice %arg3[%dma_start3A_24, %dma_start3A_25] : memref<100000x64xf32, #tpu.memory_space<hbm>> -> memref<100000x64xf32, #tpu.memory_space<hbm>>
    tpu.enqueue_indirect_dma source(%dma_start3A_26 : memref<100000x64xf32, #tpu.memory_space<hbm>>) target(%arg8 : memref<400x64xf32, #tpu.memory_space<vmem>>) offsets(%dma_start3A_23 : memref<400xi32, #tpu.memory_space<vmem>>) semaphore(%arg12 : memref<!tpu.dma_semaphore, #tpu.memory_space<semaphore_mem>>)
    %dma_wait3A_27 = arith.constant 400 : i32
    %dma_wait3A_28 = tpu.memref_slice %arg5[%dma_wait3A_27] : memref<6400xi32, #tpu.memory_space<vmem>> -> memref<400xi32, #tpu.memory_space<vmem>>
    %dma_wait3A_29 = arith.constant 0 : i32
    %dma_wait3A_30 = arith.constant 0 : i32
    %dma_wait3A_31 = tpu.memref_slice %arg3[%dma_wait3A_29, %dma_wait3A_30] : memref<100000x64xf32, #tpu.memory_space<hbm>> -> memref<100000x64xf32, #tpu.memory_space<hbm>>
    tpu.wait_indirect_dma semaphore(%arg11 : memref<!tpu.dma_semaphore, #tpu.memory_space<semaphore_mem>>) src(%dma_wait3A_31 : memref<100000x64xf32, #tpu.memory_space<hbm>>) dst(%arg7 : memref<400x64xf32, #tpu.memory_space<vmem>>)
    %add3A_32 = arith.constant 400 : i32
    %add3A_33 = arith.addi %mul3A_2, %add3A_32 : i32
    %dma_start3A_34 = arith.constant 0 : i32
    %dma_start3A_35 = tpu.memref_slice %arg4[%add3A_33, %dma_start3A_34] : memref<204800x64xf32, #tpu.memory_space<hbm>> -> memref<400x64xf32, #tpu.memory_space<hbm>>
    %dma_start3A_36 = arith.constant 0 : i32
    %dma_start3A_37 = tpu.memref_slice %arg4[%add3A_33, %dma_start3A_36] : memref<204800x64xf32, #tpu.memory_space<hbm>> -> memref<400x64xf32, #tpu.memory_space<hbm>>
    tpu.enqueue_dma source(%arg7 : memref<400x64xf32, #tpu.memory_space<vmem>>) target(%dma_start3A_37 : memref<400x64xf32, #tpu.memory_space<hbm>>) target_semaphore(%arg15 : memref<!tpu.dma_semaphore, #tpu.memory_space<semaphore_mem>>)
    %dma_start3A_38 = arith.constant 1200 : i32
    %dma_start3A_39 = tpu.memref_slice %arg5[%dma_start3A_38] : memref<6400xi32, #tpu.memory_space<vmem>> -> memref<400xi32, #tpu.memory_space<vmem>>
    %dma_start3A_40 = arith.constant 0 : i32
    %dma_start3A_41 = arith.constant 0 : i32
    %dma_start3A_42 = tpu.memref_slice %arg3[%dma_start3A_40, %dma_start3A_41] : memref<100000x64xf32, #tpu.memory_space<hbm>> -> memref<100000x64xf32, #tpu.memory_space<hbm>>
    tpu.enqueue_indirect_dma source(%dma_start3A_42 : memref<100000x64xf32, #tpu.memory_space<hbm>>) target(%arg9 : memref<400x64xf32, #tpu.memory_space<vmem>>) offsets(%dma_start3A_39 : memref<400xi32, #tpu.memory_space<vmem>>) semaphore(%arg13 : memref<!tpu.dma_semaphore, #tpu.memory_space<semaphore_mem>>)
    %dma_wait3A_43 = arith.constant 800 : i32
    %dma_wait3A_44 = tpu.memref_slice %arg5[%dma_wait3A_43] : memref<6400xi32, #tpu.memory_space<vmem>> -> memref<400xi32, #tpu.memory_space<vmem>>
    %dma_wait3A_45 = arith.constant 0 : i32
    %dma_wait3A_46 = arith.constant 0 : i32
    %dma_wait3A_47 = tpu.memref_slice %arg3[%dma_wait3A_45, %dma_wait3A_46] : memref<100000x64xf32, #tpu.memory_space<hbm>> -> memref<100000x64xf32, #tpu.memory_space<hbm>>
    tpu.wait_indirect_dma semaphore(%arg12 : memref<!tpu.dma_semaphore, #tpu.memory_space<semaphore_mem>>) src(%dma_wait3A_47 : memref<100000x64xf32, #tpu.memory_space<hbm>>) dst(%arg8 : memref<400x64xf32, #tpu.memory_space<vmem>>)
    %add3A_48 = arith.constant 800 : i32
    %add3A_49 = arith.addi %mul3A_2, %add3A_48 : i32
    %dma_start3A_50 = arith.constant 0 : i32
    %dma_start3A_51 = tpu.memref_slice %arg4[%add3A_49, %dma_start3A_50] : memref<204800x64xf32, #tpu.memory_space<hbm>> -> memref<400x64xf32, #tpu.memory_space<hbm>>
    %dma_start3A_52 = arith.constant 0 : i32
    %dma_start3A_53 = tpu.memref_slice %arg4[%add3A_49, %dma_start3A_52] : memref<204800x64xf32, #tpu.memory_space<hbm>> -> memref<400x64xf32, #tpu.memory_space<hbm>>
    tpu.enqueue_dma source(%arg8 : memref<400x64xf32, #tpu.memory_space<vmem>>) target(%dma_start3A_53 : memref<400x64xf32, #tpu.memory_space<hbm>>) target_semaphore(%arg16 : memref<!tpu.dma_semaphore, #tpu.memory_space<semaphore_mem>>)
    %dma_wait3A_54 = arith.constant 0 : i32
    %dma_wait3A_55 = tpu.memref_slice %arg4[%add3A_17, %dma_wait3A_54] : memref<204800x64xf32, #tpu.memory_space<hbm>> -> memref<400x64xf32, #tpu.memory_space<hbm>>
    %dma_wait3A_56 = arith.constant 0 : i32
    %dma_wait3A_57 = tpu.memref_slice %arg4[%add3A_17, %dma_wait3A_56] : memref<204800x64xf32, #tpu.memory_space<hbm>> -> memref<400x64xf32, #tpu.memory_space<hbm>>
    tpu.wait_dma2 semaphore(%arg14 : memref<!tpu.dma_semaphore, #tpu.memory_space<semaphore_mem>>) src(%arg6 : memref<400x64xf32, #tpu.memory_space<vmem>>) dst(%dma_wait3A_57 : memref<400x64xf32, #tpu.memory_space<hbm>>)
    %dma_start3A_58 = arith.constant 1600 : i32
    %dma_start3A_59 = tpu.memref_slice %arg5[%dma_start3A_58] : memref<6400xi32, #tpu.memory_space<vmem>> -> memref<400xi32, #tpu.memory_space<vmem>>
    %dma_start3A_60 = arith.constant 0 : i32
    %dma_start3A_61 = arith.constant 0 : i32
    %dma_start3A_62 = tpu.memref_slice %arg3[%dma_start3A_60, %dma_start3A_61] : memref<100000x64xf32, #tpu.memory_space<hbm>> -> memref<100000x64xf32, #tpu.memory_space<hbm>>
    tpu.enqueue_indirect_dma source(%dma_start3A_62 : memref<100000x64xf32, #tpu.memory_space<hbm>>) target(%arg6 : memref<400x64xf32, #tpu.memory_space<vmem>>) offsets(%dma_start3A_59 : memref<400xi32, #tpu.memory_space<vmem>>) semaphore(%arg10 : memref<!tpu.dma_semaphore, #tpu.memory_space<semaphore_mem>>)
    %dma_wait3A_63 = arith.constant 1200 : i32
    %dma_wait3A_64 = tpu.memref_slice %arg5[%dma_wait3A_63] : memref<6400xi32, #tpu.memory_space<vmem>> -> memref<400xi32, #tpu.memory_space<vmem>>
    %dma_wait3A_65 = arith.constant 0 : i32
    %dma_wait3A_66 = arith.constant 0 : i32
    %dma_wait3A_67 = tpu.memref_slice %arg3[%dma_wait3A_65, %dma_wait3A_66] : memref<100000x64xf32, #tpu.memory_space<hbm>> -> memref<100000x64xf32, #tpu.memory_space<hbm>>
    tpu.wait_indirect_dma semaphore(%arg13 : memref<!tpu.dma_semaphore, #tpu.memory_space<semaphore_mem>>) src(%dma_wait3A_67 : memref<100000x64xf32, #tpu.memory_space<hbm>>) dst(%arg9 : memref<400x64xf32, #tpu.memory_space<vmem>>)
    %add3A_68 = arith.constant 1200 : i32
    %add3A_69 = arith.addi %mul3A_2, %add3A_68 : i32
    %dma_start3A_70 = arith.constant 0 : i32
    %dma_start3A_71 = tpu.memref_slice %arg4[%add3A_69, %dma_start3A_70] : memref<204800x64xf32, #tpu.memory_space<hbm>> -> memref<400x64xf32, #tpu.memory_space<hbm>>
    %dma_start3A_72 = arith.constant 0 : i32
    %dma_start3A_73 = tpu.memref_slice %arg4[%add3A_69, %dma_start3A_72] : memref<204800x64xf32, #tpu.memory_space<hbm>> -> memref<400x64xf32, #tpu.memory_space<hbm>>
    tpu.enqueue_dma source(%arg9 : memref<400x64xf32, #tpu.memory_space<vmem>>) target(%dma_start3A_73 : memref<400x64xf32, #tpu.memory_space<hbm>>) target_semaphore(%arg17 : memref<!tpu.dma_semaphore, #tpu.memory_space<semaphore_mem>>)
    %dma_wait3A_74 = arith.constant 0 : i32
    %dma_wait3A_75 = tpu.memref_slice %arg4[%add3A_33, %dma_wait3A_74] : memref<204800x64xf32, #tpu.memory_space<hbm>> -> memref<400x64xf32, #tpu.memory_space<hbm>>
    %dma_wait3A_76 = arith.constant 0 : i32
    %dma_wait3A_77 = tpu.memref_slice %arg4[%add3A_33, %dma_wait3A_76] : memref<204800x64xf32, #tpu.memory_space<hbm>> -> memref<400x64xf32, #tpu.memory_space<hbm>>
    tpu.wait_dma2 semaphore(%arg15 : memref<!tpu.dma_semaphore, #tpu.memory_space<semaphore_mem>>) src(%arg7 : memref<400x64xf32, #tpu.memory_space<vmem>>) dst(%dma_wait3A_77 : memref<400x64xf32, #tpu.memory_space<hbm>>)
    %dma_start3A_78 = arith.constant 2000 : i32
    %dma_start3A_79 = tpu.memref_slice %arg5[%dma_start3A_78] : memref<6400xi32, #tpu.memory_space<vmem>> -> memref<400xi32, #tpu.memory_space<vmem>>
    %dma_start3A_80 = arith.constant 0 : i32
    %dma_start3A_81 = arith.constant 0 : i32
    %dma_start3A_82 = tpu.memref_slice %arg3[%dma_start3A_80, %dma_start3A_81] : memref<100000x64xf32, #tpu.memory_space<hbm>> -> memref<100000x64xf32, #tpu.memory_space<hbm>>
    tpu.enqueue_indirect_dma source(%dma_start3A_82 : memref<100000x64xf32, #tpu.memory_space<hbm>>) target(%arg7 : memref<400x64xf32, #tpu.memory_space<vmem>>) offsets(%dma_start3A_79 : memref<400xi32, #tpu.memory_space<vmem>>) semaphore(%arg11 : memref<!tpu.dma_semaphore, #tpu.memory_space<semaphore_mem>>)
    %dma_wait3A_83 = arith.constant 1600 : i32
    %dma_wait3A_84 = tpu.memref_slice %arg5[%dma_wait3A_83] : memref<6400xi32, #tpu.memory_space<vmem>> -> memref<400xi32, #tpu.memory_space<vmem>>
    %dma_wait3A_85 = arith.constant 0 : i32
    %dma_wait3A_86 = arith.constant 0 : i32
    %dma_wait3A_87 = tpu.memref_slice %arg3[%dma_wait3A_85, %dma_wait3A_86] : memref<100000x64xf32, #tpu.memory_space<hbm>> -> memref<100000x64xf32, #tpu.memory_space<hbm>>
    tpu.wait_indirect_dma semaphore(%arg10 : memref<!tpu.dma_semaphore, #tpu.memory_space<semaphore_mem>>) src(%dma_wait3A_87 : memref<100000x64xf32, #tpu.memory_space<hbm>>) dst(%arg6 : memref<400x64xf32, #tpu.memory_space<vmem>>)
    %add3A_88 = arith.constant 1600 : i32
    %add3A_89 = arith.addi %mul3A_2, %add3A_88 : i32
    %dma_start3A_90 = arith.constant 0 : i32
    %dma_start3A_91 = tpu.memref_slice %arg4[%add3A_89, %dma_start3A_90] : memref<204800x64xf32, #tpu.memory_space<hbm>> -> memref<400x64xf32, #tpu.memory_space<hbm>>
    %dma_start3A_92 = arith.constant 0 : i32
    %dma_start3A_93 = tpu.memref_slice %arg4[%add3A_89, %dma_start3A_92] : memref<204800x64xf32, #tpu.memory_space<hbm>> -> memref<400x64xf32, #tpu.memory_space<hbm>>
    tpu.enqueue_dma source(%arg6 : memref<400x64xf32, #tpu.memory_space<vmem>>) target(%dma_start3A_93 : memref<400x64xf32, #tpu.memory_space<hbm>>) target_semaphore(%arg14 : memref<!tpu.dma_semaphore, #tpu.memory_space<semaphore_mem>>)
    %dma_wait3A_94 = arith.constant 0 : i32
    %dma_wait3A_95 = tpu.memref_slice %arg4[%add3A_49, %dma_wait3A_94] : memref<204800x64xf32, #tpu.memory_space<hbm>> -> memref<400x64xf32, #tpu.memory_space<hbm>>
    %dma_wait3A_96 = arith.constant 0 : i32
    %dma_wait3A_97 = tpu.memref_slice %arg4[%add3A_49, %dma_wait3A_96] : memref<204800x64xf32, #tpu.memory_space<hbm>> -> memref<400x64xf32, #tpu.memory_space<hbm>>
    tpu.wait_dma2 semaphore(%arg16 : memref<!tpu.dma_semaphore, #tpu.memory_space<semaphore_mem>>) src(%arg8 : memref<400x64xf32, #tpu.memory_space<vmem>>) dst(%dma_wait3A_97 : memref<400x64xf32, #tpu.memory_space<hbm>>)
    %dma_start3A_98 = arith.constant 2400 : i32
    %dma_start3A_99 = tpu.memref_slice %arg5[%dma_start3A_98] : memref<6400xi32, #tpu.memory_space<vmem>> -> memref<400xi32, #tpu.memory_space<vmem>>
    %dma_start3A_100 = arith.constant 0 : i32
    %dma_start3A_101 = arith.constant 0 : i32
    %dma_start3A_102 = tpu.memref_slice %arg3[%dma_start3A_100, %dma_start3A_101] : memref<100000x64xf32, #tpu.memory_space<hbm>> -> memref<100000x64xf32, #tpu.memory_space<hbm>>
    tpu.enqueue_indirect_dma source(%dma_start3A_102 : memref<100000x64xf32, #tpu.memory_space<hbm>>) target(%arg8 : memref<400x64xf32, #tpu.memory_space<vmem>>) offsets(%dma_start3A_99 : memref<400xi32, #tpu.memory_space<vmem>>) semaphore(%arg12 : memref<!tpu.dma_semaphore, #tpu.memory_space<semaphore_mem>>)
    %dma_wait3A_103 = arith.constant 2000 : i32
    %dma_wait3A_104 = tpu.memref_slice %arg5[%dma_wait3A_103] : memref<6400xi32, #tpu.memory_space<vmem>> -> memref<400xi32, #tpu.memory_space<vmem>>
    %dma_wait3A_105 = arith.constant 0 : i32
    %dma_wait3A_106 = arith.constant 0 : i32
    %dma_wait3A_107 = tpu.memref_slice %arg3[%dma_wait3A_105, %dma_wait3A_106] : memref<100000x64xf32, #tpu.memory_space<hbm>> -> memref<100000x64xf32, #tpu.memory_space<hbm>>
    tpu.wait_indirect_dma semaphore(%arg11 : memref<!tpu.dma_semaphore, #tpu.memory_space<semaphore_mem>>) src(%dma_wait3A_107 : memref<100000x64xf32, #tpu.memory_space<hbm>>) dst(%arg7 : memref<400x64xf32, #tpu.memory_space<vmem>>)
    %add3A_108 = arith.constant 2000 : i32
    %add3A_109 = arith.addi %mul3A_2, %add3A_108 : i32
    %dma_start3A_110 = arith.constant 0 : i32
    %dma_start3A_111 = tpu.memref_slice %arg4[%add3A_109, %dma_start3A_110] : memref<204800x64xf32, #tpu.memory_space<hbm>> -> memref<400x64xf32, #tpu.memory_space<hbm>>
    %dma_start3A_112 = arith.constant 0 : i32
    %dma_start3A_113 = tpu.memref_slice %arg4[%add3A_109, %dma_start3A_112] : memref<204800x64xf32, #tpu.memory_space<hbm>> -> memref<400x64xf32, #tpu.memory_space<hbm>>
    tpu.enqueue_dma source(%arg7 : memref<400x64xf32, #tpu.memory_space<vmem>>) target(%dma_start3A_113 : memref<400x64xf32, #tpu.memory_space<hbm>>) target_semaphore(%arg15 : memref<!tpu.dma_semaphore, #tpu.memory_space<semaphore_mem>>)
    %dma_wait3A_114 = arith.constant 0 : i32
    %dma_wait3A_115 = tpu.memref_slice %arg4[%add3A_69, %dma_wait3A_114] : memref<204800x64xf32, #tpu.memory_space<hbm>> -> memref<400x64xf32, #tpu.memory_space<hbm>>
    %dma_wait3A_116 = arith.constant 0 : i32
    %dma_wait3A_117 = tpu.memref_slice %arg4[%add3A_69, %dma_wait3A_116] : memref<204800x64xf32, #tpu.memory_space<hbm>> -> memref<400x64xf32, #tpu.memory_space<hbm>>
    tpu.wait_dma2 semaphore(%arg17 : memref<!tpu.dma_semaphore, #tpu.memory_space<semaphore_mem>>) src(%arg9 : memref<400x64xf32, #tpu.memory_space<vmem>>) dst(%dma_wait3A_117 : memref<400x64xf32, #tpu.memory_space<hbm>>)
    %dma_start3A_118 = arith.constant 2800 : i32
    %dma_start3A_119 = tpu.memref_slice %arg5[%dma_start3A_118] : memref<6400xi32, #tpu.memory_space<vmem>> -> memref<400xi32, #tpu.memory_space<vmem>>
    %dma_start3A_120 = arith.constant 0 : i32
    %dma_start3A_121 = arith.constant 0 : i32
    %dma_start3A_122 = tpu.memref_slice %arg3[%dma_start3A_120, %dma_start3A_121] : memref<100000x64xf32, #tpu.memory_space<hbm>> -> memref<100000x64xf32, #tpu.memory_space<hbm>>
    tpu.enqueue_indirect_dma source(%dma_start3A_122 : memref<100000x64xf32, #tpu.memory_space<hbm>>) target(%arg9 : memref<400x64xf32, #tpu.memory_space<vmem>>) offsets(%dma_start3A_119 : memref<400xi32, #tpu.memory_space<vmem>>) semaphore(%arg13 : memref<!tpu.dma_semaphore, #tpu.memory_space<semaphore_mem>>)
    %dma_wait3A_123 = arith.constant 2400 : i32
    %dma_wait3A_124 = tpu.memref_slice %arg5[%dma_wait3A_123] : memref<6400xi32, #tpu.memory_space<vmem>> -> memref<400xi32, #tpu.memory_space<vmem>>
    %dma_wait3A_125 = arith.constant 0 : i32
    %dma_wait3A_126 = arith.constant 0 : i32
    %dma_wait3A_127 = tpu.memref_slice %arg3[%dma_wait3A_125, %dma_wait3A_126] : memref<100000x64xf32, #tpu.memory_space<hbm>> -> memref<100000x64xf32, #tpu.memory_space<hbm>>
    tpu.wait_indirect_dma semaphore(%arg12 : memref<!tpu.dma_semaphore, #tpu.memory_space<semaphore_mem>>) src(%dma_wait3A_127 : memref<100000x64xf32, #tpu.memory_space<hbm>>) dst(%arg8 : memref<400x64xf32, #tpu.memory_space<vmem>>)
    %add3A_128 = arith.constant 2400 : i32
    %add3A_129 = arith.addi %mul3A_2, %add3A_128 : i32
    %dma_start3A_130 = arith.constant 0 : i32
    %dma_start3A_131 = tpu.memref_slice %arg4[%add3A_129, %dma_start3A_130] : memref<204800x64xf32, #tpu.memory_space<hbm>> -> memref<400x64xf32, #tpu.memory_space<hbm>>
    %dma_start3A_132 = arith.constant 0 : i32
    %dma_start3A_133 = tpu.memref_slice %arg4[%add3A_129, %dma_start3A_132] : memref<204800x64xf32, #tpu.memory_space<hbm>> -> memref<400x64xf32, #tpu.memory_space<hbm>>
    tpu.enqueue_dma source(%arg8 : memref<400x64xf32, #tpu.memory_space<vmem>>) target(%dma_start3A_133 : memref<400x64xf32, #tpu.memory_space<hbm>>) target_semaphore(%arg16 : memref<!tpu.dma_semaphore, #tpu.memory_space<semaphore_mem>>)
    %dma_wait3A_134 = arith.constant 0 : i32
    %dma_wait3A_135 = tpu.memref_slice %arg4[%add3A_89, %dma_wait3A_134] : memref<204800x64xf32, #tpu.memory_space<hbm>> -> memref<400x64xf32, #tpu.memory_space<hbm>>
    %dma_wait3A_136 = arith.constant 0 : i32
    %dma_wait3A_137 = tpu.memref_slice %arg4[%add3A_89, %dma_wait3A_136] : memref<204800x64xf32, #tpu.memory_space<hbm>> -> memref<400x64xf32, #tpu.memory_space<hbm>>
    tpu.wait_dma2 semaphore(%arg14 : memref<!tpu.dma_semaphore, #tpu.memory_space<semaphore_mem>>) src(%arg6 : memref<400x64xf32, #tpu.memory_space<vmem>>) dst(%dma_wait3A_137 : memref<400x64xf32, #tpu.memory_space<hbm>>)
    %dma_start3A_138 = arith.constant 3200 : i32
    %dma_start3A_139 = tpu.memref_slice %arg5[%dma_start3A_138] : memref<6400xi32, #tpu.memory_space<vmem>> -> memref<400xi32, #tpu.memory_space<vmem>>
    %dma_start3A_140 = arith.constant 0 : i32
    %dma_start3A_141 = arith.constant 0 : i32
    %dma_start3A_142 = tpu.memref_slice %arg3[%dma_start3A_140, %dma_start3A_141] : memref<100000x64xf32, #tpu.memory_space<hbm>> -> memref<100000x64xf32, #tpu.memory_space<hbm>>
    tpu.enqueue_indirect_dma source(%dma_start3A_142 : memref<100000x64xf32, #tpu.memory_space<hbm>>) target(%arg6 : memref<400x64xf32, #tpu.memory_space<vmem>>) offsets(%dma_start3A_139 : memref<400xi32, #tpu.memory_space<vmem>>) semaphore(%arg10 : memref<!tpu.dma_semaphore, #tpu.memory_space<semaphore_mem>>)
    %dma_wait3A_143 = arith.constant 2800 : i32
    %dma_wait3A_144 = tpu.memref_slice %arg5[%dma_wait3A_143] : memref<6400xi32, #tpu.memory_space<vmem>> -> memref<400xi32, #tpu.memory_space<vmem>>
    %dma_wait3A_145 = arith.constant 0 : i32
    %dma_wait3A_146 = arith.constant 0 : i32
    %dma_wait3A_147 = tpu.memref_slice %arg3[%dma_wait3A_145, %dma_wait3A_146] : memref<100000x64xf32, #tpu.memory_space<hbm>> -> memref<100000x64xf32, #tpu.memory_space<hbm>>
    tpu.wait_indirect_dma semaphore(%arg13 : memref<!tpu.dma_semaphore, #tpu.memory_space<semaphore_mem>>) src(%dma_wait3A_147 : memref<100000x64xf32, #tpu.memory_space<hbm>>) dst(%arg9 : memref<400x64xf32, #tpu.memory_space<vmem>>)
    %add3A_148 = arith.constant 2800 : i32
    %add3A_149 = arith.addi %mul3A_2, %add3A_148 : i32
    %dma_start3A_150 = arith.constant 0 : i32
    %dma_start3A_151 = tpu.memref_slice %arg4[%add3A_149, %dma_start3A_150] : memref<204800x64xf32, #tpu.memory_space<hbm>> -> memref<400x64xf32, #tpu.memory_space<hbm>>
    %dma_start3A_152 = arith.constant 0 : i32
    %dma_start3A_153 = tpu.memref_slice %arg4[%add3A_149, %dma_start3A_152] : memref<204800x64xf32, #tpu.memory_space<hbm>> -> memref<400x64xf32, #tpu.memory_space<hbm>>
    tpu.enqueue_dma source(%arg9 : memref<400x64xf32, #tpu.memory_space<vmem>>) target(%dma_start3A_153 : memref<400x64xf32, #tpu.memory_space<hbm>>) target_semaphore(%arg17 : memref<!tpu.dma_semaphore, #tpu.memory_space<semaphore_mem>>)
    %dma_wait3A_154 = arith.constant 0 : i32
    %dma_wait3A_155 = tpu.memref_slice %arg4[%add3A_109, %dma_wait3A_154] : memref<204800x64xf32, #tpu.memory_space<hbm>> -> memref<400x64xf32, #tpu.memory_space<hbm>>
    %dma_wait3A_156 = arith.constant 0 : i32
    %dma_wait3A_157 = tpu.memref_slice %arg4[%add3A_109, %dma_wait3A_156] : memref<204800x64xf32, #tpu.memory_space<hbm>> -> memref<400x64xf32, #tpu.memory_space<hbm>>
    tpu.wait_dma2 semaphore(%arg15 : memref<!tpu.dma_semaphore, #tpu.memory_space<semaphore_mem>>) src(%arg7 : memref<400x64xf32, #tpu.memory_space<vmem>>) dst(%dma_wait3A_157 : memref<400x64xf32, #tpu.memory_space<hbm>>)
    %dma_start3A_158 = arith.constant 3600 : i32
    %dma_start3A_159 = tpu.memref_slice %arg5[%dma_start3A_158] : memref<6400xi32, #tpu.memory_space<vmem>> -> memref<400xi32, #tpu.memory_space<vmem>>
    %dma_start3A_160 = arith.constant 0 : i32
    %dma_start3A_161 = arith.constant 0 : i32
    %dma_start3A_162 = tpu.memref_slice %arg3[%dma_start3A_160, %dma_start3A_161] : memref<100000x64xf32, #tpu.memory_space<hbm>> -> memref<100000x64xf32, #tpu.memory_space<hbm>>
    tpu.enqueue_indirect_dma source(%dma_start3A_162 : memref<100000x64xf32, #tpu.memory_space<hbm>>) target(%arg7 : memref<400x64xf32, #tpu.memory_space<vmem>>) offsets(%dma_start3A_159 : memref<400xi32, #tpu.memory_space<vmem>>) semaphore(%arg11 : memref<!tpu.dma_semaphore, #tpu.memory_space<semaphore_mem>>)
    %dma_wait3A_163 = arith.constant 3200 : i32
    %dma_wait3A_164 = tpu.memref_slice %arg5[%dma_wait3A_163] : memref<6400xi32, #tpu.memory_space<vmem>> -> memref<400xi32, #tpu.memory_space<vmem>>
    %dma_wait3A_165 = arith.constant 0 : i32
    %dma_wait3A_166 = arith.constant 0 : i32
    %dma_wait3A_167 = tpu.memref_slice %arg3[%dma_wait3A_165, %dma_wait3A_166] : memref<100000x64xf32, #tpu.memory_space<hbm>> -> memref<100000x64xf32, #tpu.memory_space<hbm>>
    tpu.wait_indirect_dma semaphore(%arg10 : memref<!tpu.dma_semaphore, #tpu.memory_space<semaphore_mem>>) src(%dma_wait3A_167 : memref<100000x64xf32, #tpu.memory_space<hbm>>) dst(%arg6 : memref<400x64xf32, #tpu.memory_space<vmem>>)
    %add3A_168 = arith.constant 3200 : i32
    %add3A_169 = arith.addi %mul3A_2, %add3A_168 : i32
    %dma_start3A_170 = arith.constant 0 : i32
    %dma_start3A_171 = tpu.memref_slice %arg4[%add3A_169, %dma_start3A_170] : memref<204800x64xf32, #tpu.memory_space<hbm>> -> memref<400x64xf32, #tpu.memory_space<hbm>>
    %dma_start3A_172 = arith.constant 0 : i32
    %dma_start3A_173 = tpu.memref_slice %arg4[%add3A_169, %dma_start3A_172] : memref<204800x64xf32, #tpu.memory_space<hbm>> -> memref<400x64xf32, #tpu.memory_space<hbm>>
    tpu.enqueue_dma source(%arg6 : memref<400x64xf32, #tpu.memory_space<vmem>>) target(%dma_start3A_173 : memref<400x64xf32, #tpu.memory_space<hbm>>) target_semaphore(%arg14 : memref<!tpu.dma_semaphore, #tpu.memory_space<semaphore_mem>>)
    %dma_wait3A_174 = arith.constant 0 : i32
    %dma_wait3A_175 = tpu.memref_slice %arg4[%add3A_129, %dma_wait3A_174] : memref<204800x64xf32, #tpu.memory_space<hbm>> -> memref<400x64xf32, #tpu.memory_space<hbm>>
    %dma_wait3A_176 = arith.constant 0 : i32
    %dma_wait3A_177 = tpu.memref_slice %arg4[%add3A_129, %dma_wait3A_176] : memref<204800x64xf32, #tpu.memory_space<hbm>> -> memref<400x64xf32, #tpu.memory_space<hbm>>
    tpu.wait_dma2 semaphore(%arg16 : memref<!tpu.dma_semaphore, #tpu.memory_space<semaphore_mem>>) src(%arg8 : memref<400x64xf32, #tpu.memory_space<vmem>>) dst(%dma_wait3A_177 : memref<400x64xf32, #tpu.memory_space<hbm>>)
    %dma_start3A_178 = arith.constant 4000 : i32
    %dma_start3A_179 = tpu.memref_slice %arg5[%dma_start3A_178] : memref<6400xi32, #tpu.memory_space<vmem>> -> memref<400xi32, #tpu.memory_space<vmem>>
    %dma_start3A_180 = arith.constant 0 : i32
    %dma_start3A_181 = arith.constant 0 : i32
    %dma_start3A_182 = tpu.memref_slice %arg3[%dma_start3A_180, %dma_start3A_181] : memref<100000x64xf32, #tpu.memory_space<hbm>> -> memref<100000x64xf32, #tpu.memory_space<hbm>>
    tpu.enqueue_indirect_dma source(%dma_start3A_182 : memref<100000x64xf32, #tpu.memory_space<hbm>>) target(%arg8 : memref<400x64xf32, #tpu.memory_space<vmem>>) offsets(%dma_start3A_179 : memref<400xi32, #tpu.memory_space<vmem>>) semaphore(%arg12 : memref<!tpu.dma_semaphore, #tpu.memory_space<semaphore_mem>>)
    %dma_wait3A_183 = arith.constant 3600 : i32
    %dma_wait3A_184 = tpu.memref_slice %arg5[%dma_wait3A_183] : memref<6400xi32, #tpu.memory_space<vmem>> -> memref<400xi32, #tpu.memory_space<vmem>>
    %dma_wait3A_185 = arith.constant 0 : i32
    %dma_wait3A_186 = arith.constant 0 : i32
    %dma_wait3A_187 = tpu.memref_slice %arg3[%dma_wait3A_185, %dma_wait3A_186] : memref<100000x64xf32, #tpu.memory_space<hbm>> -> memref<100000x64xf32, #tpu.memory_space<hbm>>
    tpu.wait_indirect_dma semaphore(%arg11 : memref<!tpu.dma_semaphore, #tpu.memory_space<semaphore_mem>>) src(%dma_wait3A_187 : memref<100000x64xf32, #tpu.memory_space<hbm>>) dst(%arg7 : memref<400x64xf32, #tpu.memory_space<vmem>>)
    %add3A_188 = arith.constant 3600 : i32
    %add3A_189 = arith.addi %mul3A_2, %add3A_188 : i32
    %dma_start3A_190 = arith.constant 0 : i32
    %dma_start3A_191 = tpu.memref_slice %arg4[%add3A_189, %dma_start3A_190] : memref<204800x64xf32, #tpu.memory_space<hbm>> -> memref<400x64xf32, #tpu.memory_space<hbm>>
    %dma_start3A_192 = arith.constant 0 : i32
    %dma_start3A_193 = tpu.memref_slice %arg4[%add3A_189, %dma_start3A_192] : memref<204800x64xf32, #tpu.memory_space<hbm>> -> memref<400x64xf32, #tpu.memory_space<hbm>>
    tpu.enqueue_dma source(%arg7 : memref<400x64xf32, #tpu.memory_space<vmem>>) target(%dma_start3A_193 : memref<400x64xf32, #tpu.memory_space<hbm>>) target_semaphore(%arg15 : memref<!tpu.dma_semaphore, #tpu.memory_space<semaphore_mem>>)
    %dma_wait3A_194 = arith.constant 0 : i32
    %dma_wait3A_195 = tpu.memref_slice %arg4[%add3A_149, %dma_wait3A_194] : memref<204800x64xf32, #tpu.memory_space<hbm>> -> memref<400x64xf32, #tpu.memory_space<hbm>>
    %dma_wait3A_196 = arith.constant 0 : i32
    %dma_wait3A_197 = tpu.memref_slice %arg4[%add3A_149, %dma_wait3A_196] : memref<204800x64xf32, #tpu.memory_space<hbm>> -> memref<400x64xf32, #tpu.memory_space<hbm>>
    tpu.wait_dma2 semaphore(%arg17 : memref<!tpu.dma_semaphore, #tpu.memory_space<semaphore_mem>>) src(%arg9 : memref<400x64xf32, #tpu.memory_space<vmem>>) dst(%dma_wait3A_197 : memref<400x64xf32, #tpu.memory_space<hbm>>)
    %dma_start3A_198 = arith.constant 4400 : i32
    %dma_start3A_199 = tpu.memref_slice %arg5[%dma_start3A_198] : memref<6400xi32, #tpu.memory_space<vmem>> -> memref<400xi32, #tpu.memory_space<vmem>>
    %dma_start3A_200 = arith.constant 0 : i32
    %dma_start3A_201 = arith.constant 0 : i32
    %dma_start3A_202 = tpu.memref_slice %arg3[%dma_start3A_200, %dma_start3A_201] : memref<100000x64xf32, #tpu.memory_space<hbm>> -> memref<100000x64xf32, #tpu.memory_space<hbm>>
    tpu.enqueue_indirect_dma source(%dma_start3A_202 : memref<100000x64xf32, #tpu.memory_space<hbm>>) target(%arg9 : memref<400x64xf32, #tpu.memory_space<vmem>>) offsets(%dma_start3A_199 : memref<400xi32, #tpu.memory_space<vmem>>) semaphore(%arg13 : memref<!tpu.dma_semaphore, #tpu.memory_space<semaphore_mem>>)
    %dma_wait3A_203 = arith.constant 4000 : i32
    %dma_wait3A_204 = tpu.memref_slice %arg5[%dma_wait3A_203] : memref<6400xi32, #tpu.memory_space<vmem>> -> memref<400xi32, #tpu.memory_space<vmem>>
    %dma_wait3A_205 = arith.constant 0 : i32
    %dma_wait3A_206 = arith.constant 0 : i32
    %dma_wait3A_207 = tpu.memref_slice %arg3[%dma_wait3A_205, %dma_wait3A_206] : memref<100000x64xf32, #tpu.memory_space<hbm>> -> memref<100000x64xf32, #tpu.memory_space<hbm>>
    tpu.wait_indirect_dma semaphore(%arg12 : memref<!tpu.dma_semaphore, #tpu.memory_space<semaphore_mem>>) src(%dma_wait3A_207 : memref<100000x64xf32, #tpu.memory_space<hbm>>) dst(%arg8 : memref<400x64xf32, #tpu.memory_space<vmem>>)
    %add3A_208 = arith.constant 4000 : i32
    %add3A_209 = arith.addi %mul3A_2, %add3A_208 : i32
    %dma_start3A_210 = arith.constant 0 : i32
    %dma_start3A_211 = tpu.memref_slice %arg4[%add3A_209, %dma_start3A_210] : memref<204800x64xf32, #tpu.memory_space<hbm>> -> memref<400x64xf32, #tpu.memory_space<hbm>>
    %dma_start3A_212 = arith.constant 0 : i32
    %dma_start3A_213 = tpu.memref_slice %arg4[%add3A_209, %dma_start3A_212] : memref<204800x64xf32, #tpu.memory_space<hbm>> -> memref<400x64xf32, #tpu.memory_space<hbm>>
    tpu.enqueue_dma source(%arg8 : memref<400x64xf32, #tpu.memory_space<vmem>>) target(%dma_start3A_213 : memref<400x64xf32, #tpu.memory_space<hbm>>) target_semaphore(%arg16 : memref<!tpu.dma_semaphore, #tpu.memory_space<semaphore_mem>>)
    %dma_wait3A_214 = arith.constant 0 : i32
    %dma_wait3A_215 = tpu.memref_slice %arg4[%add3A_169, %dma_wait3A_214] : memref<204800x64xf32, #tpu.memory_space<hbm>> -> memref<400x64xf32, #tpu.memory_space<hbm>>
    %dma_wait3A_216 = arith.constant 0 : i32
    %dma_wait3A_217 = tpu.memref_slice %arg4[%add3A_169, %dma_wait3A_216] : memref<204800x64xf32, #tpu.memory_space<hbm>> -> memref<400x64xf32, #tpu.memory_space<hbm>>
    tpu.wait_dma2 semaphore(%arg14 : memref<!tpu.dma_semaphore, #tpu.memory_space<semaphore_mem>>) src(%arg6 : memref<400x64xf32, #tpu.memory_space<vmem>>) dst(%dma_wait3A_217 : memref<400x64xf32, #tpu.memory_space<hbm>>)
    %dma_start3A_218 = arith.constant 4800 : i32
    %dma_start3A_219 = tpu.memref_slice %arg5[%dma_start3A_218] : memref<6400xi32, #tpu.memory_space<vmem>> -> memref<400xi32, #tpu.memory_space<vmem>>
    %dma_start3A_220 = arith.constant 0 : i32
    %dma_start3A_221 = arith.constant 0 : i32
    %dma_start3A_222 = tpu.memref_slice %arg3[%dma_start3A_220, %dma_start3A_221] : memref<100000x64xf32, #tpu.memory_space<hbm>> -> memref<100000x64xf32, #tpu.memory_space<hbm>>
    tpu.enqueue_indirect_dma source(%dma_start3A_222 : memref<100000x64xf32, #tpu.memory_space<hbm>>) target(%arg6 : memref<400x64xf32, #tpu.memory_space<vmem>>) offsets(%dma_start3A_219 : memref<400xi32, #tpu.memory_space<vmem>>) semaphore(%arg10 : memref<!tpu.dma_semaphore, #tpu.memory_space<semaphore_mem>>)
    %dma_wait3A_223 = arith.constant 4400 : i32
    %dma_wait3A_224 = tpu.memref_slice %arg5[%dma_wait3A_223] : memref<6400xi32, #tpu.memory_space<vmem>> -> memref<400xi32, #tpu.memory_space<vmem>>
    %dma_wait3A_225 = arith.constant 0 : i32
    %dma_wait3A_226 = arith.constant 0 : i32
    %dma_wait3A_227 = tpu.memref_slice %arg3[%dma_wait3A_225, %dma_wait3A_226] : memref<100000x64xf32, #tpu.memory_space<hbm>> -> memref<100000x64xf32, #tpu.memory_space<hbm>>
    tpu.wait_indirect_dma semaphore(%arg13 : memref<!tpu.dma_semaphore, #tpu.memory_space<semaphore_mem>>) src(%dma_wait3A_227 : memref<100000x64xf32, #tpu.memory_space<hbm>>) dst(%arg9 : memref<400x64xf32, #tpu.memory_space<vmem>>)
    %add3A_228 = arith.constant 4400 : i32
    %add3A_229 = arith.addi %mul3A_2, %add3A_228 : i32
    %dma_start3A_230 = arith.constant 0 : i32
    %dma_start3A_231 = tpu.memref_slice %arg4[%add3A_229, %dma_start3A_230] : memref<204800x64xf32, #tpu.memory_space<hbm>> -> memref<400x64xf32, #tpu.memory_space<hbm>>
    %dma_start3A_232 = arith.constant 0 : i32
    %dma_start3A_233 = tpu.memref_slice %arg4[%add3A_229, %dma_start3A_232] : memref<204800x64xf32, #tpu.memory_space<hbm>> -> memref<400x64xf32, #tpu.memory_space<hbm>>
    tpu.enqueue_dma source(%arg9 : memref<400x64xf32, #tpu.memory_space<vmem>>) target(%dma_start3A_233 : memref<400x64xf32, #tpu.memory_space<hbm>>) target_semaphore(%arg17 : memref<!tpu.dma_semaphore, #tpu.memory_space<semaphore_mem>>)
    %dma_wait3A_234 = arith.constant 0 : i32
    %dma_wait3A_235 = tpu.memref_slice %arg4[%add3A_189, %dma_wait3A_234] : memref<204800x64xf32, #tpu.memory_space<hbm>> -> memref<400x64xf32, #tpu.memory_space<hbm>>
    %dma_wait3A_236 = arith.constant 0 : i32
    %dma_wait3A_237 = tpu.memref_slice %arg4[%add3A_189, %dma_wait3A_236] : memref<204800x64xf32, #tpu.memory_space<hbm>> -> memref<400x64xf32, #tpu.memory_space<hbm>>
    tpu.wait_dma2 semaphore(%arg15 : memref<!tpu.dma_semaphore, #tpu.memory_space<semaphore_mem>>) src(%arg7 : memref<400x64xf32, #tpu.memory_space<vmem>>) dst(%dma_wait3A_237 : memref<400x64xf32, #tpu.memory_space<hbm>>)
    %dma_start3A_238 = arith.constant 5200 : i32
    %dma_start3A_239 = tpu.memref_slice %arg5[%dma_start3A_238] : memref<6400xi32, #tpu.memory_space<vmem>> -> memref<400xi32, #tpu.memory_space<vmem>>
    %dma_start3A_240 = arith.constant 0 : i32
    %dma_start3A_241 = arith.constant 0 : i32
    %dma_start3A_242 = tpu.memref_slice %arg3[%dma_start3A_240, %dma_start3A_241] : memref<100000x64xf32, #tpu.memory_space<hbm>> -> memref<100000x64xf32, #tpu.memory_space<hbm>>
    tpu.enqueue_indirect_dma source(%dma_start3A_242 : memref<100000x64xf32, #tpu.memory_space<hbm>>) target(%arg7 : memref<400x64xf32, #tpu.memory_space<vmem>>) offsets(%dma_start3A_239 : memref<400xi32, #tpu.memory_space<vmem>>) semaphore(%arg11 : memref<!tpu.dma_semaphore, #tpu.memory_space<semaphore_mem>>)
    %dma_wait3A_243 = arith.constant 4800 : i32
    %dma_wait3A_244 = tpu.memref_slice %arg5[%dma_wait3A_243] : memref<6400xi32, #tpu.memory_space<vmem>> -> memref<400xi32, #tpu.memory_space<vmem>>
    %dma_wait3A_245 = arith.constant 0 : i32
    %dma_wait3A_246 = arith.constant 0 : i32
    %dma_wait3A_247 = tpu.memref_slice %arg3[%dma_wait3A_245, %dma_wait3A_246] : memref<100000x64xf32, #tpu.memory_space<hbm>> -> memref<100000x64xf32, #tpu.memory_space<hbm>>
    tpu.wait_indirect_dma semaphore(%arg10 : memref<!tpu.dma_semaphore, #tpu.memory_space<semaphore_mem>>) src(%dma_wait3A_247 : memref<100000x64xf32, #tpu.memory_space<hbm>>) dst(%arg6 : memref<400x64xf32, #tpu.memory_space<vmem>>)
    %add3A_248 = arith.constant 4800 : i32
    %add3A_249 = arith.addi %mul3A_2, %add3A_248 : i32
    %dma_start3A_250 = arith.constant 0 : i32
    %dma_start3A_251 = tpu.memref_slice %arg4[%add3A_249, %dma_start3A_250] : memref<204800x64xf32, #tpu.memory_space<hbm>> -> memref<400x64xf32, #tpu.memory_space<hbm>>
    %dma_start3A_252 = arith.constant 0 : i32
    %dma_start3A_253 = tpu.memref_slice %arg4[%add3A_249, %dma_start3A_252] : memref<204800x64xf32, #tpu.memory_space<hbm>> -> memref<400x64xf32, #tpu.memory_space<hbm>>
    tpu.enqueue_dma source(%arg6 : memref<400x64xf32, #tpu.memory_space<vmem>>) target(%dma_start3A_253 : memref<400x64xf32, #tpu.memory_space<hbm>>) target_semaphore(%arg14 : memref<!tpu.dma_semaphore, #tpu.memory_space<semaphore_mem>>)
    %dma_wait3A_254 = arith.constant 0 : i32
    %dma_wait3A_255 = tpu.memref_slice %arg4[%add3A_209, %dma_wait3A_254] : memref<204800x64xf32, #tpu.memory_space<hbm>> -> memref<400x64xf32, #tpu.memory_space<hbm>>
    %dma_wait3A_256 = arith.constant 0 : i32
    %dma_wait3A_257 = tpu.memref_slice %arg4[%add3A_209, %dma_wait3A_256] : memref<204800x64xf32, #tpu.memory_space<hbm>> -> memref<400x64xf32, #tpu.memory_space<hbm>>
    tpu.wait_dma2 semaphore(%arg16 : memref<!tpu.dma_semaphore, #tpu.memory_space<semaphore_mem>>) src(%arg8 : memref<400x64xf32, #tpu.memory_space<vmem>>) dst(%dma_wait3A_257 : memref<400x64xf32, #tpu.memory_space<hbm>>)
    %dma_start3A_258 = arith.constant 5600 : i32
    %dma_start3A_259 = tpu.memref_slice %arg5[%dma_start3A_258] : memref<6400xi32, #tpu.memory_space<vmem>> -> memref<400xi32, #tpu.memory_space<vmem>>
    %dma_start3A_260 = arith.constant 0 : i32
    %dma_start3A_261 = arith.constant 0 : i32
    %dma_start3A_262 = tpu.memref_slice %arg3[%dma_start3A_260, %dma_start3A_261] : memref<100000x64xf32, #tpu.memory_space<hbm>> -> memref<100000x64xf32, #tpu.memory_space<hbm>>
    tpu.enqueue_indirect_dma source(%dma_start3A_262 : memref<100000x64xf32, #tpu.memory_space<hbm>>) target(%arg8 : memref<400x64xf32, #tpu.memory_space<vmem>>) offsets(%dma_start3A_259 : memref<400xi32, #tpu.memory_space<vmem>>) semaphore(%arg12 : memref<!tpu.dma_semaphore, #tpu.memory_space<semaphore_mem>>)
    %dma_wait3A_263 = arith.constant 5200 : i32
    %dma_wait3A_264 = tpu.memref_slice %arg5[%dma_wait3A_263] : memref<6400xi32, #tpu.memory_space<vmem>> -> memref<400xi32, #tpu.memory_space<vmem>>
    %dma_wait3A_265 = arith.constant 0 : i32
    %dma_wait3A_266 = arith.constant 0 : i32
    %dma_wait3A_267 = tpu.memref_slice %arg3[%dma_wait3A_265, %dma_wait3A_266] : memref<100000x64xf32, #tpu.memory_space<hbm>> -> memref<100000x64xf32, #tpu.memory_space<hbm>>
    tpu.wait_indirect_dma semaphore(%arg11 : memref<!tpu.dma_semaphore, #tpu.memory_space<semaphore_mem>>) src(%dma_wait3A_267 : memref<100000x64xf32, #tpu.memory_space<hbm>>) dst(%arg7 : memref<400x64xf32, #tpu.memory_space<vmem>>)
    %add3A_268 = arith.constant 5200 : i32
    %add3A_269 = arith.addi %mul3A_2, %add3A_268 : i32
    %dma_start3A_270 = arith.constant 0 : i32
    %dma_start3A_271 = tpu.memref_slice %arg4[%add3A_269, %dma_start3A_270] : memref<204800x64xf32, #tpu.memory_space<hbm>> -> memref<400x64xf32, #tpu.memory_space<hbm>>
    %dma_start3A_272 = arith.constant 0 : i32
    %dma_start3A_273 = tpu.memref_slice %arg4[%add3A_269, %dma_start3A_272] : memref<204800x64xf32, #tpu.memory_space<hbm>> -> memref<400x64xf32, #tpu.memory_space<hbm>>
    tpu.enqueue_dma source(%arg7 : memref<400x64xf32, #tpu.memory_space<vmem>>) target(%dma_start3A_273 : memref<400x64xf32, #tpu.memory_space<hbm>>) target_semaphore(%arg15 : memref<!tpu.dma_semaphore, #tpu.memory_space<semaphore_mem>>)
    %dma_wait3A_274 = arith.constant 0 : i32
    %dma_wait3A_275 = tpu.memref_slice %arg4[%add3A_229, %dma_wait3A_274] : memref<204800x64xf32, #tpu.memory_space<hbm>> -> memref<400x64xf32, #tpu.memory_space<hbm>>
    %dma_wait3A_276 = arith.constant 0 : i32
    %dma_wait3A_277 = tpu.memref_slice %arg4[%add3A_229, %dma_wait3A_276] : memref<204800x64xf32, #tpu.memory_space<hbm>> -> memref<400x64xf32, #tpu.memory_space<hbm>>
    tpu.wait_dma2 semaphore(%arg17 : memref<!tpu.dma_semaphore, #tpu.memory_space<semaphore_mem>>) src(%arg9 : memref<400x64xf32, #tpu.memory_space<vmem>>) dst(%dma_wait3A_277 : memref<400x64xf32, #tpu.memory_space<hbm>>)
    %dma_start3A_278 = arith.constant 6000 : i32
    %dma_start3A_279 = tpu.memref_slice %arg5[%dma_start3A_278] : memref<6400xi32, #tpu.memory_space<vmem>> -> memref<400xi32, #tpu.memory_space<vmem>>
    %dma_start3A_280 = arith.constant 0 : i32
    %dma_start3A_281 = arith.constant 0 : i32
    %dma_start3A_282 = tpu.memref_slice %arg3[%dma_start3A_280, %dma_start3A_281] : memref<100000x64xf32, #tpu.memory_space<hbm>> -> memref<100000x64xf32, #tpu.memory_space<hbm>>
    tpu.enqueue_indirect_dma source(%dma_start3A_282 : memref<100000x64xf32, #tpu.memory_space<hbm>>) target(%arg9 : memref<400x64xf32, #tpu.memory_space<vmem>>) offsets(%dma_start3A_279 : memref<400xi32, #tpu.memory_space<vmem>>) semaphore(%arg13 : memref<!tpu.dma_semaphore, #tpu.memory_space<semaphore_mem>>)
    %dma_wait3A_283 = arith.constant 5600 : i32
    %dma_wait3A_284 = tpu.memref_slice %arg5[%dma_wait3A_283] : memref<6400xi32, #tpu.memory_space<vmem>> -> memref<400xi32, #tpu.memory_space<vmem>>
    %dma_wait3A_285 = arith.constant 0 : i32
    %dma_wait3A_286 = arith.constant 0 : i32
    %dma_wait3A_287 = tpu.memref_slice %arg3[%dma_wait3A_285, %dma_wait3A_286] : memref<100000x64xf32, #tpu.memory_space<hbm>> -> memref<100000x64xf32, #tpu.memory_space<hbm>>
    tpu.wait_indirect_dma semaphore(%arg12 : memref<!tpu.dma_semaphore, #tpu.memory_space<semaphore_mem>>) src(%dma_wait3A_287 : memref<100000x64xf32, #tpu.memory_space<hbm>>) dst(%arg8 : memref<400x64xf32, #tpu.memory_space<vmem>>)
    %add3A_288 = arith.constant 5600 : i32
    %add3A_289 = arith.addi %mul3A_2, %add3A_288 : i32
    %dma_start3A_290 = arith.constant 0 : i32
    %dma_start3A_291 = tpu.memref_slice %arg4[%add3A_289, %dma_start3A_290] : memref<204800x64xf32, #tpu.memory_space<hbm>> -> memref<400x64xf32, #tpu.memory_space<hbm>>
    %dma_start3A_292 = arith.constant 0 : i32
    %dma_start3A_293 = tpu.memref_slice %arg4[%add3A_289, %dma_start3A_292] : memref<204800x64xf32, #tpu.memory_space<hbm>> -> memref<400x64xf32, #tpu.memory_space<hbm>>
    tpu.enqueue_dma source(%arg8 : memref<400x64xf32, #tpu.memory_space<vmem>>) target(%dma_start3A_293 : memref<400x64xf32, #tpu.memory_space<hbm>>) target_semaphore(%arg16 : memref<!tpu.dma_semaphore, #tpu.memory_space<semaphore_mem>>)
    %dma_wait3A_294 = arith.constant 6000 : i32
    %dma_wait3A_295 = tpu.memref_slice %arg5[%dma_wait3A_294] : memref<6400xi32, #tpu.memory_space<vmem>> -> memref<400xi32, #tpu.memory_space<vmem>>
    %dma_wait3A_296 = arith.constant 0 : i32
    %dma_wait3A_297 = arith.constant 0 : i32
    %dma_wait3A_298 = tpu.memref_slice %arg3[%dma_wait3A_296, %dma_wait3A_297] : memref<100000x64xf32, #tpu.memory_space<hbm>> -> memref<100000x64xf32, #tpu.memory_space<hbm>>
    tpu.wait_indirect_dma semaphore(%arg13 : memref<!tpu.dma_semaphore, #tpu.memory_space<semaphore_mem>>) src(%dma_wait3A_298 : memref<100000x64xf32, #tpu.memory_space<hbm>>) dst(%arg9 : memref<400x64xf32, #tpu.memory_space<vmem>>)
    %add3A_299 = arith.constant 6000 : i32
    %add3A_300 = arith.addi %mul3A_2, %add3A_299 : i32
    %dma_start3A_301 = arith.constant 0 : i32
    %dma_start3A_302 = tpu.memref_slice %arg4[%add3A_300, %dma_start3A_301] : memref<204800x64xf32, #tpu.memory_space<hbm>> -> memref<400x64xf32, #tpu.memory_space<hbm>>
    %dma_start3A_303 = arith.constant 0 : i32
    %dma_start3A_304 = tpu.memref_slice %arg4[%add3A_300, %dma_start3A_303] : memref<204800x64xf32, #tpu.memory_space<hbm>> -> memref<400x64xf32, #tpu.memory_space<hbm>>
    tpu.enqueue_dma source(%arg9 : memref<400x64xf32, #tpu.memory_space<vmem>>) target(%dma_start3A_304 : memref<400x64xf32, #tpu.memory_space<hbm>>) target_semaphore(%arg17 : memref<!tpu.dma_semaphore, #tpu.memory_space<semaphore_mem>>)
    %dma_wait3A_305 = arith.constant 0 : i32
    %dma_wait3A_306 = tpu.memref_slice %arg4[%add3A_269, %dma_wait3A_305] : memref<204800x64xf32, #tpu.memory_space<hbm>> -> memref<400x64xf32, #tpu.memory_space<hbm>>
    %dma_wait3A_307 = arith.constant 0 : i32
    %dma_wait3A_308 = tpu.memref_slice %arg4[%add3A_269, %dma_wait3A_307] : memref<204800x64xf32, #tpu.memory_space<hbm>> -> memref<400x64xf32, #tpu.memory_space<hbm>>
    tpu.wait_dma2 semaphore(%arg15 : memref<!tpu.dma_semaphore, #tpu.memory_space<semaphore_mem>>) src(%arg7 : memref<400x64xf32, #tpu.memory_space<vmem>>) dst(%dma_wait3A_308 : memref<400x64xf32, #tpu.memory_space<hbm>>)
    %dma_wait3A_309 = arith.constant 0 : i32
    %dma_wait3A_310 = tpu.memref_slice %arg4[%add3A_289, %dma_wait3A_309] : memref<204800x64xf32, #tpu.memory_space<hbm>> -> memref<400x64xf32, #tpu.memory_space<hbm>>
    %dma_wait3A_311 = arith.constant 0 : i32
    %dma_wait3A_312 = tpu.memref_slice %arg4[%add3A_289, %dma_wait3A_311] : memref<204800x64xf32, #tpu.memory_space<hbm>> -> memref<400x64xf32, #tpu.memory_space<hbm>>
    tpu.wait_dma2 semaphore(%arg16 : memref<!tpu.dma_semaphore, #tpu.memory_space<semaphore_mem>>) src(%arg8 : memref<400x64xf32, #tpu.memory_space<vmem>>) dst(%dma_wait3A_312 : memref<400x64xf32, #tpu.memory_space<hbm>>)
    %dma_wait3A_313 = arith.constant 0 : i32
    %dma_wait3A_314 = tpu.memref_slice %arg4[%add3A_300, %dma_wait3A_313] : memref<204800x64xf32, #tpu.memory_space<hbm>> -> memref<400x64xf32, #tpu.memory_space<hbm>>
    %dma_wait3A_315 = arith.constant 0 : i32
    %dma_wait3A_316 = tpu.memref_slice %arg4[%add3A_300, %dma_wait3A_315] : memref<204800x64xf32, #tpu.memory_space<hbm>> -> memref<400x64xf32, #tpu.memory_space<hbm>>
    tpu.wait_dma2 semaphore(%arg17 : memref<!tpu.dma_semaphore, #tpu.memory_space<semaphore_mem>>) src(%arg9 : memref<400x64xf32, #tpu.memory_space<vmem>>) dst(%dma_wait3A_316 : memref<400x64xf32, #tpu.memory_space<hbm>>)
    %dma_wait3A_317 = arith.constant 0 : i32
    %dma_wait3A_318 = tpu.memref_slice %arg4[%add3A_249, %dma_wait3A_317] : memref<204800x64xf32, #tpu.memory_space<hbm>> -> memref<400x64xf32, #tpu.memory_space<hbm>>
    %dma_wait3A_319 = arith.constant 0 : i32
    %dma_wait3A_320 = tpu.memref_slice %arg4[%add3A_249, %dma_wait3A_319] : memref<204800x64xf32, #tpu.memory_space<hbm>> -> memref<400x64xf32, #tpu.memory_space<hbm>>
    tpu.wait_dma2 semaphore(%arg14 : memref<!tpu.dma_semaphore, #tpu.memory_space<semaphore_mem>>) src(%arg6 : memref<400x64xf32, #tpu.memory_space<vmem>>) dst(%dma_wait3A_320 : memref<400x64xf32, #tpu.memory_space<hbm>>)
    return
  }
}

module attributes {stable_mosaic.version = 14 : i64} {
  func.func @_linearize_body(%arg0: i32, %arg1: memref<64x4096xf32, #tpu.memory_space<vmem>>, %arg2: memref<2048x128xf32, #tpu.memory_space<vmem>>) attributes {dimension_semantics = [#tpu.dimension_semantics<arbitrary>], iteration_bounds = array<i64: 25>, scalar_prefetch = 0 : i64, scratch_operands = 0 : i64, tpu.core_type = #tpu.core_type<tc>, window_params = [{transform_indices = @transform_0, window_bounds = array<i64: 64, 4096>}, {transform_indices = @transform_1, window_bounds = array<i64: 2048, 128>}]} {
    %get3A = arith.constant 0 : index
    %get3A_0 = arith.constant 0 : index
    %get3A_1 = vector.load %arg1[%get3A, %get3A_0] : memref<64x4096xf32, #tpu.memory_space<vmem>>, vector<64x4096xf32>
    %transpose3A = tpu.transpose %get3A_1, [1, 0] : vector<64x4096xf32> -> vector<4096x64xf32>
    %jit3A = arith.constant 0 : i32
    %convert_element_type3A = arith.sitofp %jit3A : i32 to f32
    %pad3A = vector.broadcast %convert_element_type3A : f32 to vector<4096x64xf32>
    %pad3A_2 = tpu.concatenate %transpose3A, %pad3A in 1 : vector<4096x64xf32>, vector<4096x64xf32> -> vector<4096x128xf32>
    %reshape3A = vector.shape_cast %pad3A_2 : vector<4096x128xf32> to vector<2048x256xf32>
    %slice3A = vector.extract_strided_slice %reshape3A {offsets = [0, 0], sizes = [2048, 64], strides = [1, 1]} : vector<2048x256xf32> to vector<2048x64xf32>
    %slice3A_3 = vector.extract_strided_slice %reshape3A {offsets = [0, 128], sizes = [2048, 64], strides = [1, 1]} : vector<2048x256xf32> to vector<2048x64xf32>
    %concatenate3A = tpu.concatenate %slice3A, %slice3A_3 in 1 : vector<2048x64xf32>, vector<2048x64xf32> -> vector<2048x128xf32>
    %swap3A = arith.constant 0 : index
    %swap3A_4 = arith.constant 0 : index
    %swap3A_5 = vector.load %arg2[%swap3A, %swap3A_4] : memref<2048x128xf32, #tpu.memory_space<vmem>>, vector<2048x128xf32>
    tpu.vector_store %arg2[%swap3A, %swap3A_4], %concatenate3A {strides = array<i32>} : memref<2048x128xf32, #tpu.memory_space<vmem>>, vector<2048x128xf32>,
    return
  }
  func.func @transform_0(%arg0: i32) -> (i32, i32) {
    %c0_i32 = arith.constant 0 : i32
    %c0_i32_0 = arith.constant 0 : i32
    return %c0_i32, %arg0 : i32, i32
  }
  func.func @transform_1(%arg0: i32) -> (i32, i32) {
    %c0_i32 = arith.constant 0 : i32
    %c0_i32_0 = arith.constant 0 : i32
    return %arg0, %c0_i32 : i32, i32
  }
}

module attributes {stable_mosaic.version = 14 : i64} {
  func.func @_repack_body(%arg0: i32, %arg1: memref<3200x128xf32, #tpu.memory_space<vmem>>, %arg2: memref<1x50x64x128xf32, #tpu.memory_space<vmem>>) attributes {dimension_semantics = [#tpu.dimension_semantics<arbitrary>], iteration_bounds = array<i64: 32>, scalar_prefetch = 0 : i64, scratch_operands = 0 : i64, tpu.core_type = #tpu.core_type<tc>, window_params = [{transform_indices = @transform_0, window_bounds = array<i64: 3200, 128>}, {transform_indices = @transform_1, window_bounds = array<i64: 1, 50, 64, 128>}]} {
    %get3A = arith.constant 0 : index
    %get3A_0 = arith.constant 0 : index
    %get3A_1 = vector.load %arg1[%get3A, %get3A_0] : memref<3200x128xf32, #tpu.memory_space<vmem>>, vector<3200x128xf32>
    %reshape3A = vector.shape_cast %get3A_1 : vector<3200x128xf32> to vector<128x3200xf32>
    %transpose3A = tpu.transpose %reshape3A, [1, 0] : vector<128x3200xf32> -> vector<3200x128xf32>
    %reshape3A_2 = vector.shape_cast %transpose3A : vector<3200x128xf32> to vector<1x50x64x128xf32>
    %swap3A = arith.constant 0 : index
    %swap3A_3 = arith.constant 0 : index
    %swap3A_4 = arith.constant 0 : index
    %swap3A_5 = arith.constant 0 : index
    %swap3A_6 = vector.load %arg2[%swap3A, %swap3A_3, %swap3A_4, %swap3A_5] : memref<1x50x64x128xf32, #tpu.memory_space<vmem>>, vector<1x50x64x128xf32>
    tpu.vector_store %arg2[%swap3A, %swap3A_3, %swap3A_4, %swap3A_5], %reshape3A_2 {strides = array<i32>} : memref<1x50x64x128xf32, #tpu.memory_space<vmem>>, vector<1x50x64x128xf32>,
    return
  }
  func.func @transform_0(%arg0: i32) -> (i32, i32) {
    %c0_i32 = arith.constant 0 : i32
    %c0_i32_0 = arith.constant 0 : i32
    return %arg0, %c0_i32 : i32, i32
  }
  func.func @transform_1(%arg0: i32) -> (i32, i32, i32, i32) {
    %c0_i32 = arith.constant 0 : i32
    %c0_i32_0 = arith.constant 0 : i32
    %c0_i32_1 = arith.constant 0 : i32
    %c0_i32_2 = arith.constant 0 : i32
    return %c0_i32, %c0_i32_0, %c0_i32_1, %arg0 : i32, i32, i32, i32
  }
}

module attributes {stable_mosaic.version = 14 : i64} {
  func.func @_repack_alias_body(%arg0: i32, %arg1: memref<3200x128xf32, #tpu.memory_space<vmem>>, %arg2: memref<2x50x64x4096xf32, #tpu.memory_space<any>>, %arg3: memref<1x50x64x128xf32, #tpu.memory_space<vmem>>) attributes {dimension_semantics = [#tpu.dimension_semantics<arbitrary>], iteration_bounds = array<i64: 32>, scalar_prefetch = 0 : i64, scratch_operands = 0 : i64, tpu.core_type = #tpu.core_type<tc>, window_params = [{transform_indices = @transform_0, window_bounds = array<i64: 3200, 128>}, {}, {transform_indices = @transform_2, window_bounds = array<i64: 1, 50, 64, 128>}]} {
    %get3A = arith.constant 0 : index
    %get3A_0 = arith.constant 0 : index
    %get3A_1 = vector.load %arg1[%get3A, %get3A_0] : memref<3200x128xf32, #tpu.memory_space<vmem>>, vector<3200x128xf32>
    %reshape3A = vector.shape_cast %get3A_1 : vector<3200x128xf32> to vector<128x3200xf32>
    %transpose3A = tpu.transpose %reshape3A, [1, 0] : vector<128x3200xf32> -> vector<3200x128xf32>
    %reshape3A_2 = vector.shape_cast %transpose3A : vector<3200x128xf32> to vector<1x50x64x128xf32>
    %swap3A = arith.constant 0 : index
    %swap3A_3 = arith.constant 0 : index
    %swap3A_4 = arith.constant 0 : index
    %swap3A_5 = arith.constant 0 : index
    %swap3A_6 = vector.load %arg3[%swap3A, %swap3A_3, %swap3A_4, %swap3A_5] : memref<1x50x64x128xf32, #tpu.memory_space<vmem>>, vector<1x50x64x128xf32>
    tpu.vector_store %arg3[%swap3A, %swap3A_3, %swap3A_4, %swap3A_5], %reshape3A_2 {strides = array<i32>} : memref<1x50x64x128xf32, #tpu.memory_space<vmem>>, vector<1x50x64x128xf32>,
    return
  }
  func.func @transform_0(%arg0: i32) -> (i32, i32) {
    %c0_i32 = arith.constant 0 : i32
    %c0_i32_0 = arith.constant 0 : i32
    return %arg0, %c0_i32 : i32, i32
  }
  func.func @transform_2(%arg0: i32) -> (i32, i32, i32, i32) {
    %c1_i32 = arith.constant 1 : i32
    %c0_i32 = arith.constant 0 : i32
    %c0_i32_0 = arith.constant 0 : i32
    %c0_i32_1 = arith.constant 0 : i32
    return %c1_i32, %c0_i32, %c0_i32_0, %arg0 : i32, i32, i32, i32
  }
}

</mosaic_0001>

<sc_bundles>
// kernel: kernel.11.cloned.1.call-start
scs
__scs_entry_jumppad:
0x0: {  	(pc) =	sbr.rel $0x88, $3  }
0x1: {  	(tag) =	ssettag $0x0;
	lr =	simm.s32 $0x1  }
0x2: {  	[smem:$0x3F9D] =	sst lr;
	_ =	strace $0xD0000000  }
0x3: {  	_ = 	snop  }
0x4: {  	_ = 	snop  }
0x5: {  	_ = 	snop  }
0x6: {  	_ = 	snop  }
0x7: {  	_ = 	snop  }
__scs_overlays_trampoline_lowered:
0x8: {  	[smem:$0x3FAC] =	sst s0  }
0x9: {  	[smem:$0x3FAD] =	sst s1  }
0xa: {  	[smem:$0x3FAE] =	sst s2  }
0xb: {  	[smem:$0x3FAF] =	sst s3  }
0xc: {  	[smem:$0x3FB0] =	sst s4  }
0xd: {  	[smem:$0x3FB1] =	sst s5  }
0xe: {  	[smem:$0x3FB2] =	sst s6  }
0xf: {  	[smem:$0x3FB3] =	sst s7  }
0x10: {  	[smem:$0x3FB4] =	sst s8  }
0x11: {  	[smem:$0x3FB5] =	sst s9;
	s0 =	simm.s32 @!p0 $0x0  }
0x12: {  	s1 =	sld [smem:$0x3F9B];
	s0 =	simm.s32 @p0 $0x1  }
0x13: {  	[smem:$0x3FB6] =	sst s0;
	s0 =	simm.s32 @!p1 $0x0  }
0x14: {  	s2 =	sld [smem:$0x3F9A];
	s0 =	simm.s32 @p1 $0x1  }
0x15: {  	[smem:$0x3FB7] =	sst s0;
	s0 =	simm.s32 @!p2 $0x0  }
0x16: {  	s3 =	sld [smem:$0x3FDB];
	s0 =	simm.s32 @p2 $0x1  }
0x17: {  	s4 =	simm.s32 $0x1BF5;
	[smem:$0x3FB9] =	sst s0  }
0x18: {  	s0 =	sld [smem:$0x3F9C];
	_ =	swait.ge [sflag:s4], $0x0  }
0x19: {  	s7 =	sld [smem:$0x3F9D]  }
0x1a: {  	s8 =	sadd.s32 $0xFFFFE003, lr  }
0x1b: {  	s9 =	sadd.s32 $0xFFFFFEF7, lr;
	s5 =	simm.s32 $0xFFFFFFFF;
	p2 =	slt.u32 s8, $0xFFFFF086  }
0x1c: {  	p1 =	slt.u32 s9, $0xF7A;
	s5 =	simm.s32 @!p2 $0x0  }
0x1d: {  	s5 =	simm.s32 @p1 $0x1;
	p0 =	seq.s32 s7, s2  }
0x1e: {  	s7 =	smul.u32 @!p0 $0xF7A, s2;
	p2 =	seq.s32 @!p0 s5, $0x0  }
0x1f: {  	s9 =	smul.u32 $0xF7A, s1;
	s8 =	simm.s32 @!p0 $0x1BF5;
	p2 =	por !p2, p0  }
0x20: {  	[sflag:s8] =	ssyncset.s32 @!p0 $0xFFFFF086;
	s6 =	sadd.s32 @!p0 s3, s7;
	s7 =	simm.s32 @!p0 $0x108  }
0x21: {  	s3 =	sadd.s32 s3, s9;
	s6 =	sadd.s32 @!p0 $0x88, s6;
	s7 =	simm.s32 @p2 $0x1082  }
0x22: {  	[simem:s7], [sflag:s8] =	dma.local @!p0 [hbm:s6], $0xF7A  }
0x23: {  	s9 =	sor.u32 $0xD0000000, s2;
	s6 =	simm.s32 $0x108;
	_ =	swait.ge @!p0 [sflag:s8], $0x0  }
0x24: {  	s3 =	sadd.s32 $0x88, s3;
	s6 =	simm.s32 @!p1 $0x1082;
	[sflag:s4] =	ssyncset.s32 $0xFFFFF086  }
0x25: {  	[simem:s6], [sflag:s4] =	dma.local [hbm:s3], $0xF7A  }
0x26: {  	[smem:$0x3F9D] =	sst s1;
	(tag) =	ssettag s2;
	_ =	strace s9  }
0x27: {  	s1 =	sld [smem:$0x3FAD]  }
0x28: {  	s2 =	sld [smem:$0x3FAE]  }
0x29: {  	s4 =	sld [smem:$0x3FB0]  }
0x2a: {  	p0 =	seq.s32 s5, $0x0;
	s5 =	sld [smem:$0x3FB1]  }
0x2b: {  	s6 =	sld [smem:$0x3FB2]  }
0x2c: {  	s7 =	sld [smem:$0x3FB3]  }
0x2d: {  	s3 =	simm.s32 $0x108;
	s8 =	sld [smem:$0x3FB4]  }
0x2e: {  	s3 =	simm.s32 @!p0 $0x1082;
	s9 =	sld [smem:$0x3FB5]  }
0x2f: {  	lr =	sadd.s32 s0, s3;
	s0 =	sld [smem:$0x3FAC]  }
0x30: {  	s3 =	sld [smem:$0x3FAF]  }
0x31: {  	[smem:$0x3FB8] =	sst s10  }
0x32: {  	s10 =	sld [smem:$0x3FB6];
	_ =	sdelay $0x3  }
0x33: {  	p0 =	seq.s32 s10, $0x1;
	s10 =	sld [smem:$0x3FB8];
	_ =	sdelay $0x3  }
0x34: {  	[smem:$0x3FB8] =	sst s10  }
0x35: {  	s10 =	sld [smem:$0x3FB7];
	_ =	sdelay $0x3  }
0x36: {  	p1 =	seq.s32 s10, $0x1;
	s10 =	sld [smem:$0x3FB8];
	_ =	sdelay $0x3  }
0x37: {  	[smem:$0x3FB8] =	sst s10  }
0x38: {  	s10 =	sld [smem:$0x3FB9]  }
0x39: {  	_ = 	snop;
	(pc) =	sbr.ind lr, $3  }
0x3a: {  	_ = 	snop  }
0x3b: {  	_ = 	snop  }
0x3c: {  	p2 =	seq.s32 s10, $0x1;
	s10 =	sld [smem:$0x3FB8]  }
0x3d: {  	_ =	shalt  }
0x3e: {  	_ =	shalt  }
0x3f: {  	_ =	shalt  }
0x40: {  	_ =	shalt  }
0x41: {  	_ =	shalt  }
0x42: {  	_ =	shalt  }
0x43: {  	_ =	shalt  }
0x44: {  	_ =	shalt  }
0x45: {  	_ =	shalt  }
0x46: {  	_ =	shalt  }
0x47: {  	_ =	shalt  }
0x48: {  	_ =	shalt  }
0x49: {  	_ =	shalt  }
0x4a: {  	_ =	shalt  }
0x4b: {  	_ =	shalt  }
0x4c: {  	_ =	shalt  }
0x4d: {  	_ =	shalt  }
0x4e: {  	_ =	shalt  }
0x4f: {  	_ =	shalt  }
0x50: {  	_ =	shalt  }
0x51: {  	_ =	shalt  }
0x52: {  	_ =	shalt  }
0x53: {  	_ =	shalt  }
0x54: {  	_ =	shalt  }
0x55: {  	_ =	shalt  }
0x56: {  	_ =	shalt  }
0x57: {  	_ =	shalt  }
0x58: {  	_ =	shalt  }
0x59: {  	_ =	shalt  }
0x5a: {  	_ =	shalt  }
0x5b: {  	_ =	shalt  }
0x5c: {  	_ =	shalt  }
0x5d: {  	_ =	shalt  }
0x5e: {  	_ =	shalt  }
0x5f: {  	_ =	shalt  }
0x60: {  	_ =	shalt  }
0x61: {  	_ =	shalt  }
0x62: {  	_ =	shalt  }
0x63: {  	_ =	shalt  }
0x64: {  	_ =	shalt  }
0x65: {  	_ =	shalt  }
0x66: {  	_ =	shalt  }
0x67: {  	_ =	shalt  }
0x68: {  	_ =	shalt  }
0x69: {  	_ =	shalt  }
0x6a: {  	_ =	shalt  }
0x6b: {  	_ =	shalt  }
0x6c: {  	_ =	shalt  }
0x6d: {  	_ =	shalt  }
0x6e: {  	_ =	shalt  }
0x6f: {  	_ =	shalt  }
0x70: {  	_ =	shalt  }
0x71: {  	_ =	shalt  }
0x72: {  	_ =	shalt  }
0x73: {  	_ =	shalt  }
0x74: {  	_ =	shalt  }
0x75: {  	_ =	shalt  }
0x76: {  	_ =	shalt  }
0x77: {  	_ =	shalt  }
0x78: {  	_ =	shalt  }
0x79: {  	_ =	shalt  }
0x7a: {  	_ =	shalt  }
0x7b: {  	_ =	shalt  }
0x7c: {  	_ =	shalt  }
0x7d: {  	_ =	shalt  }
0x7e: {  	_ =	shalt  }
0x7f: {  	_ =	shalt  }
0x80: {  	_ =	shalt  }
0x81: {  	_ =	shalt  }
0x82: {  	_ =	shalt  }
0x83: {  	_ =	shalt  }
0x84: {  	_ =	shalt  }
0x85: {  	_ =	shalt  }
0x86: {  	_ =	shalt  }
0x87: {  	_ =	shalt  }
.Lfunc_end0:
.L_simem_size_0:
called_computation.1_lowered:
.L_overlay_start_0:
0x88: {  	s2 =	sld [smem:$0x3FD9]  }
0x89: {  	s3 =	sld [smem:$0x3FFE];
	_ =	sdelay $0x1  }
0x8a: {  	s1 =	srdreg.scid  }
0x8b: {  	s0 =	sand.u32 $0x1, s1  }
0x8c: {  	s17 =	sshll.u32 s0, $0xA;
	s2 =	sadd.s32 s3, s2  }
0x8d: {  	s2 =	sadd.s32 s2, s17  }
0x8e: {  	[smem:$0x3FC4] =	sst s2  }
0x8f: {  	_ = 	snop  }
0x90: {  	(tm) =	ssettm $0x1  }
0x91: {  	s18 =	sld [smem:$0x3FFB];
	_ =	sdelay $0x3  }
0x92: {  	_ =	strace s18  }
0x93: {  	s2 =	sld [smem:$0x3FFC];
	_ =	sdelay $0x3  }
0x94: {  	_ =	strace s2  }
0x95: {  	s2 =	sld [smem:$0x3FFD];
	_ =	sdelay $0x3  }
0x96: {  	_ =	strace s2  }
0x97: {  	_ =	strace $0x8FFFFFFF  }
0x98: {  	s19 =	sld [smem:$0x3FDB];
	_ =	sdelay $0x1  }
0x99: {  	s20 =	simm.s32 $_scs_section_size  }
0x9a: {  	s4 =	simm.s32 $_size__tile_overlayer_lowered;
	s5 =	simm.s32 $_tile_overlayer_lowered  }
0x9b: {  	s6 =	simm.s32 $0x1BFF;
	s21 =	sshll.u32 s5, $0x1;
	s3 =	sadd.s32 s20, s19  }
0x9c: {  	s22 =	simm.s32 $0x0;
	s4 =	sshll.u32 s4, $0x1;
	s5 =	sadd.s32 s21, s3  }
0x9d: {  	[timem:s22], [sflag:s6] =	dma.local [hbm:s5], s4  }
0x9e: {  	_ =	swait.ge [sflag:s6], s4  }
0x9f: {  	s4 =	ssub.s32 $0x0, s4;
	[sflag:s6] =	ssyncset.done $0x0  }
0xa0: {  	[sflag:s6] =	ssyncadd.s32 s4;
	_ =	sdelay $0x1  }
0xa1: {  	s23 =	simm.s32 $0x1B8B  }
0xa2: {  	_ =	swait.ge [sflag:s23], $0x1  }
0xa3: {  	[sflag:s23] =	ssyncset.done $0x0  }
0xa4: {  	[sflag:s23] =	ssyncadd.s32 $0xFFFFFFFF  }
0xa5: {  	s4 =	sld [smem:$0x0]  }
0xa6: {  	s5 =	sand.u32 $0xFFFFFFFE, s1  }
0xa7: {  	p0 =	sne.s32 s1, s5  }
0xa8: {  	s5 =	sshll.u32 @p0 s5, $0xE  }
0xa9: {  	s5 =	sadd.s32 @p0 $0x11B8D, s5;
	s6 =	sshll.u32 @p0 s4, $0x11  }
0xaa: {  	s5 =	sor.u32 @p0 s6, s5  }
0xab: {  	[sflag:s5] =	ssyncadd.remote.s32 @p0 $0x1;
	_ =	sdelay $0x1  }
0xac: {  	s5 =	simm.s32 @p0 $0x1B8D  }
0xad: {  	_ =	swait.eq @p0 [sflag:s5], $0x1  }
0xae: {  	[sflag:s5] =	ssyncadd.s32 @p0 $0xFFFFFFFF  }
0xaf: {  	s6 =	sshll.u32 @!p0 s1, $0xE  }
0xb0: {  	s6 =	sor.u32 @!p0 $0x4000, s6;
	s5 =	simm.s32 @!p0 $0x1B8D  }
0xb1: {  	s4 =	sshll.u32 @!p0 s4, $0x11;
	s6 =	sadd.s32 @!p0 $0x11B8D, s6;
	_ =	swait.eq @!p0 [sflag:s5], $0x1  }
0xb2: {  	s4 =	sor.u32 @!p0 s4, s6;
	[sflag:s5] =	ssyncadd.s32 @!p0 $0xFFFFFFFF  }
0xb3: {  	s25 =	simm.s32 $0x1B8E;
	s24 =	sld [smem:$0x3FFE];
	[sflag:s4] =	ssyncadd.remote.s32 @!p0 $0x1  }
0xb4: {  	s26 =	simm.s32 $execute0_lowered;
	[smem:$0x3FD2] =	sst s25  }
0xb5: {  	s5 =	sshll.u32 s26, $0x1;
	_ =	strace $0x80000049;
	[dreg:$0x1] =	wrdreg $0xFFFFFFFF  }
0xb6: {  	s28 =	simm.s32 $_size_execute0_lowered;
	s3 =	sadd.s32 s3, s5;
	[dreg:$0x0] =	wrdreg $0x0  }
0xb7: {  	s5 =	sshll.u32 s28, $0x1;
	[dreg:$0x2] =	wrdreg s3  }
0xb8: {  	[dreg:$0x3] =	wrdreg s5  }
0xb9: {  	[dreg:$0x4] =	wrdreg $0xC0  }
0xba: {  	_ =	task [dreg:s22], $0x5FFFF  }
0xbb: {  	[dreg:$0x1] =	wrdreg $0xFFFFFFFF  }
0xbc: {  	[dreg:$0x0] =	wrdreg $0x60  }
0xbd: {  	[dreg:$0x2] =	wrdreg s24  }
0xbe: {  	[dreg:$0x3] =	wrdreg $0xA  }
0xbf: {  	_ =	task.clear_ibuf [dreg:s22], $0x4FFFF;
	_ =	strace $0x90000049  }
0xc0: {  	s29 =	simm.s32 $0xA;
	_ =	strace $0x8000004B  }
0xc1: {  	_ =	swait.ge [sflag:s29], $0x1  }
0xc2: {  	[sflag:s29] =	ssyncadd.s32 $0xFFFFFFFF  }
0xc3: {  	_ =	strace $0x9000004B  }
0xc4: {  	_ =	sfence  }
0xc5: {  	s30 =	sld [smem:$0x0];
	_ =	sdelay $0x2  }
0xc6: {  	s31 =	sshll.u32 s1, $0xD;
	s1 =	sshrl.u32 s1, $0x2  }
0xc7: {  	s4 =	sand.u32 $0x4000, s31;
	s1 =	sadd.s32 s1, s30  }
0xc8: {  	s0 =	sor.u32 s4, s0;
	s1 =	sshll.u32 s1, $0x11  }
0xc9: {  	s0 =	sor.u32 s1, s0  }
0xca: {  	s0 =	sadd.s32 $0x8F2B, s0  }
0xcb: {  	[sflag:s0] =	ssyncadd.remote.s32 $0x1  }
0xcc: {  	_ =	sfence.sel $0xFFFF  }
0xcd: {  	[dreg:$0x0] =	wrdreg $0xFFFFFFFF;
	(pc) =	sbr.abs _section_cstart, $3  }
0xce: {  	[dreg:$0x1] =	wrdreg $0xFFFFFFFF  }
0xcf: {  	_ =	task.clear_ibuf [dreg:s22], $0x2FFFF;
	_ =	strace $0x9FFFFFFF  }
0xd0: {  	(tm) =	ssettm $0x7FFFFFFF  }
0xd1: {  	_ =	shalt  }
tec
execute0_lowered:
.L_overlay_start_1:
0x0: {  	(tag) =	ssettag $0x1  }
0x1: {  	s0 =	srdreg.scid;
	s17 =	stileid.u32  }
0x2: {  	s0 =	sand.u32 $0x1, s0;
	s1 =	sshll.u32 s17, $0x1  }
0x3: {  	s3 =	rddreg [dreg:$0x0];
	s2 =	simm.s32 $0x0;
	s1 =	sor.u32 s0, s1  }
0x4: {  	s31 =	simm.s32 $0x9;
	s7 =	simm.s32 $0x190;
	s4 =	smul.u32 $0x320, s1  }
0x5: {  	s26 =	simm.s32 $0x320;
	s30 =	simm.s32 $0x640;
	s5 =	smul.u32 $0x64000, s1  }
0x6: {  	s29 =	simm.s32 $0x7D0;
	[smem:$0x7FF] =	sst s2;
	s1 =	smul.u32 $0xC800, s1  }
0x7: {  	s6 =	sadd.s32 $0x260800, s3;
	_ =	strace $0x8000004A;
	[dreg:$0x13] =	wrdreg s26  }
0x8: {  	s4 =	sadd.s32 s4, s3;
	s5 =	sshrl.u32 s5, $0x3;
	s1 =	sadd.s32 s6, s1  }
0x9: {  	s4 =	sadd.s32 $0x196E00, s4;
	s8 =	sadd.s32 s6, s5;
	[dreg:$0x3] =	wrdreg s1  }
0xa: {  	s28 =	simm.s32 $0x960;
	[dreg:$0x2] =	wrdreg s4;
	s9 =	sadd.s32 $0xC80, s8  }
0xb: {  	p0 =	por $0x0, $0x0;
	s10 =	sadd.s32 $0x1900, s8;
	[dreg:$0x4] =	wrdreg s9  }
0xc: {  	s0 =	ssub.s32 $0x2, s0;
	s11 =	sadd.s32 $0x2580, s8;
	[dreg:$0x5] =	wrdreg s10  }
0xd: {  	s26 =	simm.s32 $0xAF0;
	s12 =	sadd.s32 $0x3200, s8;
	[dreg:$0x6] =	wrdreg s11  }
0xe: {  	s23 =	sshrl.u32 s0, $0x1;
	s13 =	sadd.s32 $0x3E80, s8;
	[dreg:$0x7] =	wrdreg s12  }
0xf: {  	s0 =	ssub.s32 s0, s23;
	s14 =	sadd.s32 $0x4B00, s8;
	[dreg:$0x8] =	wrdreg s13  }
0x10: {  	s23 =	simm.s32 $0xFA0;
	s15 =	sadd.s32 $0x5780, s8;
	[dreg:$0x9] =	wrdreg s14  }
0x11: {  	s0 =	smax.u32 s0, $0x1;
	s16 =	sadd.s32 $0x6400, s8;
	[dreg:$0xa] =	wrdreg s15  }
0x12: {  	s5 =	simm.s32 $0x14500;
	s18 =	sadd.s32 $0x7080, s8;
	[dreg:$0xb] =	wrdreg s16  }
0x13: {  	s6 =	simm.s32 $0x8;
	s19 =	sadd.s32 $0x7D00, s8;
	[dreg:$0xc] =	wrdreg s18  }
0x14: {  	p1 =	sne.s32 s0, $0x1;
	s20 =	sadd.s32 $0x8980, s8;
	[dreg:$0xd] =	wrdreg s19  }
0x15: {  	s1 =	sadd.s32 $0xFFFFFFFF, s0;
	s21 =	sadd.s32 $0x9600, s8;
	[dreg:$0xe] =	wrdreg s20  }
0x16: {  	s22 =	sadd.s32 $0xA280, s8;
	s24 =	sadd.s32 $0xAF00, s8;
	[dreg:$0xf] =	wrdreg s21  }
0x17: {  	s25 =	sadd.s32 $0xBB80, s8;
	s4 =	sadd.s32 $0x19D200, s3;
	[dreg:$0x10] =	wrdreg s22  }
0x18: {  	s3 =	simm.s32 $0x5;
	s8 =	simm.s32 $0x7;
	[dreg:$0x11] =	wrdreg s24  }
0x19: {  	[dreg:$0x12] =	wrdreg s25;
	s15 =	simm.s32 $0x1900;
	s12 =	simm.s32 $0x7D00  }
.Ltmp0:
0x1a: {  	s16 =	simm.s32 $0x1;
	s9 =	simm.s32 $0xE100;
	(pc) =	sbr.rel @!p1 .LBB2_1-.Ltmp0, $4  }
0x1b: {  	s14 =	simm.s32 $0x2;
	s13 =	simm.s32 $0x3;
	s11 =	simm.s32 $0x4  }
0x1c: {  	s10 =	simm.s32 $0x6;
	s25 =	simm.s32 $0xC80;
	s24 =	simm.s32 $0xE10  }
0x1d: {  	s22 =	simm.s32 $0x1130;
	s21 =	simm.s32 $0x12C0;
	s20 =	simm.s32 $0x1450  }
0x1e: {  	s19 =	simm.s32 $0x15E0;
	s18 =	simm.s32 $0x1770;
	s0 =	rddreg [dreg:$0x2]  }
0x1f: {  	[tilespmem:s2], [sflag:$0x9] =	stream.linear.gather [hbm4b:s0+s2], $0x1900, $0x38;
	[tilespmem:$0x1A900] =	vst v63  }
0x20: {  	_ =	swait.ge [sflag:s31], $0x1900  }
0x21: {  	[sflag:s31] =	ssyncset.done $0x0  }
0x22: {  	[sflag:s31] =	ssyncadd.s32 $0xFFFFE700  }
0x23: {  	[tilespmem:s15], [sflag:$0x1] =	stream.indirect.gather [hbm4b:s4+s7], $0x40, s2, s7, $0xb8;
	[tilespmem:$0x1A900] =	vst v63  }
0x24: {  	_ = 	snop  }
0x25: {  	[tilespmem:s12], [sflag:$0x2] =	stream.indirect.gather [hbm4b:s4+s7], $0x40, s7, s7, $0xb8;
	[tilespmem:$0x1A900] =	vst v63  }
0x26: {  	_ =	swait.ge [sflag:s16], $0x6400  }
0x27: {  	[sflag:s16] =	ssyncset.done $0x0  }
0x28: {  	s0 =	rddreg [dreg:$0x3];
	[sflag:s16] =	ssyncadd.s32 $0xFFFF9C00  }
0x29: {  	[hbm4b:s0+s2] =	stream.linear.scatter [tilespmem:s15], [sflag:$0x5], $0x6400, $0x38;
	[tilespmem:$0x1A900] =	vst v63  }
0x2a: {  	s17 =	smov.u32 s1;
	s1 =	rddreg [dreg:$0x13]  }
0x2b: {  	[tilespmem:s9], [sflag:$0x3] =	stream.indirect.gather [hbm4b:s4+s7], $0x40, s1, s7, $0xb8;
	[tilespmem:$0x1A900] =	vst v63  }
0x2c: {  	_ =	swait.ge [sflag:s14], $0x6400  }
0x2d: {  	[sflag:s14] =	ssyncset.done $0x0  }
0x2e: {  	s1 =	rddreg [dreg:$0x4];
	[sflag:s14] =	ssyncadd.s32 $0xFFFF9C00  }
0x2f: {  	[hbm4b:s1+s2] =	stream.linear.scatter [tilespmem:s12], [sflag:$0x6], $0x6400, $0x38;
	[tilespmem:$0x1A900] =	vst v63  }
0x30: {  	s1 =	simm.s32 $0x4B0  }
0x31: {  	[tilespmem:s5], [sflag:$0x4] =	stream.indirect.gather [hbm4b:s4+s7], $0x40, s1, s7, $0xb8;
	[tilespmem:$0x1A900] =	vst v63  }
0x32: {  	_ =	swait.ge [sflag:s13], $0x6400  }
0x33: {  	[sflag:s13] =	ssyncset.done $0x0  }
0x34: {  	s1 =	rddreg [dreg:$0x5];
	[sflag:s13] =	ssyncadd.s32 $0xFFFF9C00  }
0x35: {  	[hbm4b:s1+s2] =	stream.linear.scatter [tilespmem:s9], [sflag:$0x7], $0x6400, $0x38;
	[tilespmem:$0x1A900] =	vst v63  }
0x36: {  	_ =	swait.ge [sflag:s3], $0x6400  }
0x37: {  	[sflag:s3] =	ssyncset.done $0x0  }
0x38: {  	[sflag:s3] =	ssyncadd.s32 $0xFFFF9C00  }
0x39: {  	[tilespmem:s15], [sflag:$0x1] =	stream.indirect.gather [hbm4b:s4+s7], $0x40, s30, s7, $0xb8;
	[tilespmem:$0x1A900] =	vst v63  }
0x3a: {  	_ =	swait.ge [sflag:s11], $0x6400  }
0x3b: {  	[sflag:s11] =	ssyncset.done $0x0  }
0x3c: {  	s1 =	rddreg [dreg:$0x6];
	[sflag:s11] =	ssyncadd.s32 $0xFFFF9C00  }
0x3d: {  	[hbm4b:s1+s2] =	stream.linear.scatter [tilespmem:s5], [sflag:$0x8], $0x6400, $0x38;
	[tilespmem:$0x1A900] =	vst v63  }
0x3e: {  	_ =	swait.ge [sflag:s10], $0x6400  }
0x3f: {  	[sflag:s10] =	ssyncset.done $0x0  }
0x40: {  	[sflag:s10] =	ssyncadd.s32 $0xFFFF9C00  }
0x41: {  	[tilespmem:s12], [sflag:$0x2] =	stream.indirect.gather [hbm4b:s4+s7], $0x40, s29, s7, $0xb8;
	[tilespmem:$0x1A900] =	vst v63  }
0x42: {  	_ =	swait.ge [sflag:s16], $0x6400  }
0x43: {  	[sflag:s16] =	ssyncset.done $0x0  }
0x44: {  	s1 =	rddreg [dreg:$0x7];
	[sflag:s16] =	ssyncadd.s32 $0xFFFF9C00  }
0x45: {  	[hbm4b:s1+s2] =	stream.linear.scatter [tilespmem:s15], [sflag:$0x5], $0x6400, $0x38;
	[tilespmem:$0x1A900] =	vst v63  }
0x46: {  	_ =	swait.ge [sflag:s8], $0x6400  }
0x47: {  	[sflag:s8] =	ssyncset.done $0x0  }
0x48: {  	[sflag:s8] =	ssyncadd.s32 $0xFFFF9C00  }
0x49: {  	[tilespmem:s9], [sflag:$0x3] =	stream.indirect.gather [hbm4b:s4+s7], $0x40, s28, s7, $0xb8;
	[tilespmem:$0x1A900] =	vst v63  }
0x4a: {  	_ =	swait.ge [sflag:s14], $0x6400  }
0x4b: {  	[sflag:s14] =	ssyncset.done $0x0  }
0x4c: {  	s1 =	rddreg [dreg:$0x8];
	[sflag:s14] =	ssyncadd.s32 $0xFFFF9C00  }
0x4d: {  	[hbm4b:s1+s2] =	stream.linear.scatter [tilespmem:s12], [sflag:$0x6], $0x6400, $0x38;
	[tilespmem:$0x1A900] =	vst v63  }
0x4e: {  	_ =	swait.ge [sflag:s6], $0x6400  }
0x4f: {  	[sflag:s6] =	ssyncset.done $0x0  }
0x50: {  	[sflag:s6] =	ssyncadd.s32 $0xFFFF9C00  }
0x51: {  	[tilespmem:s5], [sflag:$0x4] =	stream.indirect.gather [hbm4b:s4+s7], $0x40, s26, s7, $0xb8;
	[tilespmem:$0x1A900] =	vst v63  }
0x52: {  	_ =	swait.ge [sflag:s13], $0x6400  }
0x53: {  	[sflag:s13] =	ssyncset.done $0x0  }
0x54: {  	s1 =	rddreg [dreg:$0x9];
	[sflag:s13] =	ssyncadd.s32 $0xFFFF9C00  }
0x55: {  	[hbm4b:s1+s2] =	stream.linear.scatter [tilespmem:s9], [sflag:$0x7], $0x6400, $0x38;
	[tilespmem:$0x1A900] =	vst v63  }
0x56: {  	_ =	swait.ge [sflag:s3], $0x6400  }
0x57: {  	[sflag:s3] =	ssyncset.done $0x0  }
0x58: {  	[sflag:s3] =	ssyncadd.s32 $0xFFFF9C00  }
0x59: {  	[tilespmem:s15], [sflag:$0x1] =	stream.indirect.gather [hbm4b:s4+s7], $0x40, s25, s7, $0xb8;
	[tilespmem:$0x1A900] =	vst v63  }
0x5a: {  	_ =	swait.ge [sflag:s11], $0x6400  }
0x5b: {  	[sflag:s11] =	ssyncset.done $0x0  }
0x5c: {  	s1 =	rddreg [dreg:$0xa];
	[sflag:s11] =	ssyncadd.s32 $0xFFFF9C00  }
0x5d: {  	[hbm4b:s1+s2] =	stream.linear.scatter [tilespmem:s5], [sflag:$0x8], $0x6400, $0x38;
	[tilespmem:$0x1A900] =	vst v63  }
0x5e: {  	_ =	swait.ge [sflag:s10], $0x6400  }
0x5f: {  	[sflag:s10] =	ssyncset.done $0x0  }
0x60: {  	[sflag:s10] =	ssyncadd.s32 $0xFFFF9C00  }
0x61: {  	[tilespmem:s12], [sflag:$0x2] =	stream.indirect.gather [hbm4b:s4+s7], $0x40, s24, s7, $0xb8;
	[tilespmem:$0x1A900] =	vst v63  }
0x62: {  	_ =	swait.ge [sflag:s16], $0x6400  }
0x63: {  	[sflag:s16] =	ssyncset.done $0x0  }
0x64: {  	s1 =	rddreg [dreg:$0xb];
	[sflag:s16] =	ssyncadd.s32 $0xFFFF9C00  }
0x65: {  	[hbm4b:s1+s2] =	stream.linear.scatter [tilespmem:s15], [sflag:$0x5], $0x6400, $0x38;
	[tilespmem:$0x1A900] =	vst v63  }
0x66: {  	_ =	swait.ge [sflag:s8], $0x6400  }
0x67: {  	[sflag:s8] =	ssyncset.done $0x0  }
0x68: {  	[sflag:s8] =	ssyncadd.s32 $0xFFFF9C00  }
0x69: {  	[tilespmem:s9], [sflag:$0x3] =	stream.indirect.gather [hbm4b:s4+s7], $0x40, s23, s7, $0xb8;
	[tilespmem:$0x1A900] =	vst v63  }
0x6a: {  	_ =	swait.ge [sflag:s14], $0x6400  }
0x6b: {  	[sflag:s14] =	ssyncset.done $0x0  }
0x6c: {  	s1 =	rddreg [dreg:$0xc];
	[sflag:s14] =	ssyncadd.s32 $0xFFFF9C00  }
0x6d: {  	[hbm4b:s1+s2] =	stream.linear.scatter [tilespmem:s12], [sflag:$0x6], $0x6400, $0x38;
	[tilespmem:$0x1A900] =	vst v63  }
0x6e: {  	_ =	swait.ge [sflag:s6], $0x6400  }
0x6f: {  	[sflag:s6] =	ssyncset.done $0x0  }
0x70: {  	[sflag:s6] =	ssyncadd.s32 $0xFFFF9C00  }
0x71: {  	[tilespmem:s5], [sflag:$0x4] =	stream.indirect.gather [hbm4b:s4+s7], $0x40, s22, s7, $0xb8;
	[tilespmem:$0x1A900] =	vst v63  }
0x72: {  	_ =	swait.ge [sflag:s13], $0x6400  }
0x73: {  	[sflag:s13] =	ssyncset.done $0x0  }
0x74: {  	s1 =	rddreg [dreg:$0xd];
	[sflag:s13] =	ssyncadd.s32 $0xFFFF9C00  }
0x75: {  	[hbm4b:s1+s2] =	stream.linear.scatter [tilespmem:s9], [sflag:$0x7], $0x6400, $0x38;
	[tilespmem:$0x1A900] =	vst v63  }
0x76: {  	_ =	swait.ge [sflag:s3], $0x6400  }
0x77: {  	[sflag:s3] =	ssyncset.done $0x0  }
0x78: {  	[sflag:s3] =	ssyncadd.s32 $0xFFFF9C00  }
0x79: {  	[tilespmem:s15], [sflag:$0x1] =	stream.indirect.gather [hbm4b:s4+s7], $0x40, s21, s7, $0xb8;
	[tilespmem:$0x1A900] =	vst v63  }
0x7a: {  	_ =	swait.ge [sflag:s11], $0x6400  }
0x7b: {  	[sflag:s11] =	ssyncset.done $0x0  }
0x7c: {  	s1 =	rddreg [dreg:$0xe];
	[sflag:s11] =	ssyncadd.s32 $0xFFFF9C00  }
0x7d: {  	[hbm4b:s1+s2] =	stream.linear.scatter [tilespmem:s5], [sflag:$0x8], $0x6400, $0x38;
	[tilespmem:$0x1A900] =	vst v63  }
0x7e: {  	_ =	swait.ge [sflag:s10], $0x6400  }
0x7f: {  	[sflag:s10] =	ssyncset.done $0x0  }
0x80: {  	[sflag:s10] =	ssyncadd.s32 $0xFFFF9C00  }
0x81: {  	[tilespmem:s12], [sflag:$0x2] =	stream.indirect.gather [hbm4b:s4+s7], $0x40, s20, s7, $0xb8;
	[tilespmem:$0x1A900] =	vst v63  }
0x82: {  	_ =	swait.ge [sflag:s16], $0x6400  }
0x83: {  	[sflag:s16] =	ssyncset.done $0x0  }
0x84: {  	s1 =	rddreg [dreg:$0xf];
	[sflag:s16] =	ssyncadd.s32 $0xFFFF9C00  }
0x85: {  	[hbm4b:s1+s2] =	stream.linear.scatter [tilespmem:s15], [sflag:$0x5], $0x6400, $0x38;
	[tilespmem:$0x1A900] =	vst v63  }
0x86: {  	_ =	swait.ge [sflag:s8], $0x6400  }
0x87: {  	[sflag:s8] =	ssyncset.done $0x0  }
0x88: {  	[sflag:s8] =	ssyncadd.s32 $0xFFFF9C00  }
0x89: {  	[tilespmem:s9], [sflag:$0x3] =	stream.indirect.gather [hbm4b:s4+s7], $0x40, s19, s7, $0xb8;
	[tilespmem:$0x1A900] =	vst v63  }
0x8a: {  	_ =	swait.ge [sflag:s14], $0x6400  }
0x8b: {  	[sflag:s14] =	ssyncset.done $0x0  }
0x8c: {  	s1 =	rddreg [dreg:$0x10];
	[sflag:s14] =	ssyncadd.s32 $0xFFFF9C00  }
0x8d: {  	[hbm4b:s1+s2] =	stream.linear.scatter [tilespmem:s12], [sflag:$0x6], $0x6400, $0x38;
	[tilespmem:$0x1A900] =	vst v63  }
0x8e: {  	_ =	swait.ge [sflag:s6], $0x6400  }
0x8f: {  	[sflag:s6] =	ssyncset.done $0x0  }
0x90: {  	[sflag:s6] =	ssyncadd.s32 $0xFFFF9C00  }
0x91: {  	[tilespmem:s5], [sflag:$0x4] =	stream.indirect.gather [hbm4b:s4+s7], $0x40, s18, s7, $0xb8;
	[tilespmem:$0x1A900] =	vst v63  }
0x92: {  	_ =	swait.ge [sflag:s13], $0x6400  }
0x93: {  	[sflag:s13] =	ssyncset.done $0x0  }
0x94: {  	s1 =	rddreg [dreg:$0x11];
	[sflag:s13] =	ssyncadd.s32 $0xFFFF9C00  }
0x95: {  	[hbm4b:s1+s2] =	stream.linear.scatter [tilespmem:s9], [sflag:$0x7], $0x6400, $0x38;
	[tilespmem:$0x1A900] =	vst v63  }
0x96: {  	_ =	swait.ge [sflag:s11], $0x6400  }
0x97: {  	[sflag:s11] =	ssyncset.done $0x0  }
0x98: {  	s1 =	rddreg [dreg:$0x12];
	[sflag:s11] =	ssyncadd.s32 $0xFFFF9C00  }
0x99: {  	[hbm4b:s1+s2] =	stream.linear.scatter [tilespmem:s5], [sflag:$0x8], $0x6400, $0x38;
	[tilespmem:$0x1A900] =	vst v63  }
0x9a: {  	_ =	swait.ge [sflag:s10], $0x6400  }
0x9b: {  	[sflag:s10] =	ssyncset.done $0x0  }
0x9c: {  	[sflag:s10] =	ssyncadd.s32 $0xFFFF9C00  }
0x9d: {  	_ =	swait.ge [sflag:s8], $0x6400  }
0x9e: {  	[sflag:s8] =	ssyncset.done $0x0  }
0x9f: {  	p1 =	sne.s32 s17, $0x1;
	[sflag:s8] =	ssyncadd.s32 $0xFFFF9C00  }
.Ltmp1:
0xa0: {  	_ =	swait.ge [sflag:s6], $0x6400;
	(pc) =	sbr.rel @!p1 .LBB2_3-.Ltmp1, $4  }
0xa1: {  	[sflag:s6] =	ssyncset.done $0x0  }
0xa2: {  	[sflag:s6] =	ssyncadd.s32 $0xFFFF9C00  }
0xa3: {  	p0 =	por $0x1, $0x1;
	_ =	swait.ge [sflag:s3], $0x6400  }
0xa4: {  	s1 =	sadd.s32 $0xFFFFFFFF, s17;
	s0 =	rddreg [dreg:$0x2];
	[sflag:s3] =	ssyncset.done $0x0  }
.LBB2_4:
0xa5: {  	[sflag:s3] =	ssyncadd.s32 $0xFFFF9C00  }
0xa6: {  	[tilespmem:s2], [sflag:$0x9] =	stream.linear.gather [hbm4b:s0+s2], $0x1900, $0x38;
	[tilespmem:$0x1A900] =	vst v63  }
0xa7: {  	_ =	swait.ge [sflag:s31], $0x1900  }
0xa8: {  	[sflag:s31] =	ssyncset.done $0x0  }
0xa9: {  	[sflag:s31] =	ssyncadd.s32 $0xFFFFE700  }
0xaa: {  	[tilespmem:s15], [sflag:$0x1] =	stream.indirect.gather [hbm4b:s4+s7], $0x40, s2, s7, $0xb8;
	[tilespmem:$0x1A900] =	vst v63  }
0xab: {  	_ = 	snop  }
0xac: {  	[tilespmem:s12], [sflag:$0x2] =	stream.indirect.gather [hbm4b:s4+s7], $0x40, s7, s7, $0xb8;
	[tilespmem:$0x1A900] =	vst v63  }
0xad: {  	_ =	swait.ge [sflag:s16], $0x6400  }
0xae: {  	[sflag:s16] =	ssyncset.done $0x0  }
0xaf: {  	s0 =	rddreg [dreg:$0x3];
	[sflag:s16] =	ssyncadd.s32 $0xFFFF9C00  }
0xb0: {  	[hbm4b:s0+s2] =	stream.linear.scatter [tilespmem:s15], [sflag:$0x5], $0x6400, $0x38;
	[tilespmem:$0x1A900] =	vst v63  }
0xb1: {  	s17 =	rddreg [dreg:$0x13]  }
0xb2: {  	[tilespmem:s9], [sflag:$0x3] =	stream.indirect.gather [hbm4b:s4+s7], $0x40, s17, s7, $0xb8;
	[tilespmem:$0x1A900] =	vst v63  }
0xb3: {  	_ =	swait.ge [sflag:s14], $0x6400  }
0xb4: {  	[sflag:s14] =	ssyncset.done $0x0  }
0xb5: {  	s17 =	rddreg [dreg:$0x4];
	[sflag:s14] =	ssyncadd.s32 $0xFFFF9C00  }
0xb6: {  	[hbm4b:s17+s2] =	stream.linear.scatter [tilespmem:s12], [sflag:$0x6], $0x6400, $0x38;
	[tilespmem:$0x1A900] =	vst v63  }
0xb7: {  	s17 =	simm.s32 $0x4B0  }
0xb8: {  	[tilespmem:s5], [sflag:$0x4] =	stream.indirect.gather [hbm4b:s4+s7], $0x40, s17, s7, $0xb8;
	[tilespmem:$0x1A900] =	vst v63  }
0xb9: {  	_ =	swait.ge [sflag:s13], $0x6400  }
0xba: {  	[sflag:s13] =	ssyncset.done $0x0  }
0xbb: {  	s17 =	rddreg [dreg:$0x5];
	[sflag:s13] =	ssyncadd.s32 $0xFFFF9C00  }
0xbc: {  	[hbm4b:s17+s2] =	stream.linear.scatter [tilespmem:s9], [sflag:$0x7], $0x6400, $0x38;
	[tilespmem:$0x1A900] =	vst v63  }
0xbd: {  	_ =	swait.ge [sflag:s3], $0x6400  }
0xbe: {  	[sflag:s3] =	ssyncset.done $0x0  }
0xbf: {  	[sflag:s3] =	ssyncadd.s32 $0xFFFF9C00  }
0xc0: {  	[tilespmem:s15], [sflag:$0x1] =	stream.indirect.gather [hbm4b:s4+s7], $0x40, s30, s7, $0xb8;
	[tilespmem:$0x1A900] =	vst v63  }
0xc1: {  	_ =	swait.ge [sflag:s11], $0x6400  }
0xc2: {  	[sflag:s11] =	ssyncset.done $0x0  }
0xc3: {  	s17 =	rddreg [dreg:$0x6];
	[sflag:s11] =	ssyncadd.s32 $0xFFFF9C00  }
0xc4: {  	[hbm4b:s17+s2] =	stream.linear.scatter [tilespmem:s5], [sflag:$0x8], $0x6400, $0x38;
	[tilespmem:$0x1A900] =	vst v63  }
0xc5: {  	_ =	swait.ge [sflag:s10], $0x6400  }
0xc6: {  	[sflag:s10] =	ssyncset.done $0x0  }
0xc7: {  	[sflag:s10] =	ssyncadd.s32 $0xFFFF9C00  }
0xc8: {  	[tilespmem:s12], [sflag:$0x2] =	stream.indirect.gather [hbm4b:s4+s7], $0x40, s29, s7, $0xb8;
	[tilespmem:$0x1A900] =	vst v63  }
0xc9: {  	_ =	swait.ge [sflag:s16], $0x6400  }
0xca: {  	[sflag:s16] =	ssyncset.done $0x0  }
0xcb: {  	s17 =	rddreg [dreg:$0x7];
	[sflag:s16] =	ssyncadd.s32 $0xFFFF9C00  }
0xcc: {  	[hbm4b:s17+s2] =	stream.linear.scatter [tilespmem:s15], [sflag:$0x5], $0x6400, $0x38;
	[tilespmem:$0x1A900] =	vst v63  }
0xcd: {  	_ =	swait.ge [sflag:s8], $0x6400  }
0xce: {  	[sflag:s8] =	ssyncset.done $0x0  }
0xcf: {  	[sflag:s8] =	ssyncadd.s32 $0xFFFF9C00  }
0xd0: {  	[tilespmem:s9], [sflag:$0x3] =	stream.indirect.gather [hbm4b:s4+s7], $0x40, s28, s7, $0xb8;
	[tilespmem:$0x1A900] =	vst v63  }
0xd1: {  	_ =	swait.ge [sflag:s14], $0x6400  }
0xd2: {  	[sflag:s14] =	ssyncset.done $0x0  }
0xd3: {  	s17 =	rddreg [dreg:$0x8];
	[sflag:s14] =	ssyncadd.s32 $0xFFFF9C00  }
0xd4: {  	[hbm4b:s17+s2] =	stream.linear.scatter [tilespmem:s12], [sflag:$0x6], $0x6400, $0x38;
	[tilespmem:$0x1A900] =	vst v63  }
0xd5: {  	_ =	swait.ge [sflag:s6], $0x6400  }
0xd6: {  	[sflag:s6] =	ssyncset.done $0x0  }
0xd7: {  	[sflag:s6] =	ssyncadd.s32 $0xFFFF9C00  }
0xd8: {  	[tilespmem:s5], [sflag:$0x4] =	stream.indirect.gather [hbm4b:s4+s7], $0x40, s26, s7, $0xb8;
	[tilespmem:$0x1A900] =	vst v63  }
0xd9: {  	_ =	swait.ge [sflag:s13], $0x6400  }
0xda: {  	[sflag:s13] =	ssyncset.done $0x0  }
0xdb: {  	s17 =	rddreg [dreg:$0x9];
	[sflag:s13] =	ssyncadd.s32 $0xFFFF9C00  }
0xdc: {  	[hbm4b:s17+s2] =	stream.linear.scatter [tilespmem:s9], [sflag:$0x7], $0x6400, $0x38;
	[tilespmem:$0x1A900] =	vst v63  }
0xdd: {  	_ =	swait.ge [sflag:s3], $0x6400  }
0xde: {  	[sflag:s3] =	ssyncset.done $0x0  }
0xdf: {  	[sflag:s3] =	ssyncadd.s32 $0xFFFF9C00  }
0xe0: {  	[tilespmem:s15], [sflag:$0x1] =	stream.indirect.gather [hbm4b:s4+s7], $0x40, s25, s7, $0xb8;
	[tilespmem:$0x1A900] =	vst v63  }
0xe1: {  	_ =	swait.ge [sflag:s11], $0x6400  }
0xe2: {  	[sflag:s11] =	ssyncset.done $0x0  }
0xe3: {  	s17 =	rddreg [dreg:$0xa];
	[sflag:s11] =	ssyncadd.s32 $0xFFFF9C00  }
0xe4: {  	[hbm4b:s17+s2] =	stream.linear.scatter [tilespmem:s5], [sflag:$0x8], $0x6400, $0x38;
	[tilespmem:$0x1A900] =	vst v63  }
0xe5: {  	_ =	swait.ge [sflag:s10], $0x6400  }
0xe6: {  	[sflag:s10] =	ssyncset.done $0x0  }
0xe7: {  	[sflag:s10] =	ssyncadd.s32 $0xFFFF9C00  }
0xe8: {  	[tilespmem:s12], [sflag:$0x2] =	stream.indirect.gather [hbm4b:s4+s7], $0x40, s24, s7, $0xb8;
	[tilespmem:$0x1A900] =	vst v63  }
0xe9: {  	_ =	swait.ge [sflag:s16], $0x6400  }
0xea: {  	[sflag:s16] =	ssyncset.done $0x0  }
0xeb: {  	s17 =	rddreg [dreg:$0xb];
	[sflag:s16] =	ssyncadd.s32 $0xFFFF9C00  }
0xec: {  	[hbm4b:s17+s2] =	stream.linear.scatter [tilespmem:s15], [sflag:$0x5], $0x6400, $0x38;
	[tilespmem:$0x1A900] =	vst v63  }
0xed: {  	_ =	swait.ge [sflag:s8], $0x6400  }
0xee: {  	[sflag:s8] =	ssyncset.done $0x0  }
0xef: {  	[sflag:s8] =	ssyncadd.s32 $0xFFFF9C00  }
0xf0: {  	[tilespmem:s9], [sflag:$0x3] =	stream.indirect.gather [hbm4b:s4+s7], $0x40, s23, s7, $0xb8;
	[tilespmem:$0x1A900] =	vst v63  }
0xf1: {  	_ =	swait.ge [sflag:s14], $0x6400  }
0xf2: {  	[sflag:s14] =	ssyncset.done $0x0  }
0xf3: {  	s17 =	rddreg [dreg:$0xc];
	[sflag:s14] =	ssyncadd.s32 $0xFFFF9C00  }
0xf4: {  	[hbm4b:s17+s2] =	stream.linear.scatter [tilespmem:s12], [sflag:$0x6], $0x6400, $0x38;
	[tilespmem:$0x1A900] =	vst v63  }
0xf5: {  	_ =	swait.ge [sflag:s6], $0x6400  }
0xf6: {  	[sflag:s6] =	ssyncset.done $0x0  }
0xf7: {  	[sflag:s6] =	ssyncadd.s32 $0xFFFF9C00  }
0xf8: {  	[tilespmem:s5], [sflag:$0x4] =	stream.indirect.gather [hbm4b:s4+s7], $0x40, s22, s7, $0xb8;
	[tilespmem:$0x1A900] =	vst v63  }
0xf9: {  	_ =	swait.ge [sflag:s13], $0x6400  }
0xfa: {  	[sflag:s13] =	ssyncset.done $0x0  }
0xfb: {  	s17 =	rddreg [dreg:$0xd];
	[sflag:s13] =	ssyncadd.s32 $0xFFFF9C00  }
0xfc: {  	[hbm4b:s17+s2] =	stream.linear.scatter [tilespmem:s9], [sflag:$0x7], $0x6400, $0x38;
	[tilespmem:$0x1A900] =	vst v63  }
0xfd: {  	_ =	swait.ge [sflag:s3], $0x6400  }
0xfe: {  	[sflag:s3] =	ssyncset.done $0x0  }
0xff: {  	[sflag:s3] =	ssyncadd.s32 $0xFFFF9C00  }
0x100: {  	[tilespmem:s15], [sflag:$0x1] =	stream.indirect.gather [hbm4b:s4+s7], $0x40, s21, s7, $0xb8;
	[tilespmem:$0x1A900] =	vst v63  }
0x101: {  	_ =	swait.ge [sflag:s11], $0x6400  }
0x102: {  	[sflag:s11] =	ssyncset.done $0x0  }
0x103: {  	s17 =	rddreg [dreg:$0xe];
	[sflag:s11] =	ssyncadd.s32 $0xFFFF9C00  }
0x104: {  	[hbm4b:s17+s2] =	stream.linear.scatter [tilespmem:s5], [sflag:$0x8], $0x6400, $0x38;
	[tilespmem:$0x1A900] =	vst v63  }
0x105: {  	_ =	swait.ge [sflag:s10], $0x6400  }
0x106: {  	[sflag:s10] =	ssyncset.done $0x0  }
0x107: {  	[sflag:s10] =	ssyncadd.s32 $0xFFFF9C00  }
0x108: {  	[tilespmem:s12], [sflag:$0x2] =	stream.indirect.gather [hbm4b:s4+s7], $0x40, s20, s7, $0xb8;
	[tilespmem:$0x1A900] =	vst v63  }
0x109: {  	_ =	swait.ge [sflag:s16], $0x6400  }
0x10a: {  	[sflag:s16] =	ssyncset.done $0x0  }
0x10b: {  	s17 =	rddreg [dreg:$0xf];
	[sflag:s16] =	ssyncadd.s32 $0xFFFF9C00  }
0x10c: {  	[hbm4b:s17+s2] =	stream.linear.scatter [tilespmem:s15], [sflag:$0x5], $0x6400, $0x38;
	[tilespmem:$0x1A900] =	vst v63  }
0x10d: {  	_ =	swait.ge [sflag:s8], $0x6400  }
0x10e: {  	[sflag:s8] =	ssyncset.done $0x0  }
0x10f: {  	[sflag:s8] =	ssyncadd.s32 $0xFFFF9C00  }
0x110: {  	[tilespmem:s9], [sflag:$0x3] =	stream.indirect.gather [hbm4b:s4+s7], $0x40, s19, s7, $0xb8;
	[tilespmem:$0x1A900] =	vst v63  }
0x111: {  	_ =	swait.ge [sflag:s14], $0x6400  }
0x112: {  	[sflag:s14] =	ssyncset.done $0x0  }
0x113: {  	s17 =	rddreg [dreg:$0x10];
	[sflag:s14] =	ssyncadd.s32 $0xFFFF9C00  }
0x114: {  	[hbm4b:s17+s2] =	stream.linear.scatter [tilespmem:s12], [sflag:$0x6], $0x6400, $0x38;
	[tilespmem:$0x1A900] =	vst v63  }
0x115: {  	_ =	swait.ge [sflag:s6], $0x6400  }
0x116: {  	[sflag:s6] =	ssyncset.done $0x0  }
0x117: {  	[sflag:s6] =	ssyncadd.s32 $0xFFFF9C00  }
0x118: {  	[tilespmem:s5], [sflag:$0x4] =	stream.indirect.gather [hbm4b:s4+s7], $0x40, s18, s7, $0xb8;
	[tilespmem:$0x1A900] =	vst v63  }
0x119: {  	_ =	swait.ge [sflag:s13], $0x6400  }
0x11a: {  	[sflag:s13] =	ssyncset.done $0x0  }
0x11b: {  	s17 =	rddreg [dreg:$0x11];
	[sflag:s13] =	ssyncadd.s32 $0xFFFF9C00  }
0x11c: {  	[hbm4b:s17+s2] =	stream.linear.scatter [tilespmem:s9], [sflag:$0x7], $0x6400, $0x38;
	[tilespmem:$0x1A900] =	vst v63  }
0x11d: {  	_ =	swait.ge [sflag:s11], $0x6400  }
0x11e: {  	[sflag:s11] =	ssyncset.done $0x0  }
0x11f: {  	s17 =	rddreg [dreg:$0x12];
	[sflag:s11] =	ssyncadd.s32 $0xFFFF9C00  }
0x120: {  	[hbm4b:s17+s2] =	stream.linear.scatter [tilespmem:s5], [sflag:$0x8], $0x6400, $0x38;
	[tilespmem:$0x1A900] =	vst v63  }
0x121: {  	_ =	swait.ge [sflag:s10], $0x6400  }
0x122: {  	[sflag:s10] =	ssyncset.done $0x0  }
0x123: {  	[sflag:s10] =	ssyncadd.s32 $0xFFFF9C00  }
0x124: {  	_ =	swait.ge [sflag:s8], $0x6400  }
0x125: {  	[sflag:s8] =	ssyncset.done $0x0  }
0x126: {  	p1 =	sne.s32 s1, $0x1;
	[sflag:s8] =	ssyncadd.s32 $0xFFFF9C00  }
.Ltmp2:
0x127: {  	_ =	swait.ge [sflag:s6], $0x6400;
	(pc) =	sbr.rel @p1 .LBB2_4-.Ltmp2, $4  }
0x128: {  	[sflag:s6] =	ssyncset.done $0x0  }
0x129: {  	[sflag:s6] =	ssyncadd.s32 $0xFFFF9C00  }
0x12a: {  	_ =	swait.ge [sflag:s3], $0x6400  }
0x12b: {  	s1 =	sadd.s32 $0xFFFFFFFF, s1;
	s0 =	rddreg [dreg:$0x2];
	[sflag:s3] =	ssyncset.done $0x0  }
0x12c: {  	s18 =	simm.s32 $0x4B0  }
0x12d: {  	s30 =	simm.s32 $0x640;
	s29 =	simm.s32 $0x7D0;
	s28 =	simm.s32 $0x960  }
0x12e: {  	s26 =	simm.s32 $0xAF0;
	s25 =	simm.s32 $0xC80;
	s24 =	simm.s32 $0xE10  }
0x12f: {  	s23 =	simm.s32 $0xFA0;
	s22 =	simm.s32 $0x1130;
	s21 =	simm.s32 $0x12C0  }
0x130: {  	s20 =	simm.s32 $0x1450;
	s19 =	simm.s32 $0x15E0;
	s17 =	stileid.u32  }
.LBB2_6:
0x131: {  	[sflag:s3] =	ssyncadd.s32 @p0 $0xFFFF9C00  }
0x132: {  	[tilespmem:s2], [sflag:$0x9] =	stream.linear.gather [hbm4b:s0+s2], $0x1900, $0x38;
	[tilespmem:$0x1A900] =	vst v63  }
0x133: {  	_ =	swait.ge [sflag:s31], $0x1900  }
0x134: {  	[sflag:s31] =	ssyncset.done $0x0  }
0x135: {  	[sflag:s31] =	ssyncadd.s32 $0xFFFFE700  }
0x136: {  	[tilespmem:s15], [sflag:$0x1] =	stream.indirect.gather [hbm4b:s4+s7], $0x40, s2, s7, $0xb8;
	[tilespmem:$0x1A900] =	vst v63  }
0x137: {  	_ = 	snop  }
0x138: {  	[tilespmem:s12], [sflag:$0x2] =	stream.indirect.gather [hbm4b:s4+s7], $0x40, s7, s7, $0xb8;
	[tilespmem:$0x1A900] =	vst v63  }
0x139: {  	_ =	swait.ge [sflag:s16], $0x6400  }
0x13a: {  	[sflag:s16] =	ssyncset.done $0x0  }
0x13b: {  	s31 =	rddreg [dreg:$0x3];
	[sflag:s16] =	ssyncadd.s32 $0xFFFF9C00  }
0x13c: {  	[hbm4b:s31+s2] =	stream.linear.scatter [tilespmem:s15], [sflag:$0x5], $0x6400, $0x38;
	[tilespmem:$0x1A900] =	vst v63  }
0x13d: {  	s1 =	rddreg [dreg:$0x13]  }
0x13e: {  	[tilespmem:s9], [sflag:$0x3] =	stream.indirect.gather [hbm4b:s4+s7], $0x40, s1, s7, $0xb8;
	[tilespmem:$0x1A900] =	vst v63  }
0x13f: {  	_ =	swait.ge [sflag:s14], $0x6400  }
0x140: {  	[sflag:s14] =	ssyncset.done $0x0  }
0x141: {  	s31 =	rddreg [dreg:$0x4];
	[sflag:s14] =	ssyncadd.s32 $0xFFFF9C00  }
0x142: {  	[hbm4b:s31+s2] =	stream.linear.scatter [tilespmem:s12], [sflag:$0x6], $0x6400, $0x38;
	[tilespmem:$0x1A900] =	vst v63  }
0x143: {  	_ = 	snop  }
0x144: {  	[tilespmem:s5], [sflag:$0x4] =	stream.indirect.gather [hbm4b:s4+s7], $0x40, s18, s7, $0xb8;
	[tilespmem:$0x1A900] =	vst v63  }
0x145: {  	_ =	swait.ge [sflag:s13], $0x6400  }
0x146: {  	[sflag:s13] =	ssyncset.done $0x0  }
0x147: {  	s1 =	rddreg [dreg:$0x5];
	[sflag:s13] =	ssyncadd.s32 $0xFFFF9C00  }
0x148: {  	[hbm4b:s1+s2] =	stream.linear.scatter [tilespmem:s9], [sflag:$0x7], $0x6400, $0x38;
	[tilespmem:$0x1A900] =	vst v63  }
0x149: {  	_ =	swait.ge [sflag:s3], $0x6400  }
0x14a: {  	[sflag:s3] =	ssyncset.done $0x0  }
0x14b: {  	[sflag:s3] =	ssyncadd.s32 $0xFFFF9C00  }
0x14c: {  	[tilespmem:s15], [sflag:$0x1] =	stream.indirect.gather [hbm4b:s4+s7], $0x40, s30, s7, $0xb8;
	[tilespmem:$0x1A900] =	vst v63  }
0x14d: {  	_ =	swait.ge [sflag:s11], $0x6400  }
0x14e: {  	[sflag:s11] =	ssyncset.done $0x0  }
0x14f: {  	s18 =	rddreg [dreg:$0x6];
	[sflag:s11] =	ssyncadd.s32 $0xFFFF9C00  }
0x150: {  	[hbm4b:s18+s2] =	stream.linear.scatter [tilespmem:s5], [sflag:$0x8], $0x6400, $0x38;
	[tilespmem:$0x1A900] =	vst v63  }
0x151: {  	_ =	swait.ge [sflag:s10], $0x6400  }
0x152: {  	[sflag:s10] =	ssyncset.done $0x0  }
0x153: {  	[sflag:s10] =	ssyncadd.s32 $0xFFFF9C00  }
0x154: {  	[tilespmem:s12], [sflag:$0x2] =	stream.indirect.gather [hbm4b:s4+s7], $0x40, s29, s7, $0xb8;
	[tilespmem:$0x1A900] =	vst v63  }
0x155: {  	_ =	swait.ge [sflag:s16], $0x6400  }
0x156: {  	[sflag:s16] =	ssyncset.done $0x0  }
0x157: {  	s29 =	rddreg [dreg:$0x7];
	[sflag:s16] =	ssyncadd.s32 $0xFFFF9C00  }
0x158: {  	[hbm4b:s29+s2] =	stream.linear.scatter [tilespmem:s15], [sflag:$0x5], $0x6400, $0x38;
	[tilespmem:$0x1A900] =	vst v63  }
0x159: {  	_ =	swait.ge [sflag:s8], $0x6400  }
0x15a: {  	[sflag:s8] =	ssyncset.done $0x0  }
0x15b: {  	[sflag:s8] =	ssyncadd.s32 $0xFFFF9C00  }
0x15c: {  	[tilespmem:s9], [sflag:$0x3] =	stream.indirect.gather [hbm4b:s4+s7], $0x40, s28, s7, $0xb8;
	[tilespmem:$0x1A900] =	vst v63  }
0x15d: {  	_ =	swait.ge [sflag:s14], $0x6400  }
0x15e: {  	[sflag:s14] =	ssyncset.done $0x0  }
0x15f: {  	s30 =	rddreg [dreg:$0x8];
	[sflag:s14] =	ssyncadd.s32 $0xFFFF9C00  }
0x160: {  	[hbm4b:s30+s2] =	stream.linear.scatter [tilespmem:s12], [sflag:$0x6], $0x6400, $0x38;
	[tilespmem:$0x1A900] =	vst v63  }
0x161: {  	_ =	swait.ge [sflag:s6], $0x6400  }
0x162: {  	[sflag:s6] =	ssyncset.done $0x0  }
0x163: {  	[sflag:s6] =	ssyncadd.s32 $0xFFFF9C00  }
0x164: {  	[tilespmem:s5], [sflag:$0x4] =	stream.indirect.gather [hbm4b:s4+s7], $0x40, s26, s7, $0xb8;
	[tilespmem:$0x1A900] =	vst v63  }
0x165: {  	_ =	swait.ge [sflag:s13], $0x6400  }
0x166: {  	[sflag:s13] =	ssyncset.done $0x0  }
0x167: {  	s31 =	rddreg [dreg:$0x9];
	[sflag:s13] =	ssyncadd.s32 $0xFFFF9C00  }
0x168: {  	[hbm4b:s31+s2] =	stream.linear.scatter [tilespmem:s9], [sflag:$0x7], $0x6400, $0x38;
	[tilespmem:$0x1A900] =	vst v63  }
0x169: {  	_ =	swait.ge [sflag:s3], $0x6400  }
0x16a: {  	[sflag:s3] =	ssyncset.done $0x0  }
0x16b: {  	[sflag:s3] =	ssyncadd.s32 $0xFFFF9C00  }
0x16c: {  	[tilespmem:s15], [sflag:$0x1] =	stream.indirect.gather [hbm4b:s4+s7], $0x40, s25, s7, $0xb8;
	[tilespmem:$0x1A900] =	vst v63  }
0x16d: {  	_ =	swait.ge [sflag:s11], $0x6400  }
0x16e: {  	[sflag:s11] =	ssyncset.done $0x0  }
0x16f: {  	s1 =	rddreg [dreg:$0xa];
	[sflag:s11] =	ssyncadd.s32 $0xFFFF9C00  }
0x170: {  	[hbm4b:s1+s2] =	stream.linear.scatter [tilespmem:s5], [sflag:$0x8], $0x6400, $0x38;
	[tilespmem:$0x1A900] =	vst v63  }
0x171: {  	_ =	swait.ge [sflag:s10], $0x6400  }
0x172: {  	[sflag:s10] =	ssyncset.done $0x0  }
0x173: {  	[sflag:s10] =	ssyncadd.s32 $0xFFFF9C00  }
0x174: {  	[tilespmem:s12], [sflag:$0x2] =	stream.indirect.gather [hbm4b:s4+s7], $0x40, s24, s7, $0xb8;
	[tilespmem:$0x1A900] =	vst v63  }
0x175: {  	_ =	swait.ge [sflag:s16], $0x6400  }
0x176: {  	[sflag:s16] =	ssyncset.done $0x0  }
0x177: {  	s18 =	rddreg [dreg:$0xb];
	[sflag:s16] =	ssyncadd.s32 $0xFFFF9C00  }
0x178: {  	[hbm4b:s18+s2] =	stream.linear.scatter [tilespmem:s15], [sflag:$0x5], $0x6400, $0x38;
	[tilespmem:$0x1A900] =	vst v63  }
0x179: {  	_ =	swait.ge [sflag:s8], $0x6400  }
0x17a: {  	[sflag:s8] =	ssyncset.done $0x0  }
0x17b: {  	[sflag:s8] =	ssyncadd.s32 $0xFFFF9C00  }
0x17c: {  	[tilespmem:s9], [sflag:$0x3] =	stream.indirect.gather [hbm4b:s4+s7], $0x40, s23, s7, $0xb8;
	[tilespmem:$0x1A900] =	vst v63  }
0x17d: {  	_ =	swait.ge [sflag:s14], $0x6400  }
0x17e: {  	[sflag:s14] =	ssyncset.done $0x0  }
0x17f: {  	s23 =	rddreg [dreg:$0xc];
	[sflag:s14] =	ssyncadd.s32 $0xFFFF9C00  }
0x180: {  	[hbm4b:s23+s2] =	stream.linear.scatter [tilespmem:s12], [sflag:$0x6], $0x6400, $0x38;
	[tilespmem:$0x1A900] =	vst v63  }
0x181: {  	_ =	swait.ge [sflag:s6], $0x6400  }
0x182: {  	[sflag:s6] =	ssyncset.done $0x0  }
0x183: {  	[sflag:s6] =	ssyncadd.s32 $0xFFFF9C00  }
0x184: {  	[tilespmem:s5], [sflag:$0x4] =	stream.indirect.gather [hbm4b:s4+s7], $0x40, s22, s7, $0xb8;
	[tilespmem:$0x1A900] =	vst v63  }
0x185: {  	_ =	swait.ge [sflag:s13], $0x6400  }
0x186: {  	[sflag:s13] =	ssyncset.done $0x0  }
0x187: {  	s24 =	rddreg [dreg:$0xd];
	[sflag:s13] =	ssyncadd.s32 $0xFFFF9C00  }
0x188: {  	[hbm4b:s24+s2] =	stream.linear.scatter [tilespmem:s9], [sflag:$0x7], $0x6400, $0x38;
	[tilespmem:$0x1A900] =	vst v63  }
0x189: {  	_ =	swait.ge [sflag:s3], $0x6400  }
0x18a: {  	[sflag:s3] =	ssyncset.done $0x0  }
0x18b: {  	[sflag:s3] =	ssyncadd.s32 $0xFFFF9C00  }
0x18c: {  	[tilespmem:s15], [sflag:$0x1] =	stream.indirect.gather [hbm4b:s4+s7], $0x40, s21, s7, $0xb8;
	[tilespmem:$0x1A900] =	vst v63  }
0x18d: {  	_ =	swait.ge [sflag:s11], $0x6400  }
0x18e: {  	[sflag:s11] =	ssyncset.done $0x0  }
0x18f: {  	s25 =	rddreg [dreg:$0xe];
	[sflag:s11] =	ssyncadd.s32 $0xFFFF9C00  }
0x190: {  	[hbm4b:s25+s2] =	stream.linear.scatter [tilespmem:s5], [sflag:$0x8], $0x6400, $0x38;
	[tilespmem:$0x1A900] =	vst v63  }
0x191: {  	_ =	swait.ge [sflag:s10], $0x6400  }
0x192: {  	[sflag:s10] =	ssyncset.done $0x0  }
0x193: {  	[sflag:s10] =	ssyncadd.s32 $0xFFFF9C00  }
0x194: {  	[tilespmem:s12], [sflag:$0x2] =	stream.indirect.gather [hbm4b:s4+s7], $0x40, s20, s7, $0xb8;
	[tilespmem:$0x1A900] =	vst v63  }
0x195: {  	_ =	swait.ge [sflag:s16], $0x6400  }
0x196: {  	[sflag:s16] =	ssyncset.done $0x0  }
0x197: {  	s26 =	rddreg [dreg:$0xf];
	[sflag:s16] =	ssyncadd.s32 $0xFFFF9C00  }
0x198: {  	[hbm4b:s26+s2] =	stream.linear.scatter [tilespmem:s15], [sflag:$0x5], $0x6400, $0x38;
	[tilespmem:$0x1A900] =	vst v63  }
0x199: {  	_ =	swait.ge [sflag:s8], $0x6400  }
0x19a: {  	[sflag:s8] =	ssyncset.done $0x0  }
0x19b: {  	[sflag:s8] =	ssyncadd.s32 $0xFFFF9C00  }
0x19c: {  	[tilespmem:s9], [sflag:$0x3] =	stream.indirect.gather [hbm4b:s4+s7], $0x40, s19, s7, $0xb8;
	[tilespmem:$0x1A900] =	vst v63  }
0x19d: {  	_ =	swait.ge [sflag:s14], $0x6400  }
0x19e: {  	[sflag:s14] =	ssyncset.done $0x0  }
0x19f: {  	s28 =	rddreg [dreg:$0x10];
	[sflag:s14] =	ssyncadd.s32 $0xFFFF9C00  }
0x1a0: {  	[hbm4b:s28+s2] =	stream.linear.scatter [tilespmem:s12], [sflag:$0x6], $0x6400, $0x38;
	[tilespmem:$0x1A900] =	vst v63  }
0x1a1: {  	_ =	swait.ge [sflag:s6], $0x6400  }
0x1a2: {  	[sflag:s6] =	ssyncset.done $0x0  }
0x1a3: {  	s29 =	simm.s32 $0x1770;
	[sflag:s6] =	ssyncadd.s32 $0xFFFF9C00  }
0x1a4: {  	[tilespmem:s5], [sflag:$0x4] =	stream.indirect.gather [hbm4b:s4+s7], $0x40, s29, s7, $0xb8;
	[tilespmem:$0x1A900] =	vst v63  }
0x1a5: {  	_ =	swait.ge [sflag:s13], $0x6400  }
0x1a6: {  	[sflag:s13] =	ssyncset.done $0x0  }
0x1a7: {  	s30 =	rddreg [dreg:$0x11];
	[sflag:s13] =	ssyncadd.s32 $0xFFFF9C00  }
0x1a8: {  	[hbm4b:s30+s2] =	stream.linear.scatter [tilespmem:s9], [sflag:$0x7], $0x6400, $0x38;
	[tilespmem:$0x1A900] =	vst v63  }
0x1a9: {  	_ =	swait.ge [sflag:s11], $0x6400  }
0x1aa: {  	[sflag:s11] =	ssyncset.done $0x0  }
0x1ab: {  	s31 =	rddreg [dreg:$0x12];
	[sflag:s11] =	ssyncadd.s32 $0xFFFF9C00  }
0x1ac: {  	[hbm4b:s31+s2] =	stream.linear.scatter [tilespmem:s5], [sflag:$0x8], $0x6400, $0x38;
	[tilespmem:$0x1A900] =	vst v63  }
0x1ad: {  	_ =	swait.ge [sflag:s10], $0x6400  }
0x1ae: {  	[sflag:s10] =	ssyncset.done $0x0  }
0x1af: {  	[sflag:s10] =	ssyncadd.s32 $0xFFFF9C00  }
0x1b0: {  	_ =	swait.ge [sflag:s8], $0x6400  }
0x1b1: {  	[sflag:s8] =	ssyncset.done $0x0  }
0x1b2: {  	[sflag:s8] =	ssyncadd.s32 $0xFFFF9C00  }
0x1b3: {  	_ =	swait.ge [sflag:s6], $0x6400  }
0x1b4: {  	[sflag:s6] =	ssyncset.done $0x0  }
0x1b5: {  	[sflag:s6] =	ssyncadd.s32 $0xFFFF9C00  }
0x1b6: {  	_ =	swait.ge [sflag:s3], $0x6400  }
0x1b7: {  	[sflag:s3] =	ssyncset.done $0x0  }
0x1b8: {  	[sflag:s3] =	ssyncadd.s32 $0xFFFF9C00  }
0x1b9: {  	_ =	sfence.sel $0x180000  }
0x1ba: {  	[bflag:$0x0] =	sbarrier.arrive $0xFFFF  }
0x1bb: {  	_ =	strace $0x9000004A  }
0x1bc: {  	[bflag:$0x2] =	sbarrier.arrive $0xFFFF  }
0x1bd: {  	p0 =	sne.s32 s17, $0x0;
	s0 =	rddreg [dreg:$0x1]  }
0x1be: {  	s0 =	sadd.s32 @!p0 $0x100000, s0  }
0x1bf: {  	[sflag:s0] =	ssyncadd.tile.s32 @!p0 $0x1;
	_ =	shalt  }
.LBB2_1:
.Ltmp3:
0x1c0: {  	(pc) =	sbr.rel .LBB2_6-.Ltmp3, $4  }
0x1c1: {  	s18 =	simm.s32 $0x4B0;
	s30 =	simm.s32 $0x640;
	s29 =	simm.s32 $0x7D0  }
0x1c2: {  	s28 =	simm.s32 $0x960;
	s26 =	simm.s32 $0xAF0;
	s25 =	simm.s32 $0xC80  }
0x1c3: {  	s24 =	simm.s32 $0xE10;
	s23 =	simm.s32 $0xFA0;
	s22 =	simm.s32 $0x1130  }
0x1c4: {  	s21 =	simm.s32 $0x12C0;
	s20 =	simm.s32 $0x1450;
	s19 =	simm.s32 $0x15E0  }
.LBB2_3:
.Ltmp4:
0x1c5: {  	s18 =	simm.s32 $0x4B0;
	(pc) =	sbr.rel .LBB2_6-.Ltmp4, $4  }
0x1c6: {  	s30 =	simm.s32 $0x640;
	s29 =	simm.s32 $0x7D0;
	s28 =	simm.s32 $0x960  }
0x1c7: {  	s26 =	simm.s32 $0xAF0;
	s25 =	simm.s32 $0xC80;
	s24 =	simm.s32 $0xE10  }
0x1c8: {  	s23 =	simm.s32 $0xFA0;
	s22 =	simm.s32 $0x1130;
	s21 =	simm.s32 $0x12C0  }
0x1c9: {  	s20 =	simm.s32 $0x1450;
	s19 =	simm.s32 $0x15E0;
	s17 =	stileid.u32  }
.Lfunc_end2:
_tile_overlayer_lowered:
.L_overlay_start_2:
0x1ca: {  	(tag) =	ssettag $0x2  }
0x1cb: {  	s0 =	rddreg [dreg:$0x0];
	s2 =	stileid.u32  }
0x1cc: {  	s1 =	rddreg [dreg:$0x1];
	p0 =	sne.s32 s2, $0x0  }
0x1cd: {  	s3 =	rddreg [dreg:$0x2];
	[bflag:$0x3] =	sbarrier.arrive $0xFFFF;
	s2 =	simm.s32 @!p0 $0x1C09  }
0x1ce: {  	[timem:s3], [sflag:s2] =	dma.local @!p0 [hbm:s0], s1  }
0x1cf: {  	s0 =	simm.s32 @!p0 $0x9  }
0x1d0: {  	_ =	swait.ge @!p0 [sflag:s0], s1  }
0x1d1: {  	s1 =	ssub.s32 @!p0 $0x0, s1;
	[sflag:s0] =	ssyncset.done @!p0 $0x0  }
0x1d2: {  	[sflag:s0] =	ssyncadd.s32 @!p0 s1  }
0x1d3: {  	[bflag:$0x3] =	sbarrier.arrive $0xFFFF  }
0x1d4: {  	_ =	shalt  }

// kernel: kernel.8.cloned.1.call-start
scs
__scs_entry_jumppad:
0x0: {  	(pc) =	sbr.rel $0x88, $3  }
0x1: {  	(tag) =	ssettag $0x0;
	lr =	simm.s32 $0x1  }
0x2: {  	[smem:$0x3F9D] =	sst lr;
	_ =	strace $0xD0000000  }
0x3: {  	_ = 	snop  }
0x4: {  	_ = 	snop  }
0x5: {  	_ = 	snop  }
0x6: {  	_ = 	snop  }
0x7: {  	_ = 	snop  }
__scs_overlays_trampoline_lowered:
0x8: {  	[smem:$0x3FAC] =	sst s0  }
0x9: {  	[smem:$0x3FAD] =	sst s1  }
0xa: {  	[smem:$0x3FAE] =	sst s2  }
0xb: {  	[smem:$0x3FAF] =	sst s3  }
0xc: {  	[smem:$0x3FB0] =	sst s4  }
0xd: {  	[smem:$0x3FB1] =	sst s5  }
0xe: {  	[smem:$0x3FB2] =	sst s6  }
0xf: {  	[smem:$0x3FB3] =	sst s7  }
0x10: {  	[smem:$0x3FB4] =	sst s8  }
0x11: {  	[smem:$0x3FB5] =	sst s9;
	s0 =	simm.s32 @!p0 $0x0  }
0x12: {  	s1 =	sld [smem:$0x3F9B];
	s0 =	simm.s32 @p0 $0x1  }
0x13: {  	[smem:$0x3FB6] =	sst s0;
	s0 =	simm.s32 @!p1 $0x0  }
0x14: {  	s2 =	sld [smem:$0x3F9A];
	s0 =	simm.s32 @p1 $0x1  }
0x15: {  	[smem:$0x3FB7] =	sst s0;
	s0 =	simm.s32 @!p2 $0x0  }
0x16: {  	s3 =	sld [smem:$0x3FDB];
	s0 =	simm.s32 @p2 $0x1  }
0x17: {  	s4 =	simm.s32 $0x1BF5;
	[smem:$0x3FB9] =	sst s0  }
0x18: {  	s0 =	sld [smem:$0x3F9C];
	_ =	swait.ge [sflag:s4], $0x0  }
0x19: {  	s7 =	sld [smem:$0x3F9D]  }
0x1a: {  	s8 =	sadd.s32 $0xFFFFE003, lr  }
0x1b: {  	s9 =	sadd.s32 $0xFFFFFEF7, lr;
	s5 =	simm.s32 $0xFFFFFFFF;
	p2 =	slt.u32 s8, $0xFFFFF086  }
0x1c: {  	p1 =	slt.u32 s9, $0xF7A;
	s5 =	simm.s32 @!p2 $0x0  }
0x1d: {  	s5 =	simm.s32 @p1 $0x1;
	p0 =	seq.s32 s7, s2  }
0x1e: {  	s7 =	smul.u32 @!p0 $0xF7A, s2;
	p2 =	seq.s32 @!p0 s5, $0x0  }
0x1f: {  	s9 =	smul.u32 $0xF7A, s1;
	s8 =	simm.s32 @!p0 $0x1BF5;
	p2 =	por !p2, p0  }
0x20: {  	[sflag:s8] =	ssyncset.s32 @!p0 $0xFFFFF086;
	s6 =	sadd.s32 @!p0 s3, s7;
	s7 =	simm.s32 @!p0 $0x108  }
0x21: {  	s3 =	sadd.s32 s3, s9;
	s6 =	sadd.s32 @!p0 $0x88, s6;
	s7 =	simm.s32 @p2 $0x1082  }
0x22: {  	[simem:s7], [sflag:s8] =	dma.local @!p0 [hbm:s6], $0xF7A  }
0x23: {  	s9 =	sor.u32 $0xD0000000, s2;
	s6 =	simm.s32 $0x108;
	_ =	swait.ge @!p0 [sflag:s8], $0x0  }
0x24: {  	s3 =	sadd.s32 $0x88, s3;
	s6 =	simm.s32 @!p1 $0x1082;
	[sflag:s4] =	ssyncset.s32 $0xFFFFF086  }
0x25: {  	[simem:s6], [sflag:s4] =	dma.local [hbm:s3], $0xF7A  }
0x26: {  	[smem:$0x3F9D] =	sst s1;
	(tag) =	ssettag s2;
	_ =	strace s9  }
0x27: {  	s1 =	sld [smem:$0x3FAD]  }
0x28: {  	s2 =	sld [smem:$0x3FAE]  }
0x29: {  	s4 =	sld [smem:$0x3FB0]  }
0x2a: {  	p0 =	seq.s32 s5, $0x0;
	s5 =	sld [smem:$0x3FB1]  }
0x2b: {  	s6 =	sld [smem:$0x3FB2]  }
0x2c: {  	s7 =	sld [smem:$0x3FB3]  }
0x2d: {  	s3 =	simm.s32 $0x108;
	s8 =	sld [smem:$0x3FB4]  }
0x2e: {  	s3 =	simm.s32 @!p0 $0x1082;
	s9 =	sld [smem:$0x3FB5]  }
0x2f: {  	lr =	sadd.s32 s0, s3;
	s0 =	sld [smem:$0x3FAC]  }
0x30: {  	s3 =	sld [smem:$0x3FAF]  }
0x31: {  	[smem:$0x3FB8] =	sst s10  }
0x32: {  	s10 =	sld [smem:$0x3FB6];
	_ =	sdelay $0x3  }
0x33: {  	p0 =	seq.s32 s10, $0x1;
	s10 =	sld [smem:$0x3FB8];
	_ =	sdelay $0x3  }
0x34: {  	[smem:$0x3FB8] =	sst s10  }
0x35: {  	s10 =	sld [smem:$0x3FB7];
	_ =	sdelay $0x3  }
0x36: {  	p1 =	seq.s32 s10, $0x1;
	s10 =	sld [smem:$0x3FB8];
	_ =	sdelay $0x3  }
0x37: {  	[smem:$0x3FB8] =	sst s10  }
0x38: {  	s10 =	sld [smem:$0x3FB9]  }
0x39: {  	_ = 	snop;
	(pc) =	sbr.ind lr, $3  }
0x3a: {  	_ = 	snop  }
0x3b: {  	_ = 	snop  }
0x3c: {  	p2 =	seq.s32 s10, $0x1;
	s10 =	sld [smem:$0x3FB8]  }
0x3d: {  	_ =	shalt  }
0x3e: {  	_ =	shalt  }
0x3f: {  	_ =	shalt  }
0x40: {  	_ =	shalt  }
0x41: {  	_ =	shalt  }
0x42: {  	_ =	shalt  }
0x43: {  	_ =	shalt  }
0x44: {  	_ =	shalt  }
0x45: {  	_ =	shalt  }
0x46: {  	_ =	shalt  }
0x47: {  	_ =	shalt  }
0x48: {  	_ =	shalt  }
0x49: {  	_ =	shalt  }
0x4a: {  	_ =	shalt  }
0x4b: {  	_ =	shalt  }
0x4c: {  	_ =	shalt  }
0x4d: {  	_ =	shalt  }
0x4e: {  	_ =	shalt  }
0x4f: {  	_ =	shalt  }
0x50: {  	_ =	shalt  }
0x51: {  	_ =	shalt  }
0x52: {  	_ =	shalt  }
0x53: {  	_ =	shalt  }
0x54: {  	_ =	shalt  }
0x55: {  	_ =	shalt  }
0x56: {  	_ =	shalt  }
0x57: {  	_ =	shalt  }
0x58: {  	_ =	shalt  }
0x59: {  	_ =	shalt  }
0x5a: {  	_ =	shalt  }
0x5b: {  	_ =	shalt  }
0x5c: {  	_ =	shalt  }
0x5d: {  	_ =	shalt  }
0x5e: {  	_ =	shalt  }
0x5f: {  	_ =	shalt  }
0x60: {  	_ =	shalt  }
0x61: {  	_ =	shalt  }
0x62: {  	_ =	shalt  }
0x63: {  	_ =	shalt  }
0x64: {  	_ =	shalt  }
0x65: {  	_ =	shalt  }
0x66: {  	_ =	shalt  }
0x67: {  	_ =	shalt  }
0x68: {  	_ =	shalt  }
0x69: {  	_ =	shalt  }
0x6a: {  	_ =	shalt  }
0x6b: {  	_ =	shalt  }
0x6c: {  	_ =	shalt  }
0x6d: {  	_ =	shalt  }
0x6e: {  	_ =	shalt  }
0x6f: {  	_ =	shalt  }
0x70: {  	_ =	shalt  }
0x71: {  	_ =	shalt  }
0x72: {  	_ =	shalt  }
0x73: {  	_ =	shalt  }
0x74: {  	_ =	shalt  }
0x75: {  	_ =	shalt  }
0x76: {  	_ =	shalt  }
0x77: {  	_ =	shalt  }
0x78: {  	_ =	shalt  }
0x79: {  	_ =	shalt  }
0x7a: {  	_ =	shalt  }
0x7b: {  	_ =	shalt  }
0x7c: {  	_ =	shalt  }
0x7d: {  	_ =	shalt  }
0x7e: {  	_ =	shalt  }
0x7f: {  	_ =	shalt  }
0x80: {  	_ =	shalt  }
0x81: {  	_ =	shalt  }
0x82: {  	_ =	shalt  }
0x83: {  	_ =	shalt  }
0x84: {  	_ =	shalt  }
0x85: {  	_ =	shalt  }
0x86: {  	_ =	shalt  }
0x87: {  	_ =	shalt  }
.Lfunc_end0:
.L_simem_size_0:
called_computation_lowered:
.L_overlay_start_0:
0x88: {  	s2 =	sld [smem:$0x3FD9]  }
0x89: {  	s3 =	sld [smem:$0x3FFE];
	_ =	sdelay $0x1  }
0x8a: {  	s1 =	srdreg.scid  }
0x8b: {  	s0 =	sand.u32 $0x1, s1  }
0x8c: {  	s17 =	sshll.u32 s0, $0xA;
	s2 =	sadd.s32 s3, s2  }
0x8d: {  	s2 =	sadd.s32 s2, s17  }
0x8e: {  	[smem:$0x3FC4] =	sst s2  }
0x8f: {  	_ = 	snop  }
0x90: {  	s2 =	sld [smem:$0x3FD0];
	(tm) =	ssettm $0x1  }
0x91: {  	s18 =	sld [smem:$0x3FFB];
	_ =	sdelay $0x3  }
0x92: {  	_ =	strace s18  }
0x93: {  	s3 =	sld [smem:$0x3FFC];
	_ =	sdelay $0x3  }
0x94: {  	_ =	strace s3  }
0x95: {  	s3 =	sld [smem:$0x3FFD];
	_ =	sdelay $0x3  }
0x96: {  	_ =	strace s3  }
0x97: {  	_ =	strace $0x8FFFFFFF  }
0x98: {  	s19 =	sld [smem:$0x3FDB];
	_ =	sdelay $0x1  }
0x99: {  	s4 =	simm.s32 $_scs_section_size  }
0x9a: {  	s5 =	simm.s32 $_size__tile_overlayer_lowered;
	s6 =	simm.s32 $_tile_overlayer_lowered  }
0x9b: {  	s22 =	simm.s32 $0x1BFF;
	s21 =	sshll.u32 s6, $0x1;
	s3 =	sadd.s32 s4, s19  }
0x9c: {  	s7 =	simm.s32 $0x0;
	s20 =	sshll.u32 s5, $0x1;
	s5 =	sadd.s32 s21, s3  }
0x9d: {  	[timem:s7], [sflag:s22] =	dma.local [hbm:s5], s20  }
0x9e: {  	_ =	swait.ge [sflag:s22], s20  }
0x9f: {  	s4 =	ssub.s32 $0x0, s20;
	[sflag:s22] =	ssyncset.done $0x0  }
0xa0: {  	[sflag:s22] =	ssyncadd.s32 s4;
	_ =	sdelay $0x1  }
0xa1: {  	s23 =	simm.s32 $0x1B8B  }
0xa2: {  	_ =	swait.ge [sflag:s23], $0x1  }
0xa3: {  	[sflag:s23] =	ssyncset.done $0x0  }
0xa4: {  	s25 =	simm.s32 $0x1B8E;
	s24 =	sld [smem:$0x3FFE];
	[sflag:s23] =	ssyncadd.s32 $0xFFFFFFFF  }
0xa5: {  	s26 =	simm.s32 $execute0_lowered;
	[smem:$0x3FD2] =	sst s25  }
0xa6: {  	s5 =	sshll.u32 s26, $0x1;
	_ =	strace $0x80000046;
	[dreg:$0x1] =	wrdreg $0xFFFFFFFF  }
0xa7: {  	s28 =	simm.s32 $_size_execute0_lowered;
	s3 =	sadd.s32 s3, s5;
	[dreg:$0x0] =	wrdreg $0x0  }
0xa8: {  	s5 =	sshll.u32 s28, $0x1;
	[dreg:$0x2] =	wrdreg s3  }
0xa9: {  	[dreg:$0x3] =	wrdreg s5  }
0xaa: {  	[dreg:$0x4] =	wrdreg $0xC0  }
0xab: {  	_ =	task [dreg:s7], $0x5FFFF  }
0xac: {  	[dreg:$0x1] =	wrdreg $0xFFFFFFFF  }
0xad: {  	[dreg:$0x0] =	wrdreg $0x60  }
0xae: {  	[dreg:$0x2] =	wrdreg s24  }
0xaf: {  	[dreg:$0x3] =	wrdreg s2  }
0xb0: {  	[dreg:$0x4] =	wrdreg $0x9  }
0xb1: {  	_ =	task.clear_ibuf [dreg:s7], $0x5FFFF;
	_ =	strace $0x90000046  }
0xb2: {  	s29 =	simm.s32 $0x9;
	_ =	strace $0x80000048  }
0xb3: {  	_ =	swait.ge [sflag:s29], $0x1  }
0xb4: {  	[sflag:s29] =	ssyncadd.s32 $0xFFFFFFFF  }
0xb5: {  	_ =	strace $0x90000048  }
0xb6: {  	_ =	sfence  }
0xb7: {  	s30 =	sld [smem:$0x0];
	_ =	sdelay $0x2  }
0xb8: {  	s31 =	sshll.u32 s1, $0xD;
	s1 =	sshrl.u32 s1, $0x2  }
0xb9: {  	s3 =	sand.u32 $0x4000, s31;
	s1 =	sadd.s32 s1, s30  }
0xba: {  	s0 =	sor.u32 s3, s0;
	s1 =	sshll.u32 s1, $0x11  }
0xbb: {  	s0 =	sor.u32 s1, s0  }
0xbc: {  	s0 =	sadd.s32 $0x8F2B, s0  }
0xbd: {  	[sflag:s0] =	ssyncadd.remote.s32 $0x1  }
0xbe: {  	_ =	sfence.sel $0xFFFF  }
0xbf: {  	[dreg:$0x0] =	wrdreg $0xFFFFFFFF;
	(pc) =	sbr.abs _section_cstart, $3  }
0xc0: {  	[dreg:$0x1] =	wrdreg $0xFFFFFFFF  }
0xc1: {  	_ =	task.clear_ibuf [dreg:s7], $0x2FFFF;
	_ =	strace $0x9FFFFFFF  }
0xc2: {  	(tm) =	ssettm $0x7FFFFFFF  }
0xc3: {  	_ =	shalt  }
tec
execute0_lowered:
.L_overlay_start_1:
0x0: {  	(tag) =	ssettag $0x1  }
0x1: {  	s0 =	srdreg.scid;
	s17 =	stileid.u32  }
0x2: {  	s1 =	rddreg [dreg:$0x0];
	s0 =	sand.u32 $0x1, s0;
	s2 =	sshll.u32 s17, $0x1  }
0x3: {  	s3 =	rddreg [dreg:$0x1];
	s4 =	sor.u32 s0, s2  }
0x4: {  	s31 =	simm.s32 $0x9;
	s7 =	simm.s32 $0x190;
	s5 =	smul.u32 $0x320, s4  }
0x5: {  	s26 =	simm.s32 $0x320;
	s2 =	simm.s32 $0x0;
	s6 =	smul.u32 $0x64000, s4  }
0x6: {  	s9 =	simm.s32 $0xE100;
	[smem:$0x7FF] =	sst s2;
	s4 =	smul.u32 $0xC800, s4  }
0x7: {  	_ =	strace $0x80000047;
	[dreg:$0x14] =	wrdreg s26;
	s5 =	sadd.s32 s5, s1  }
0x8: {  	s1 =	sadd.s32 $0x6E00, s1;
	s6 =	sshrl.u32 s6, $0x3;
	s5 =	sadd.s32 $0xA00, s5  }
0x9: {  	s4 =	sadd.s32 s1, s4;
	s1 =	sadd.s32 s1, s6;
	[dreg:$0x3] =	wrdreg s5  }
0xa: {  	s30 =	simm.s32 $0x640;
	[dreg:$0x4] =	wrdreg s4;
	s10 =	sadd.s32 $0xC80, s1  }
0xb: {  	s29 =	simm.s32 $0x7D0;
	s11 =	sadd.s32 $0x1900, s1;
	[dreg:$0x5] =	wrdreg s10  }
0xc: {  	s8 =	simm.s32 $0x7;
	s12 =	sadd.s32 $0x2580, s1;
	[dreg:$0x6] =	wrdreg s11  }
0xd: {  	s28 =	simm.s32 $0x960;
	s13 =	sadd.s32 $0x3200, s1;
	[dreg:$0x7] =	wrdreg s12  }
0xe: {  	p0 =	por $0x0, $0x0;
	s14 =	sadd.s32 $0x3E80, s1;
	[dreg:$0x8] =	wrdreg s13  }
0xf: {  	s0 =	ssub.s32 $0x2, s0;
	s15 =	sadd.s32 $0x4B00, s1;
	[dreg:$0x9] =	wrdreg s14  }
0x10: {  	s24 =	sshrl.u32 s0, $0x1;
	s16 =	sadd.s32 $0x5780, s1;
	[dreg:$0xa] =	wrdreg s15  }
0x11: {  	s0 =	ssub.s32 s0, s24;
	s18 =	sadd.s32 $0x6400, s1;
	[dreg:$0xb] =	wrdreg s16  }
0x12: {  	s26 =	simm.s32 $0xAF0;
	s19 =	sadd.s32 $0x7080, s1;
	[dreg:$0xc] =	wrdreg s18  }
0x13: {  	s24 =	simm.s32 $0xE10;
	s20 =	sadd.s32 $0x7D00, s1;
	[dreg:$0xd] =	wrdreg s19  }
0x14: {  	s0 =	smax.u32 s0, $0x1;
	s21 =	sadd.s32 $0x8980, s1;
	[dreg:$0xe] =	wrdreg s20  }
0x15: {  	s6 =	simm.s32 $0x8;
	s22 =	sadd.s32 $0x9600, s1;
	[dreg:$0xf] =	wrdreg s21  }
0x16: {  	p1 =	sne.s32 s0, $0x1;
	s23 =	sadd.s32 $0xA280, s1;
	[dreg:$0x10] =	wrdreg s22  }
0x17: {  	s25 =	sadd.s32 $0xAF00, s1;
	s1 =	sadd.s32 $0xBB80, s1;
	[dreg:$0x11] =	wrdreg s23  }
0x18: {  	s5 =	simm.s32 $0x14500;
	s4 =	simm.s32 $0x5;
	[dreg:$0x12] =	wrdreg s25  }
0x19: {  	[dreg:$0x13] =	wrdreg s1;
	s15 =	simm.s32 $0x1900;
	s12 =	simm.s32 $0x7D00  }
.Ltmp0:
0x1a: {  	s16 =	simm.s32 $0x1;
	s14 =	simm.s32 $0x2;
	(pc) =	sbr.rel @!p1 .LBB2_1-.Ltmp0, $4  }
0x1b: {  	s13 =	simm.s32 $0x3;
	s11 =	simm.s32 $0x4;
	s10 =	simm.s32 $0x6  }
0x1c: {  	s25 =	simm.s32 $0xC80;
	s1 =	sadd.s32 $0xFFFFFFFF, s0;
	s23 =	simm.s32 $0xFA0  }
0x1d: {  	s22 =	simm.s32 $0x1130;
	s21 =	simm.s32 $0x12C0;
	s20 =	simm.s32 $0x1450  }
0x1e: {  	s19 =	simm.s32 $0x15E0;
	s18 =	simm.s32 $0x1770;
	s0 =	rddreg [dreg:$0x3]  }
0x1f: {  	[tilespmem:s2], [sflag:$0x9] =	stream.linear.gather [hbm4b:s0+s2], $0x1900, $0x38;
	[tilespmem:$0x1A900] =	vst v63  }
0x20: {  	_ =	swait.ge [sflag:s31], $0x1900  }
0x21: {  	[sflag:s31] =	ssyncset.done $0x0  }
0x22: {  	[sflag:s31] =	ssyncadd.s32 $0xFFFFE700  }
0x23: {  	[tilespmem:s15], [sflag:$0x1] =	stream.indirect.gather [hbm4b:s3+s7], $0x40, s2, s7, $0xb8;
	[tilespmem:$0x1A900] =	vst v63  }
0x24: {  	_ = 	snop  }
0x25: {  	[tilespmem:s12], [sflag:$0x2] =	stream.indirect.gather [hbm4b:s3+s7], $0x40, s7, s7, $0xb8;
	[tilespmem:$0x1A900] =	vst v63  }
0x26: {  	_ =	swait.ge [sflag:s16], $0x6400  }
0x27: {  	[sflag:s16] =	ssyncset.done $0x0  }
0x28: {  	s0 =	rddreg [dreg:$0x4];
	[sflag:s16] =	ssyncadd.s32 $0xFFFF9C00  }
0x29: {  	[hbm4b:s0+s2] =	stream.linear.scatter [tilespmem:s15], [sflag:$0x5], $0x6400, $0x38;
	[tilespmem:$0x1A900] =	vst v63  }
0x2a: {  	s17 =	smov.u32 s1;
	s1 =	rddreg [dreg:$0x14]  }
0x2b: {  	[tilespmem:s9], [sflag:$0x3] =	stream.indirect.gather [hbm4b:s3+s7], $0x40, s1, s7, $0xb8;
	[tilespmem:$0x1A900] =	vst v63  }
0x2c: {  	_ =	swait.ge [sflag:s14], $0x6400  }
0x2d: {  	[sflag:s14] =	ssyncset.done $0x0  }
0x2e: {  	s1 =	rddreg [dreg:$0x5];
	[sflag:s14] =	ssyncadd.s32 $0xFFFF9C00  }
0x2f: {  	[hbm4b:s1+s2] =	stream.linear.scatter [tilespmem:s12], [sflag:$0x6], $0x6400, $0x38;
	[tilespmem:$0x1A900] =	vst v63  }
0x30: {  	s1 =	simm.s32 $0x4B0  }
0x31: {  	[tilespmem:s5], [sflag:$0x4] =	stream.indirect.gather [hbm4b:s3+s7], $0x40, s1, s7, $0xb8;
	[tilespmem:$0x1A900] =	vst v63  }
0x32: {  	_ =	swait.ge [sflag:s13], $0x6400  }
0x33: {  	[sflag:s13] =	ssyncset.done $0x0  }
0x34: {  	s1 =	rddreg [dreg:$0x6];
	[sflag:s13] =	ssyncadd.s32 $0xFFFF9C00  }
0x35: {  	[hbm4b:s1+s2] =	stream.linear.scatter [tilespmem:s9], [sflag:$0x7], $0x6400, $0x38;
	[tilespmem:$0x1A900] =	vst v63  }
0x36: {  	_ =	swait.ge [sflag:s4], $0x6400  }
0x37: {  	[sflag:s4] =	ssyncset.done $0x0  }
0x38: {  	[sflag:s4] =	ssyncadd.s32 $0xFFFF9C00  }
0x39: {  	[tilespmem:s15], [sflag:$0x1] =	stream.indirect.gather [hbm4b:s3+s7], $0x40, s30, s7, $0xb8;
	[tilespmem:$0x1A900] =	vst v63  }
0x3a: {  	_ =	swait.ge [sflag:s11], $0x6400  }
0x3b: {  	[sflag:s11] =	ssyncset.done $0x0  }
0x3c: {  	s1 =	rddreg [dreg:$0x7];
	[sflag:s11] =	ssyncadd.s32 $0xFFFF9C00  }
0x3d: {  	[hbm4b:s1+s2] =	stream.linear.scatter [tilespmem:s5], [sflag:$0x8], $0x6400, $0x38;
	[tilespmem:$0x1A900] =	vst v63  }
0x3e: {  	_ =	swait.ge [sflag:s10], $0x6400  }
0x3f: {  	[sflag:s10] =	ssyncset.done $0x0  }
0x40: {  	[sflag:s10] =	ssyncadd.s32 $0xFFFF9C00  }
0x41: {  	[tilespmem:s12], [sflag:$0x2] =	stream.indirect.gather [hbm4b:s3+s7], $0x40, s29, s7, $0xb8;
	[tilespmem:$0x1A900] =	vst v63  }
0x42: {  	_ =	swait.ge [sflag:s16], $0x6400  }
0x43: {  	[sflag:s16] =	ssyncset.done $0x0  }
0x44: {  	s1 =	rddreg [dreg:$0x8];
	[sflag:s16] =	ssyncadd.s32 $0xFFFF9C00  }
0x45: {  	[hbm4b:s1+s2] =	stream.linear.scatter [tilespmem:s15], [sflag:$0x5], $0x6400, $0x38;
	[tilespmem:$0x1A900] =	vst v63  }
0x46: {  	_ =	swait.ge [sflag:s8], $0x6400  }
0x47: {  	[sflag:s8] =	ssyncset.done $0x0  }
0x48: {  	[sflag:s8] =	ssyncadd.s32 $0xFFFF9C00  }
0x49: {  	[tilespmem:s9], [sflag:$0x3] =	stream.indirect.gather [hbm4b:s3+s7], $0x40, s28, s7, $0xb8;
	[tilespmem:$0x1A900] =	vst v63  }
0x4a: {  	_ =	swait.ge [sflag:s14], $0x6400  }
0x4b: {  	[sflag:s14] =	ssyncset.done $0x0  }
0x4c: {  	s1 =	rddreg [dreg:$0x9];
	[sflag:s14] =	ssyncadd.s32 $0xFFFF9C00  }
0x4d: {  	[hbm4b:s1+s2] =	stream.linear.scatter [tilespmem:s12], [sflag:$0x6], $0x6400, $0x38;
	[tilespmem:$0x1A900] =	vst v63  }
0x4e: {  	_ =	swait.ge [sflag:s6], $0x6400  }
0x4f: {  	[sflag:s6] =	ssyncset.done $0x0  }
0x50: {  	[sflag:s6] =	ssyncadd.s32 $0xFFFF9C00  }
0x51: {  	[tilespmem:s5], [sflag:$0x4] =	stream.indirect.gather [hbm4b:s3+s7], $0x40, s26, s7, $0xb8;
	[tilespmem:$0x1A900] =	vst v63  }
0x52: {  	_ =	swait.ge [sflag:s13], $0x6400  }
0x53: {  	[sflag:s13] =	ssyncset.done $0x0  }
0x54: {  	s1 =	rddreg [dreg:$0xa];
	[sflag:s13] =	ssyncadd.s32 $0xFFFF9C00  }
0x55: {  	[hbm4b:s1+s2] =	stream.linear.scatter [tilespmem:s9], [sflag:$0x7], $0x6400, $0x38;
	[tilespmem:$0x1A900] =	vst v63  }
0x56: {  	_ =	swait.ge [sflag:s4], $0x6400  }
0x57: {  	[sflag:s4] =	ssyncset.done $0x0  }
0x58: {  	[sflag:s4] =	ssyncadd.s32 $0xFFFF9C00  }
0x59: {  	[tilespmem:s15], [sflag:$0x1] =	stream.indirect.gather [hbm4b:s3+s7], $0x40, s25, s7, $0xb8;
	[tilespmem:$0x1A900] =	vst v63  }
0x5a: {  	_ =	swait.ge [sflag:s11], $0x6400  }
0x5b: {  	[sflag:s11] =	ssyncset.done $0x0  }
0x5c: {  	s1 =	rddreg [dreg:$0xb];
	[sflag:s11] =	ssyncadd.s32 $0xFFFF9C00  }
0x5d: {  	[hbm4b:s1+s2] =	stream.linear.scatter [tilespmem:s5], [sflag:$0x8], $0x6400, $0x38;
	[tilespmem:$0x1A900] =	vst v63  }
0x5e: {  	_ =	swait.ge [sflag:s10], $0x6400  }
0x5f: {  	[sflag:s10] =	ssyncset.done $0x0  }
0x60: {  	[sflag:s10] =	ssyncadd.s32 $0xFFFF9C00  }
0x61: {  	[tilespmem:s12], [sflag:$0x2] =	stream.indirect.gather [hbm4b:s3+s7], $0x40, s24, s7, $0xb8;
	[tilespmem:$0x1A900] =	vst v63  }
0x62: {  	_ =	swait.ge [sflag:s16], $0x6400  }
0x63: {  	[sflag:s16] =	ssyncset.done $0x0  }
0x64: {  	s1 =	rddreg [dreg:$0xc];
	[sflag:s16] =	ssyncadd.s32 $0xFFFF9C00  }
0x65: {  	[hbm4b:s1+s2] =	stream.linear.scatter [tilespmem:s15], [sflag:$0x5], $0x6400, $0x38;
	[tilespmem:$0x1A900] =	vst v63  }
0x66: {  	_ =	swait.ge [sflag:s8], $0x6400  }
0x67: {  	[sflag:s8] =	ssyncset.done $0x0  }
0x68: {  	[sflag:s8] =	ssyncadd.s32 $0xFFFF9C00  }
0x69: {  	[tilespmem:s9], [sflag:$0x3] =	stream.indirect.gather [hbm4b:s3+s7], $0x40, s23, s7, $0xb8;
	[tilespmem:$0x1A900] =	vst v63  }
0x6a: {  	_ =	swait.ge [sflag:s14], $0x6400  }
0x6b: {  	[sflag:s14] =	ssyncset.done $0x0  }
0x6c: {  	s1 =	rddreg [dreg:$0xd];
	[sflag:s14] =	ssyncadd.s32 $0xFFFF9C00  }
0x6d: {  	[hbm4b:s1+s2] =	stream.linear.scatter [tilespmem:s12], [sflag:$0x6], $0x6400, $0x38;
	[tilespmem:$0x1A900] =	vst v63  }
0x6e: {  	_ =	swait.ge [sflag:s6], $0x6400  }
0x6f: {  	[sflag:s6] =	ssyncset.done $0x0  }
0x70: {  	[sflag:s6] =	ssyncadd.s32 $0xFFFF9C00  }
0x71: {  	[tilespmem:s5], [sflag:$0x4] =	stream.indirect.gather [hbm4b:s3+s7], $0x40, s22, s7, $0xb8;
	[tilespmem:$0x1A900] =	vst v63  }
0x72: {  	_ =	swait.ge [sflag:s13], $0x6400  }
0x73: {  	[sflag:s13] =	ssyncset.done $0x0  }
0x74: {  	s1 =	rddreg [dreg:$0xe];
	[sflag:s13] =	ssyncadd.s32 $0xFFFF9C00  }
0x75: {  	[hbm4b:s1+s2] =	stream.linear.scatter [tilespmem:s9], [sflag:$0x7], $0x6400, $0x38;
	[tilespmem:$0x1A900] =	vst v63  }
0x76: {  	_ =	swait.ge [sflag:s4], $0x6400  }
0x77: {  	[sflag:s4] =	ssyncset.done $0x0  }
0x78: {  	[sflag:s4] =	ssyncadd.s32 $0xFFFF9C00  }
0x79: {  	[tilespmem:s15], [sflag:$0x1] =	stream.indirect.gather [hbm4b:s3+s7], $0x40, s21, s7, $0xb8;
	[tilespmem:$0x1A900] =	vst v63  }
0x7a: {  	_ =	swait.ge [sflag:s11], $0x6400  }
0x7b: {  	[sflag:s11] =	ssyncset.done $0x0  }
0x7c: {  	s1 =	rddreg [dreg:$0xf];
	[sflag:s11] =	ssyncadd.s32 $0xFFFF9C00  }
0x7d: {  	[hbm4b:s1+s2] =	stream.linear.scatter [tilespmem:s5], [sflag:$0x8], $0x6400, $0x38;
	[tilespmem:$0x1A900] =	vst v63  }
0x7e: {  	_ =	swait.ge [sflag:s10], $0x6400  }
0x7f: {  	[sflag:s10] =	ssyncset.done $0x0  }
0x80: {  	[sflag:s10] =	ssyncadd.s32 $0xFFFF9C00  }
0x81: {  	[tilespmem:s12], [sflag:$0x2] =	stream.indirect.gather [hbm4b:s3+s7], $0x40, s20, s7, $0xb8;
	[tilespmem:$0x1A900] =	vst v63  }
0x82: {  	_ =	swait.ge [sflag:s16], $0x6400  }
0x83: {  	[sflag:s16] =	ssyncset.done $0x0  }
0x84: {  	s1 =	rddreg [dreg:$0x10];
	[sflag:s16] =	ssyncadd.s32 $0xFFFF9C00  }
0x85: {  	[hbm4b:s1+s2] =	stream.linear.scatter [tilespmem:s15], [sflag:$0x5], $0x6400, $0x38;
	[tilespmem:$0x1A900] =	vst v63  }
0x86: {  	_ =	swait.ge [sflag:s8], $0x6400  }
0x87: {  	[sflag:s8] =	ssyncset.done $0x0  }
0x88: {  	[sflag:s8] =	ssyncadd.s32 $0xFFFF9C00  }
0x89: {  	[tilespmem:s9], [sflag:$0x3] =	stream.indirect.gather [hbm4b:s3+s7], $0x40, s19, s7, $0xb8;
	[tilespmem:$0x1A900] =	vst v63  }
0x8a: {  	_ =	swait.ge [sflag:s14], $0x6400  }
0x8b: {  	[sflag:s14] =	ssyncset.done $0x0  }
0x8c: {  	s1 =	rddreg [dreg:$0x11];
	[sflag:s14] =	ssyncadd.s32 $0xFFFF9C00  }
0x8d: {  	[hbm4b:s1+s2] =	stream.linear.scatter [tilespmem:s12], [sflag:$0x6], $0x6400, $0x38;
	[tilespmem:$0x1A900] =	vst v63  }
0x8e: {  	_ =	swait.ge [sflag:s6], $0x6400  }
0x8f: {  	[sflag:s6] =	ssyncset.done $0x0  }
0x90: {  	[sflag:s6] =	ssyncadd.s32 $0xFFFF9C00  }
0x91: {  	[tilespmem:s5], [sflag:$0x4] =	stream.indirect.gather [hbm4b:s3+s7], $0x40, s18, s7, $0xb8;
	[tilespmem:$0x1A900] =	vst v63  }
0x92: {  	_ =	swait.ge [sflag:s13], $0x6400  }
0x93: {  	[sflag:s13] =	ssyncset.done $0x0  }
0x94: {  	s1 =	rddreg [dreg:$0x12];
	[sflag:s13] =	ssyncadd.s32 $0xFFFF9C00  }
0x95: {  	[hbm4b:s1+s2] =	stream.linear.scatter [tilespmem:s9], [sflag:$0x7], $0x6400, $0x38;
	[tilespmem:$0x1A900] =	vst v63  }
0x96: {  	_ =	swait.ge [sflag:s11], $0x6400  }
0x97: {  	[sflag:s11] =	ssyncset.done $0x0  }
0x98: {  	s1 =	rddreg [dreg:$0x13];
	[sflag:s11] =	ssyncadd.s32 $0xFFFF9C00  }
0x99: {  	[hbm4b:s1+s2] =	stream.linear.scatter [tilespmem:s5], [sflag:$0x8], $0x6400, $0x38;
	[tilespmem:$0x1A900] =	vst v63  }
0x9a: {  	_ =	swait.ge [sflag:s10], $0x6400  }
0x9b: {  	[sflag:s10] =	ssyncset.done $0x0  }
0x9c: {  	[sflag:s10] =	ssyncadd.s32 $0xFFFF9C00  }
0x9d: {  	_ =	swait.ge [sflag:s8], $0x6400  }
0x9e: {  	[sflag:s8] =	ssyncset.done $0x0  }
0x9f: {  	p1 =	sne.s32 s17, $0x1;
	[sflag:s8] =	ssyncadd.s32 $0xFFFF9C00  }
.Ltmp1:
0xa0: {  	_ =	swait.ge [sflag:s6], $0x6400;
	(pc) =	sbr.rel @!p1 .LBB2_3-.Ltmp1, $4  }
0xa1: {  	[sflag:s6] =	ssyncset.done $0x0  }
0xa2: {  	[sflag:s6] =	ssyncadd.s32 $0xFFFF9C00  }
0xa3: {  	p0 =	por $0x1, $0x1;
	_ =	swait.ge [sflag:s4], $0x6400  }
0xa4: {  	s1 =	sadd.s32 $0xFFFFFFFF, s17;
	s0 =	rddreg [dreg:$0x3];
	[sflag:s4] =	ssyncset.done $0x0  }
.LBB2_4:
0xa5: {  	[sflag:s4] =	ssyncadd.s32 $0xFFFF9C00  }
0xa6: {  	[tilespmem:s2], [sflag:$0x9] =	stream.linear.gather [hbm4b:s0+s2], $0x1900, $0x38;
	[tilespmem:$0x1A900] =	vst v63  }
0xa7: {  	_ =	swait.ge [sflag:s31], $0x1900  }
0xa8: {  	[sflag:s31] =	ssyncset.done $0x0  }
0xa9: {  	[sflag:s31] =	ssyncadd.s32 $0xFFFFE700  }
0xaa: {  	[tilespmem:s15], [sflag:$0x1] =	stream.indirect.gather [hbm4b:s3+s7], $0x40, s2, s7, $0xb8;
	[tilespmem:$0x1A900] =	vst v63  }
0xab: {  	_ = 	snop  }
0xac: {  	[tilespmem:s12], [sflag:$0x2] =	stream.indirect.gather [hbm4b:s3+s7], $0x40, s7, s7, $0xb8;
	[tilespmem:$0x1A900] =	vst v63  }
0xad: {  	_ =	swait.ge [sflag:s16], $0x6400  }
0xae: {  	[sflag:s16] =	ssyncset.done $0x0  }
0xaf: {  	s0 =	rddreg [dreg:$0x4];
	[sflag:s16] =	ssyncadd.s32 $0xFFFF9C00  }
0xb0: {  	[hbm4b:s0+s2] =	stream.linear.scatter [tilespmem:s15], [sflag:$0x5], $0x6400, $0x38;
	[tilespmem:$0x1A900] =	vst v63  }
0xb1: {  	s17 =	rddreg [dreg:$0x14]  }
0xb2: {  	[tilespmem:s9], [sflag:$0x3] =	stream.indirect.gather [hbm4b:s3+s7], $0x40, s17, s7, $0xb8;
	[tilespmem:$0x1A900] =	vst v63  }
0xb3: {  	_ =	swait.ge [sflag:s14], $0x6400  }
0xb4: {  	[sflag:s14] =	ssyncset.done $0x0  }
0xb5: {  	s17 =	rddreg [dreg:$0x5];
	[sflag:s14] =	ssyncadd.s32 $0xFFFF9C00  }
0xb6: {  	[hbm4b:s17+s2] =	stream.linear.scatter [tilespmem:s12], [sflag:$0x6], $0x6400, $0x38;
	[tilespmem:$0x1A900] =	vst v63  }
0xb7: {  	s17 =	simm.s32 $0x4B0  }
0xb8: {  	[tilespmem:s5], [sflag:$0x4] =	stream.indirect.gather [hbm4b:s3+s7], $0x40, s17, s7, $0xb8;
	[tilespmem:$0x1A900] =	vst v63  }
0xb9: {  	_ =	swait.ge [sflag:s13], $0x6400  }
0xba: {  	[sflag:s13] =	ssyncset.done $0x0  }
0xbb: {  	s17 =	rddreg [dreg:$0x6];
	[sflag:s13] =	ssyncadd.s32 $0xFFFF9C00  }
0xbc: {  	[hbm4b:s17+s2] =	stream.linear.scatter [tilespmem:s9], [sflag:$0x7], $0x6400, $0x38;
	[tilespmem:$0x1A900] =	vst v63  }
0xbd: {  	_ =	swait.ge [sflag:s4], $0x6400  }
0xbe: {  	[sflag:s4] =	ssyncset.done $0x0  }
0xbf: {  	[sflag:s4] =	ssyncadd.s32 $0xFFFF9C00  }
0xc0: {  	[tilespmem:s15], [sflag:$0x1] =	stream.indirect.gather [hbm4b:s3+s7], $0x40, s30, s7, $0xb8;
	[tilespmem:$0x1A900] =	vst v63  }
0xc1: {  	_ =	swait.ge [sflag:s11], $0x6400  }
0xc2: {  	[sflag:s11] =	ssyncset.done $0x0  }
0xc3: {  	s17 =	rddreg [dreg:$0x7];
	[sflag:s11] =	ssyncadd.s32 $0xFFFF9C00  }
0xc4: {  	[hbm4b:s17+s2] =	stream.linear.scatter [tilespmem:s5], [sflag:$0x8], $0x6400, $0x38;
	[tilespmem:$0x1A900] =	vst v63  }
0xc5: {  	_ =	swait.ge [sflag:s10], $0x6400  }
0xc6: {  	[sflag:s10] =	ssyncset.done $0x0  }
0xc7: {  	[sflag:s10] =	ssyncadd.s32 $0xFFFF9C00  }
0xc8: {  	[tilespmem:s12], [sflag:$0x2] =	stream.indirect.gather [hbm4b:s3+s7], $0x40, s29, s7, $0xb8;
	[tilespmem:$0x1A900] =	vst v63  }
0xc9: {  	_ =	swait.ge [sflag:s16], $0x6400  }
0xca: {  	[sflag:s16] =	ssyncset.done $0x0  }
0xcb: {  	s17 =	rddreg [dreg:$0x8];
	[sflag:s16] =	ssyncadd.s32 $0xFFFF9C00  }
0xcc: {  	[hbm4b:s17+s2] =	stream.linear.scatter [tilespmem:s15], [sflag:$0x5], $0x6400, $0x38;
	[tilespmem:$0x1A900] =	vst v63  }
0xcd: {  	_ =	swait.ge [sflag:s8], $0x6400  }
0xce: {  	[sflag:s8] =	ssyncset.done $0x0  }
0xcf: {  	[sflag:s8] =	ssyncadd.s32 $0xFFFF9C00  }
0xd0: {  	[tilespmem:s9], [sflag:$0x3] =	stream.indirect.gather [hbm4b:s3+s7], $0x40, s28, s7, $0xb8;
	[tilespmem:$0x1A900] =	vst v63  }
0xd1: {  	_ =	swait.ge [sflag:s14], $0x6400  }
0xd2: {  	[sflag:s14] =	ssyncset.done $0x0  }
0xd3: {  	s17 =	rddreg [dreg:$0x9];
	[sflag:s14] =	ssyncadd.s32 $0xFFFF9C00  }
0xd4: {  	[hbm4b:s17+s2] =	stream.linear.scatter [tilespmem:s12], [sflag:$0x6], $0x6400, $0x38;
	[tilespmem:$0x1A900] =	vst v63  }
0xd5: {  	_ =	swait.ge [sflag:s6], $0x6400  }
0xd6: {  	[sflag:s6] =	ssyncset.done $0x0  }
0xd7: {  	[sflag:s6] =	ssyncadd.s32 $0xFFFF9C00  }
0xd8: {  	[tilespmem:s5], [sflag:$0x4] =	stream.indirect.gather [hbm4b:s3+s7], $0x40, s26, s7, $0xb8;
	[tilespmem:$0x1A900] =	vst v63  }
0xd9: {  	_ =	swait.ge [sflag:s13], $0x6400  }
0xda: {  	[sflag:s13] =	ssyncset.done $0x0  }
0xdb: {  	s17 =	rddreg [dreg:$0xa];
	[sflag:s13] =	ssyncadd.s32 $0xFFFF9C00  }
0xdc: {  	[hbm4b:s17+s2] =	stream.linear.scatter [tilespmem:s9], [sflag:$0x7], $0x6400, $0x38;
	[tilespmem:$0x1A900] =	vst v63  }
0xdd: {  	_ =	swait.ge [sflag:s4], $0x6400  }
0xde: {  	[sflag:s4] =	ssyncset.done $0x0  }
0xdf: {  	[sflag:s4] =	ssyncadd.s32 $0xFFFF9C00  }
0xe0: {  	[tilespmem:s15], [sflag:$0x1] =	stream.indirect.gather [hbm4b:s3+s7], $0x40, s25, s7, $0xb8;
	[tilespmem:$0x1A900] =	vst v63  }
0xe1: {  	_ =	swait.ge [sflag:s11], $0x6400  }
0xe2: {  	[sflag:s11] =	ssyncset.done $0x0  }
0xe3: {  	s17 =	rddreg [dreg:$0xb];
	[sflag:s11] =	ssyncadd.s32 $0xFFFF9C00  }
0xe4: {  	[hbm4b:s17+s2] =	stream.linear.scatter [tilespmem:s5], [sflag:$0x8], $0x6400, $0x38;
	[tilespmem:$0x1A900] =	vst v63  }
0xe5: {  	_ =	swait.ge [sflag:s10], $0x6400  }
0xe6: {  	[sflag:s10] =	ssyncset.done $0x0  }
0xe7: {  	[sflag:s10] =	ssyncadd.s32 $0xFFFF9C00  }
0xe8: {  	[tilespmem:s12], [sflag:$0x2] =	stream.indirect.gather [hbm4b:s3+s7], $0x40, s24, s7, $0xb8;
	[tilespmem:$0x1A900] =	vst v63  }
0xe9: {  	_ =	swait.ge [sflag:s16], $0x6400  }
0xea: {  	[sflag:s16] =	ssyncset.done $0x0  }
0xeb: {  	s17 =	rddreg [dreg:$0xc];
	[sflag:s16] =	ssyncadd.s32 $0xFFFF9C00  }
0xec: {  	[hbm4b:s17+s2] =	stream.linear.scatter [tilespmem:s15], [sflag:$0x5], $0x6400, $0x38;
	[tilespmem:$0x1A900] =	vst v63  }
0xed: {  	_ =	swait.ge [sflag:s8], $0x6400  }
0xee: {  	[sflag:s8] =	ssyncset.done $0x0  }
0xef: {  	[sflag:s8] =	ssyncadd.s32 $0xFFFF9C00  }
0xf0: {  	[tilespmem:s9], [sflag:$0x3] =	stream.indirect.gather [hbm4b:s3+s7], $0x40, s23, s7, $0xb8;
	[tilespmem:$0x1A900] =	vst v63  }
0xf1: {  	_ =	swait.ge [sflag:s14], $0x6400  }
0xf2: {  	[sflag:s14] =	ssyncset.done $0x0  }
0xf3: {  	s17 =	rddreg [dreg:$0xd];
	[sflag:s14] =	ssyncadd.s32 $0xFFFF9C00  }
0xf4: {  	[hbm4b:s17+s2] =	stream.linear.scatter [tilespmem:s12], [sflag:$0x6], $0x6400, $0x38;
	[tilespmem:$0x1A900] =	vst v63  }
0xf5: {  	_ =	swait.ge [sflag:s6], $0x6400  }
0xf6: {  	[sflag:s6] =	ssyncset.done $0x0  }
0xf7: {  	[sflag:s6] =	ssyncadd.s32 $0xFFFF9C00  }
0xf8: {  	[tilespmem:s5], [sflag:$0x4] =	stream.indirect.gather [hbm4b:s3+s7], $0x40, s22, s7, $0xb8;
	[tilespmem:$0x1A900] =	vst v63  }
0xf9: {  	_ =	swait.ge [sflag:s13], $0x6400  }
0xfa: {  	[sflag:s13] =	ssyncset.done $0x0  }
0xfb: {  	s17 =	rddreg [dreg:$0xe];
	[sflag:s13] =	ssyncadd.s32 $0xFFFF9C00  }
0xfc: {  	[hbm4b:s17+s2] =	stream.linear.scatter [tilespmem:s9], [sflag:$0x7], $0x6400, $0x38;
	[tilespmem:$0x1A900] =	vst v63  }
0xfd: {  	_ =	swait.ge [sflag:s4], $0x6400  }
0xfe: {  	[sflag:s4] =	ssyncset.done $0x0  }
0xff: {  	[sflag:s4] =	ssyncadd.s32 $0xFFFF9C00  }
0x100: {  	[tilespmem:s15], [sflag:$0x1] =	stream.indirect.gather [hbm4b:s3+s7], $0x40, s21, s7, $0xb8;
	[tilespmem:$0x1A900] =	vst v63  }
0x101: {  	_ =	swait.ge [sflag:s11], $0x6400  }
0x102: {  	[sflag:s11] =	ssyncset.done $0x0  }
0x103: {  	s17 =	rddreg [dreg:$0xf];
	[sflag:s11] =	ssyncadd.s32 $0xFFFF9C00  }
0x104: {  	[hbm4b:s17+s2] =	stream.linear.scatter [tilespmem:s5], [sflag:$0x8], $0x6400, $0x38;
	[tilespmem:$0x1A900] =	vst v63  }
0x105: {  	_ =	swait.ge [sflag:s10], $0x6400  }
0x106: {  	[sflag:s10] =	ssyncset.done $0x0  }
0x107: {  	[sflag:s10] =	ssyncadd.s32 $0xFFFF9C00  }
0x108: {  	[tilespmem:s12], [sflag:$0x2] =	stream.indirect.gather [hbm4b:s3+s7], $0x40, s20, s7, $0xb8;
	[tilespmem:$0x1A900] =	vst v63  }
0x109: {  	_ =	swait.ge [sflag:s16], $0x6400  }
0x10a: {  	[sflag:s16] =	ssyncset.done $0x0  }
0x10b: {  	s17 =	rddreg [dreg:$0x10];
	[sflag:s16] =	ssyncadd.s32 $0xFFFF9C00  }
0x10c: {  	[hbm4b:s17+s2] =	stream.linear.scatter [tilespmem:s15], [sflag:$0x5], $0x6400, $0x38;
	[tilespmem:$0x1A900] =	vst v63  }
0x10d: {  	_ =	swait.ge [sflag:s8], $0x6400  }
0x10e: {  	[sflag:s8] =	ssyncset.done $0x0  }
0x10f: {  	[sflag:s8] =	ssyncadd.s32 $0xFFFF9C00  }
0x110: {  	[tilespmem:s9], [sflag:$0x3] =	stream.indirect.gather [hbm4b:s3+s7], $0x40, s19, s7, $0xb8;
	[tilespmem:$0x1A900] =	vst v63  }
0x111: {  	_ =	swait.ge [sflag:s14], $0x6400  }
0x112: {  	[sflag:s14] =	ssyncset.done $0x0  }
0x113: {  	s17 =	rddreg [dreg:$0x11];
	[sflag:s14] =	ssyncadd.s32 $0xFFFF9C00  }
0x114: {  	[hbm4b:s17+s2] =	stream.linear.scatter [tilespmem:s12], [sflag:$0x6], $0x6400, $0x38;
	[tilespmem:$0x1A900] =	vst v63  }
0x115: {  	_ =	swait.ge [sflag:s6], $0x6400  }
0x116: {  	[sflag:s6] =	ssyncset.done $0x0  }
0x117: {  	[sflag:s6] =	ssyncadd.s32 $0xFFFF9C00  }
0x118: {  	[tilespmem:s5], [sflag:$0x4] =	stream.indirect.gather [hbm4b:s3+s7], $0x40, s18, s7, $0xb8;
	[tilespmem:$0x1A900] =	vst v63  }
0x119: {  	_ =	swait.ge [sflag:s13], $0x6400  }
0x11a: {  	[sflag:s13] =	ssyncset.done $0x0  }
0x11b: {  	s17 =	rddreg [dreg:$0x12];
	[sflag:s13] =	ssyncadd.s32 $0xFFFF9C00  }
0x11c: {  	[hbm4b:s17+s2] =	stream.linear.scatter [tilespmem:s9], [sflag:$0x7], $0x6400, $0x38;
	[tilespmem:$0x1A900] =	vst v63  }
0x11d: {  	_ =	swait.ge [sflag:s11], $0x6400  }
0x11e: {  	[sflag:s11] =	ssyncset.done $0x0  }
0x11f: {  	s17 =	rddreg [dreg:$0x13];
	[sflag:s11] =	ssyncadd.s32 $0xFFFF9C00  }
0x120: {  	[hbm4b:s17+s2] =	stream.linear.scatter [tilespmem:s5], [sflag:$0x8], $0x6400, $0x38;
	[tilespmem:$0x1A900] =	vst v63  }
0x121: {  	_ =	swait.ge [sflag:s10], $0x6400  }
0x122: {  	[sflag:s10] =	ssyncset.done $0x0  }
0x123: {  	[sflag:s10] =	ssyncadd.s32 $0xFFFF9C00  }
0x124: {  	_ =	swait.ge [sflag:s8], $0x6400  }
0x125: {  	[sflag:s8] =	ssyncset.done $0x0  }
0x126: {  	p1 =	sne.s32 s1, $0x1;
	[sflag:s8] =	ssyncadd.s32 $0xFFFF9C00  }
.Ltmp2:
0x127: {  	_ =	swait.ge [sflag:s6], $0x6400;
	(pc) =	sbr.rel @p1 .LBB2_4-.Ltmp2, $4  }
0x128: {  	[sflag:s6] =	ssyncset.done $0x0  }
0x129: {  	[sflag:s6] =	ssyncadd.s32 $0xFFFF9C00  }
0x12a: {  	_ =	swait.ge [sflag:s4], $0x6400  }
0x12b: {  	s1 =	sadd.s32 $0xFFFFFFFF, s1;
	s0 =	rddreg [dreg:$0x3];
	[sflag:s4] =	ssyncset.done $0x0  }
0x12c: {  	s18 =	simm.s32 $0x4B0  }
0x12d: {  	s30 =	simm.s32 $0x640;
	s29 =	simm.s32 $0x7D0;
	s28 =	simm.s32 $0x960  }
0x12e: {  	s26 =	simm.s32 $0xAF0;
	s25 =	simm.s32 $0xC80;
	s24 =	simm.s32 $0xE10  }
0x12f: {  	s23 =	simm.s32 $0xFA0;
	s22 =	simm.s32 $0x1130;
	s21 =	simm.s32 $0x12C0  }
0x130: {  	s20 =	simm.s32 $0x1450;
	s19 =	simm.s32 $0x15E0;
	s17 =	stileid.u32  }
.LBB2_6:
0x131: {  	[sflag:s4] =	ssyncadd.s32 @p0 $0xFFFF9C00  }
0x132: {  	[tilespmem:s2], [sflag:$0x9] =	stream.linear.gather [hbm4b:s0+s2], $0x1900, $0x38;
	[tilespmem:$0x1A900] =	vst v63  }
0x133: {  	_ =	swait.ge [sflag:s31], $0x1900  }
0x134: {  	[sflag:s31] =	ssyncset.done $0x0  }
0x135: {  	[sflag:s31] =	ssyncadd.s32 $0xFFFFE700  }
0x136: {  	[tilespmem:s15], [sflag:$0x1] =	stream.indirect.gather [hbm4b:s3+s7], $0x40, s2, s7, $0xb8;
	[tilespmem:$0x1A900] =	vst v63  }
0x137: {  	_ = 	snop  }
0x138: {  	[tilespmem:s12], [sflag:$0x2] =	stream.indirect.gather [hbm4b:s3+s7], $0x40, s7, s7, $0xb8;
	[tilespmem:$0x1A900] =	vst v63  }
0x139: {  	_ =	swait.ge [sflag:s16], $0x6400  }
0x13a: {  	[sflag:s16] =	ssyncset.done $0x0  }
0x13b: {  	s31 =	rddreg [dreg:$0x4];
	[sflag:s16] =	ssyncadd.s32 $0xFFFF9C00  }
0x13c: {  	[hbm4b:s31+s2] =	stream.linear.scatter [tilespmem:s15], [sflag:$0x5], $0x6400, $0x38;
	[tilespmem:$0x1A900] =	vst v63  }
0x13d: {  	s1 =	rddreg [dreg:$0x14]  }
0x13e: {  	[tilespmem:s9], [sflag:$0x3] =	stream.indirect.gather [hbm4b:s3+s7], $0x40, s1, s7, $0xb8;
	[tilespmem:$0x1A900] =	vst v63  }
0x13f: {  	_ =	swait.ge [sflag:s14], $0x6400  }
0x140: {  	[sflag:s14] =	ssyncset.done $0x0  }
0x141: {  	s31 =	rddreg [dreg:$0x5];
	[sflag:s14] =	ssyncadd.s32 $0xFFFF9C00  }
0x142: {  	[hbm4b:s31+s2] =	stream.linear.scatter [tilespmem:s12], [sflag:$0x6], $0x6400, $0x38;
	[tilespmem:$0x1A900] =	vst v63  }
0x143: {  	_ = 	snop  }
0x144: {  	[tilespmem:s5], [sflag:$0x4] =	stream.indirect.gather [hbm4b:s3+s7], $0x40, s18, s7, $0xb8;
	[tilespmem:$0x1A900] =	vst v63  }
0x145: {  	_ =	swait.ge [sflag:s13], $0x6400  }
0x146: {  	[sflag:s13] =	ssyncset.done $0x0  }
0x147: {  	s1 =	rddreg [dreg:$0x6];
	[sflag:s13] =	ssyncadd.s32 $0xFFFF9C00  }
0x148: {  	[hbm4b:s1+s2] =	stream.linear.scatter [tilespmem:s9], [sflag:$0x7], $0x6400, $0x38;
	[tilespmem:$0x1A900] =	vst v63  }
0x149: {  	_ =	swait.ge [sflag:s4], $0x6400  }
0x14a: {  	[sflag:s4] =	ssyncset.done $0x0  }
0x14b: {  	[sflag:s4] =	ssyncadd.s32 $0xFFFF9C00  }
0x14c: {  	[tilespmem:s15], [sflag:$0x1] =	stream.indirect.gather [hbm4b:s3+s7], $0x40, s30, s7, $0xb8;
	[tilespmem:$0x1A900] =	vst v63  }
0x14d: {  	_ =	swait.ge [sflag:s11], $0x6400  }
0x14e: {  	[sflag:s11] =	ssyncset.done $0x0  }
0x14f: {  	s18 =	rddreg [dreg:$0x7];
	[sflag:s11] =	ssyncadd.s32 $0xFFFF9C00  }
0x150: {  	[hbm4b:s18+s2] =	stream.linear.scatter [tilespmem:s5], [sflag:$0x8], $0x6400, $0x38;
	[tilespmem:$0x1A900] =	vst v63  }
0x151: {  	_ =	swait.ge [sflag:s10], $0x6400  }
0x152: {  	[sflag:s10] =	ssyncset.done $0x0  }
0x153: {  	[sflag:s10] =	ssyncadd.s32 $0xFFFF9C00  }
0x154: {  	[tilespmem:s12], [sflag:$0x2] =	stream.indirect.gather [hbm4b:s3+s7], $0x40, s29, s7, $0xb8;
	[tilespmem:$0x1A900] =	vst v63  }
0x155: {  	_ =	swait.ge [sflag:s16], $0x6400  }
0x156: {  	[sflag:s16] =	ssyncset.done $0x0  }
0x157: {  	s29 =	rddreg [dreg:$0x8];
	[sflag:s16] =	ssyncadd.s32 $0xFFFF9C00  }
0x158: {  	[hbm4b:s29+s2] =	stream.linear.scatter [tilespmem:s15], [sflag:$0x5], $0x6400, $0x38;
	[tilespmem:$0x1A900] =	vst v63  }
0x159: {  	_ =	swait.ge [sflag:s8], $0x6400  }
0x15a: {  	[sflag:s8] =	ssyncset.done $0x0  }
0x15b: {  	[sflag:s8] =	ssyncadd.s32 $0xFFFF9C00  }
0x15c: {  	[tilespmem:s9], [sflag:$0x3] =	stream.indirect.gather [hbm4b:s3+s7], $0x40, s28, s7, $0xb8;
	[tilespmem:$0x1A900] =	vst v63  }
0x15d: {  	_ =	swait.ge [sflag:s14], $0x6400  }
0x15e: {  	[sflag:s14] =	ssyncset.done $0x0  }
0x15f: {  	s30 =	rddreg [dreg:$0x9];
	[sflag:s14] =	ssyncadd.s32 $0xFFFF9C00  }
0x160: {  	[hbm4b:s30+s2] =	stream.linear.scatter [tilespmem:s12], [sflag:$0x6], $0x6400, $0x38;
	[tilespmem:$0x1A900] =	vst v63  }
0x161: {  	_ =	swait.ge [sflag:s6], $0x6400  }
0x162: {  	[sflag:s6] =	ssyncset.done $0x0  }
0x163: {  	[sflag:s6] =	ssyncadd.s32 $0xFFFF9C00  }
0x164: {  	[tilespmem:s5], [sflag:$0x4] =	stream.indirect.gather [hbm4b:s3+s7], $0x40, s26, s7, $0xb8;
	[tilespmem:$0x1A900] =	vst v63  }
0x165: {  	_ =	swait.ge [sflag:s13], $0x6400  }
0x166: {  	[sflag:s13] =	ssyncset.done $0x0  }
0x167: {  	s31 =	rddreg [dreg:$0xa];
	[sflag:s13] =	ssyncadd.s32 $0xFFFF9C00  }
0x168: {  	[hbm4b:s31+s2] =	stream.linear.scatter [tilespmem:s9], [sflag:$0x7], $0x6400, $0x38;
	[tilespmem:$0x1A900] =	vst v63  }
0x169: {  	_ =	swait.ge [sflag:s4], $0x6400  }
0x16a: {  	[sflag:s4] =	ssyncset.done $0x0  }
0x16b: {  	[sflag:s4] =	ssyncadd.s32 $0xFFFF9C00  }
0x16c: {  	[tilespmem:s15], [sflag:$0x1] =	stream.indirect.gather [hbm4b:s3+s7], $0x40, s25, s7, $0xb8;
	[tilespmem:$0x1A900] =	vst v63  }
0x16d: {  	_ =	swait.ge [sflag:s11], $0x6400  }
0x16e: {  	[sflag:s11] =	ssyncset.done $0x0  }
0x16f: {  	s1 =	rddreg [dreg:$0xb];
	[sflag:s11] =	ssyncadd.s32 $0xFFFF9C00  }
0x170: {  	[hbm4b:s1+s2] =	stream.linear.scatter [tilespmem:s5], [sflag:$0x8], $0x6400, $0x38;
	[tilespmem:$0x1A900] =	vst v63  }
0x171: {  	_ =	swait.ge [sflag:s10], $0x6400  }
0x172: {  	[sflag:s10] =	ssyncset.done $0x0  }
0x173: {  	[sflag:s10] =	ssyncadd.s32 $0xFFFF9C00  }
0x174: {  	[tilespmem:s12], [sflag:$0x2] =	stream.indirect.gather [hbm4b:s3+s7], $0x40, s24, s7, $0xb8;
	[tilespmem:$0x1A900] =	vst v63  }
0x175: {  	_ =	swait.ge [sflag:s16], $0x6400  }
0x176: {  	[sflag:s16] =	ssyncset.done $0x0  }
0x177: {  	s18 =	rddreg [dreg:$0xc];
	[sflag:s16] =	ssyncadd.s32 $0xFFFF9C00  }
0x178: {  	[hbm4b:s18+s2] =	stream.linear.scatter [tilespmem:s15], [sflag:$0x5], $0x6400, $0x38;
	[tilespmem:$0x1A900] =	vst v63  }
0x179: {  	_ =	swait.ge [sflag:s8], $0x6400  }
0x17a: {  	[sflag:s8] =	ssyncset.done $0x0  }
0x17b: {  	[sflag:s8] =	ssyncadd.s32 $0xFFFF9C00  }
0x17c: {  	[tilespmem:s9], [sflag:$0x3] =	stream.indirect.gather [hbm4b:s3+s7], $0x40, s23, s7, $0xb8;
	[tilespmem:$0x1A900] =	vst v63  }
0x17d: {  	_ =	swait.ge [sflag:s14], $0x6400  }
0x17e: {  	[sflag:s14] =	ssyncset.done $0x0  }
0x17f: {  	s23 =	rddreg [dreg:$0xd];
	[sflag:s14] =	ssyncadd.s32 $0xFFFF9C00  }
0x180: {  	[hbm4b:s23+s2] =	stream.linear.scatter [tilespmem:s12], [sflag:$0x6], $0x6400, $0x38;
	[tilespmem:$0x1A900] =	vst v63  }
0x181: {  	_ =	swait.ge [sflag:s6], $0x6400  }
0x182: {  	[sflag:s6] =	ssyncset.done $0x0  }
0x183: {  	[sflag:s6] =	ssyncadd.s32 $0xFFFF9C00  }
0x184: {  	[tilespmem:s5], [sflag:$0x4] =	stream.indirect.gather [hbm4b:s3+s7], $0x40, s22, s7, $0xb8;
	[tilespmem:$0x1A900] =	vst v63  }
0x185: {  	_ =	swait.ge [sflag:s13], $0x6400  }
0x186: {  	[sflag:s13] =	ssyncset.done $0x0  }
0x187: {  	s24 =	rddreg [dreg:$0xe];
	[sflag:s13] =	ssyncadd.s32 $0xFFFF9C00  }
0x188: {  	[hbm4b:s24+s2] =	stream.linear.scatter [tilespmem:s9], [sflag:$0x7], $0x6400, $0x38;
	[tilespmem:$0x1A900] =	vst v63  }
0x189: {  	_ =	swait.ge [sflag:s4], $0x6400  }
0x18a: {  	[sflag:s4] =	ssyncset.done $0x0  }
0x18b: {  	[sflag:s4] =	ssyncadd.s32 $0xFFFF9C00  }
0x18c: {  	[tilespmem:s15], [sflag:$0x1] =	stream.indirect.gather [hbm4b:s3+s7], $0x40, s21, s7, $0xb8;
	[tilespmem:$0x1A900] =	vst v63  }
0x18d: {  	_ =	swait.ge [sflag:s11], $0x6400  }
0x18e: {  	[sflag:s11] =	ssyncset.done $0x0  }
0x18f: {  	s25 =	rddreg [dreg:$0xf];
	[sflag:s11] =	ssyncadd.s32 $0xFFFF9C00  }
0x190: {  	[hbm4b:s25+s2] =	stream.linear.scatter [tilespmem:s5], [sflag:$0x8], $0x6400, $0x38;
	[tilespmem:$0x1A900] =	vst v63  }
0x191: {  	_ =	swait.ge [sflag:s10], $0x6400  }
0x192: {  	[sflag:s10] =	ssyncset.done $0x0  }
0x193: {  	[sflag:s10] =	ssyncadd.s32 $0xFFFF9C00  }
0x194: {  	[tilespmem:s12], [sflag:$0x2] =	stream.indirect.gather [hbm4b:s3+s7], $0x40, s20, s7, $0xb8;
	[tilespmem:$0x1A900] =	vst v63  }
0x195: {  	_ =	swait.ge [sflag:s16], $0x6400  }
0x196: {  	[sflag:s16] =	ssyncset.done $0x0  }
0x197: {  	s26 =	rddreg [dreg:$0x10];
	[sflag:s16] =	ssyncadd.s32 $0xFFFF9C00  }
0x198: {  	[hbm4b:s26+s2] =	stream.linear.scatter [tilespmem:s15], [sflag:$0x5], $0x6400, $0x38;
	[tilespmem:$0x1A900] =	vst v63  }
0x199: {  	_ =	swait.ge [sflag:s8], $0x6400  }
0x19a: {  	[sflag:s8] =	ssyncset.done $0x0  }
0x19b: {  	[sflag:s8] =	ssyncadd.s32 $0xFFFF9C00  }
0x19c: {  	[tilespmem:s9], [sflag:$0x3] =	stream.indirect.gather [hbm4b:s3+s7], $0x40, s19, s7, $0xb8;
	[tilespmem:$0x1A900] =	vst v63  }
0x19d: {  	_ =	swait.ge [sflag:s14], $0x6400  }
0x19e: {  	[sflag:s14] =	ssyncset.done $0x0  }
0x19f: {  	s28 =	rddreg [dreg:$0x11];
	[sflag:s14] =	ssyncadd.s32 $0xFFFF9C00  }
0x1a0: {  	[hbm4b:s28+s2] =	stream.linear.scatter [tilespmem:s12], [sflag:$0x6], $0x6400, $0x38;
	[tilespmem:$0x1A900] =	vst v63  }
0x1a1: {  	_ =	swait.ge [sflag:s6], $0x6400  }
0x1a2: {  	[sflag:s6] =	ssyncset.done $0x0  }
0x1a3: {  	s29 =	simm.s32 $0x1770;
	[sflag:s6] =	ssyncadd.s32 $0xFFFF9C00  }
0x1a4: {  	[tilespmem:s5], [sflag:$0x4] =	stream.indirect.gather [hbm4b:s3+s7], $0x40, s29, s7, $0xb8;
	[tilespmem:$0x1A900] =	vst v63  }
0x1a5: {  	_ =	swait.ge [sflag:s13], $0x6400  }
0x1a6: {  	[sflag:s13] =	ssyncset.done $0x0  }
0x1a7: {  	s30 =	rddreg [dreg:$0x12];
	[sflag:s13] =	ssyncadd.s32 $0xFFFF9C00  }
0x1a8: {  	[hbm4b:s30+s2] =	stream.linear.scatter [tilespmem:s9], [sflag:$0x7], $0x6400, $0x38;
	[tilespmem:$0x1A900] =	vst v63  }
0x1a9: {  	_ =	swait.ge [sflag:s11], $0x6400  }
0x1aa: {  	[sflag:s11] =	ssyncset.done $0x0  }
0x1ab: {  	s31 =	rddreg [dreg:$0x13];
	[sflag:s11] =	ssyncadd.s32 $0xFFFF9C00  }
0x1ac: {  	[hbm4b:s31+s2] =	stream.linear.scatter [tilespmem:s5], [sflag:$0x8], $0x6400, $0x38;
	[tilespmem:$0x1A900] =	vst v63  }
0x1ad: {  	_ =	swait.ge [sflag:s10], $0x6400  }
0x1ae: {  	[sflag:s10] =	ssyncset.done $0x0  }
0x1af: {  	[sflag:s10] =	ssyncadd.s32 $0xFFFF9C00  }
0x1b0: {  	_ =	swait.ge [sflag:s8], $0x6400  }
0x1b1: {  	[sflag:s8] =	ssyncset.done $0x0  }
0x1b2: {  	[sflag:s8] =	ssyncadd.s32 $0xFFFF9C00  }
0x1b3: {  	_ =	swait.ge [sflag:s6], $0x6400  }
0x1b4: {  	[sflag:s6] =	ssyncset.done $0x0  }
0x1b5: {  	[sflag:s6] =	ssyncadd.s32 $0xFFFF9C00  }
0x1b6: {  	_ =	swait.ge [sflag:s4], $0x6400  }
0x1b7: {  	[sflag:s4] =	ssyncset.done $0x0  }
0x1b8: {  	[sflag:s4] =	ssyncadd.s32 $0xFFFF9C00  }
0x1b9: {  	_ =	sfence.sel $0x180000  }
0x1ba: {  	[bflag:$0x0] =	sbarrier.arrive $0xFFFF  }
0x1bb: {  	_ =	strace $0x90000047  }
0x1bc: {  	[bflag:$0x2] =	sbarrier.arrive $0xFFFF  }
0x1bd: {  	p0 =	sne.s32 s17, $0x0;
	s0 =	rddreg [dreg:$0x2]  }
0x1be: {  	s0 =	sadd.s32 @!p0 $0x100000, s0  }
0x1bf: {  	[sflag:s0] =	ssyncadd.tile.s32 @!p0 $0x1;
	_ =	shalt  }
.LBB2_1:
.Ltmp3:
0x1c0: {  	(pc) =	sbr.rel .LBB2_6-.Ltmp3, $4  }
0x1c1: {  	s18 =	simm.s32 $0x4B0;
	s30 =	simm.s32 $0x640;
	s29 =	simm.s32 $0x7D0  }
0x1c2: {  	s28 =	simm.s32 $0x960;
	s26 =	simm.s32 $0xAF0;
	s25 =	simm.s32 $0xC80  }
0x1c3: {  	s24 =	simm.s32 $0xE10;
	s23 =	simm.s32 $0xFA0;
	s22 =	simm.s32 $0x1130  }
0x1c4: {  	s21 =	simm.s32 $0x12C0;
	s20 =	simm.s32 $0x1450;
	s19 =	simm.s32 $0x15E0  }
.LBB2_3:
.Ltmp4:
0x1c5: {  	s18 =	simm.s32 $0x4B0;
	(pc) =	sbr.rel .LBB2_6-.Ltmp4, $4  }
0x1c6: {  	s30 =	simm.s32 $0x640;
	s29 =	simm.s32 $0x7D0;
	s28 =	simm.s32 $0x960  }
0x1c7: {  	s26 =	simm.s32 $0xAF0;
	s25 =	simm.s32 $0xC80;
	s24 =	simm.s32 $0xE10  }
0x1c8: {  	s23 =	simm.s32 $0xFA0;
	s22 =	simm.s32 $0x1130;
	s21 =	simm.s32 $0x12C0  }
0x1c9: {  	s20 =	simm.s32 $0x1450;
	s19 =	simm.s32 $0x15E0;
	s17 =	stileid.u32  }
.Lfunc_end2:
_tile_overlayer_lowered:
.L_overlay_start_2:
0x1ca: {  	(tag) =	ssettag $0x2  }
0x1cb: {  	s0 =	rddreg [dreg:$0x0];
	s2 =	stileid.u32  }
0x1cc: {  	s1 =	rddreg [dreg:$0x1];
	p0 =	sne.s32 s2, $0x0  }
0x1cd: {  	s3 =	rddreg [dreg:$0x2];
	[bflag:$0x3] =	sbarrier.arrive $0xFFFF;
	s2 =	simm.s32 @!p0 $0x1C09  }
0x1ce: {  	[timem:s3], [sflag:s2] =	dma.local @!p0 [hbm:s0], s1  }
0x1cf: {  	s0 =	simm.s32 @!p0 $0x9  }
0x1d0: {  	_ =	swait.ge @!p0 [sflag:s0], s1  }
0x1d1: {  	s1 =	ssub.s32 @!p0 $0x0, s1;
	[sflag:s0] =	ssyncset.done @!p0 $0x0  }
0x1d2: {  	[sflag:s0] =	ssyncadd.s32 @!p0 s1  }
0x1d3: {  	[bflag:$0x3] =	sbarrier.arrive $0xFFFF  }
0x1d4: {  	_ =	shalt  }

</sc_bundles>
